<compile_context>
chip_gen: v7x
topology: tpu7x:2x2x1
jax: 0.10.2.dev20260603
libtpu: 0.0.44.dev20260713+nightly
codegen_flags: <defaults>
</compile_context>

<pallas_src>
import functools

import jax
import jax.numpy as jnp
from jax import lax
from jax.experimental import pallas as pl
from jax.experimental.pallas import tpu as pltpu
from jax.experimental.pallas import tpu_sc as plsc

N = 10000
NP = 10240
E = 320000
H = 128
TAU = 0.5

NC = 2
NS = 16
CHUNK = 125
NCH_DEG = E // (NC * NS) // CHUNK
NCH = E // NS // CHUNK
HW = 96
NG = 4
DW = 16
RPT = NP // NS
RB = 1000
GRID = N // RB

_mesh = plsc.VectorSubcoreMesh(core_axis_name="c", subcore_axis_name="s")
_sc_params = pltpu.CompilerParams(use_tc_tiling_on_sc=False)



@functools.partial(
    pl.kernel,
    out_type=jax.ShapeDtypeStruct((NC, NP, DW), jnp.float32),
    mesh=_mesh,
    scratch_types=[
        pltpu.VMEM((NCH_DEG, CHUNK), jnp.int32),
        pltpu.VMEM((CHUNK, DW), jnp.float32),
        pltpu.VMEM_SHARED((NP, DW), jnp.float32),
    ],
    compiler_params=_sc_params,
)
def _sc_degree(dstD, ones_hbm, zcol, out, dst_v, ones_v, acc):
    cid = lax.axis_index("c")
    sid = lax.axis_index("s")
    w = cid * NS + sid
    pltpu.sync_copy(dstD.at[w], dst_v)
    pltpu.sync_copy(ones_hbm, ones_v)
    r0 = sid * RPT
    pltpu.sync_copy(zcol.at[pl.ds(r0, RPT)], acc.at[pl.ds(r0, RPT)])
    plsc.subcore_barrier()

    def body(c, carry):
        pltpu.sync_copy(ones_v, acc.at[dst_v.at[c]], add=True)
        return carry

    lax.fori_loop(0, NCH_DEG, body, 0)
    plsc.subcore_barrier()
    pltpu.sync_copy(acc.at[pl.ds(r0, RPT)], out.at[cid, pl.ds(r0, RPT)])


@functools.partial(
    pl.kernel,
    out_type=jax.ShapeDtypeStruct((NG, NP, HW), jnp.float32),
    mesh=_mesh,
    scratch_types=[
        pltpu.VMEM((NCH, CHUNK), jnp.int32),
        pltpu.VMEM((NCH, CHUNK), jnp.int32),
        pltpu.VMEM((CHUNK, HW), jnp.float32),
        pltpu.VMEM_SHARED((NP, HW), jnp.float32),
        pltpu.SemaphoreType.DMA,
    ],
    compiler_params=_sc_params,
)
def _sc_scatter(y4, srcG, dstT, z, out, src_v, dst_v, gbuf, acc, sem):
    cid = lax.axis_index("c")
    sid = lax.axis_index("s")
    r0 = sid * RPT
    pltpu.sync_copy(dstT.at[sid], dst_v)
    for p in range(2):
        g = 2 * p + cid
        pltpu.sync_copy(srcG.at[g * NS + sid], src_v)
        pltpu.sync_copy(z.at[pl.ds(r0, RPT)], acc.at[pl.ds(r0, RPT)])
        plsc.subcore_barrier()

        def body(c, carry):
            pltpu.async_copy(y4.at[src_v.at[c]], gbuf, sem).wait()
            pltpu.sync_copy(gbuf, acc.at[dst_v.at[c]], add=True)
            return carry

        lax.fori_loop(0, NCH, body, 0)
        plsc.subcore_barrier()
        pltpu.sync_copy(acc.at[pl.ds(r0, RPT)], out.at[g, pl.ds(r0, RPT)])



def _full(shape):
    return pl.BlockSpec(shape, lambda i: tuple(0 for _ in shape))


def _rows(width):
    return pl.BlockSpec((RB, width), lambda i: (i, 0))


def _srows(lead, width):
    return pl.BlockSpec((lead, RB, width), lambda i: (0, i, 0))


def _dinv_of(degR):
    d = degR[...]
    return lax.rsqrt(d[0, :, 0:1] + d[1, :, 0:1] + 1.0)


def _fuse2(a, b, waT, wbT):
    sa = jnp.sum(a * waT, axis=1, keepdims=True)
    sb = jnp.sum(b * wbT, axis=1, keepdims=True)
    m = jnp.maximum(sa, sb)
    ea = jnp.exp(sa - m)
    eb = jnp.exp(sb - m)
    return (ea * a + eb * b) / (ea + eb)


def _scat(sp):
    s = sp[...]
    return jnp.concatenate([s[0], s[1], s[2], s[3]], axis=1)


def _tc_prep0_body(feats, degR, isq, qW0, W0, lqW, lqb, lfW, lfb,
                   fqaT, faT, fW0, y_out):
    dinv = _dinv_of(degR)
    iq = isq[...]
    ya = dinv * (iq * qW0[...])
    yb = dinv * jnp.dot(feats[...], W0[...], preferred_element_type=jnp.float32)
    q2 = iq * lqW[...] + lqb[...]
    f2 = jnp.dot(feats[...], lfW[...], preferred_element_type=jnp.float32) + lfb[...]
    hf_ = _fuse2(q2, f2, fqaT[...], faT[...])
    yc = dinv * jnp.dot(hf_, fW0[...], preferred_element_type=jnp.float32)
    y_out[...] = jnp.concatenate([ya, yb, yc], axis=1)


def _tc_mid_body(y, sp, degR, qW, Wm, fW, qb, bm, fb, qaT, aT, y_out):
    dinv = _dinv_of(degR)
    yv = y[...]
    sv = _scat(sp)
    hq = jnp.maximum(dinv * (sv[:, 0:H] + yv[:, 0:H]) + qb[...], 0.0)
    h = jnp.maximum(dinv * (sv[:, H:2 * H] + yv[:, H:2 * H]) + bm[...], 0.0)
    gf = dinv * (sv[:, 2 * H:] + yv[:, 2 * H:]) + fb[...]
    hf = jnp.maximum(_fuse2(hq, h, qaT[...], aT[...]) + gf, 0.0)
    y_out[...] = jnp.concatenate([
        dinv * jnp.dot(hq, qW[...], preferred_element_type=jnp.float32),
        dinv * jnp.dot(h, Wm[...], preferred_element_type=jnp.float32),
        dinv * jnp.dot(hf, fW[...], preferred_element_type=jnp.float32),
    ], axis=1)


def _tc_last_body(y, sp, degR, isq, qb, bm, fb, qaT, aT,
                  mlpW1, mlpb1, mlpW2, mlpb2, h_out, hv_out):
    i = pl.program_id(0)
    dinv = _dinv_of(degR)
    yv = y[...]
    sv = _scat(sp)
    hq = dinv * (sv[:, 0:H] + yv[:, 0:H]) + qb[...]
    h = dinv * (sv[:, H:2 * H] + yv[:, H:2 * H]) + bm[...]
    gf = dinv * (sv[:, 2 * H:] + yv[:, 2 * H:]) + fb[...]
    hf = _fuse2(hq, h, qaT[...], aT[...]) + gf
    t = jnp.maximum(jnp.dot(hf, mlpW1[...], preferred_element_type=jnp.float32)
                    + mlpb1[...], 0.0)
    hfin = jnp.dot(t, mlpW2[...], preferred_element_type=jnp.float32) + mlpb2[...]
    h_out[...] = hfin

    @pl.when(i == 0)
    def _():
        hv_out[...] = jnp.zeros_like(hv_out)

    hv_out[...] += jnp.sum(isq[...] * hfin, axis=0, keepdims=True)


def _tc_loss_body(h, hv, sel, part_out):
    i = pl.program_id(0)
    hval = h[...]
    hvv = hv[...]
    num = jnp.sum(hval * hvv, axis=1, keepdims=True)
    nh = jnp.sqrt(jnp.sum(hval * hval, axis=1, keepdims=True))
    nv = jnp.sqrt(jnp.sum(hvv * hvv))
    s = num / jnp.maximum(nh * nv, 1e-8) / TAU
    sim = jnp.exp(s)
    selv = sel[...]
    lane = lax.broadcasted_iota(jnp.int32, (1, H), 1)
    row = (jnp.where(lane == 0, jnp.sum(sim), 0.0)
           + jnp.where(lane == 1, jnp.sum(selv * s), 0.0)
           + jnp.where(lane == 2, jnp.sum(selv), 0.0))

    @pl.when(i == 0)
    def _():
        part_out[...] = jnp.zeros_like(part_out)

    part_out[...] += row


def _prep0(feats, degp, isq, qW0, W0, lqW, lqb, lfW, lfb, fqaT, faT, fW0):
    return pl.pallas_call(
        _tc_prep0_body,
        grid=(GRID,),
        in_specs=[_rows(H), _srows(NC, DW), _rows(1),
                  _full((1, H)), _full((H, H)), _full((1, H)), _full((1, H)),
                  _full((H, H)), _full((1, H)), _full((1, H)), _full((1, H)),
                  _full((H, H))],
        out_specs=_rows(3 * H),
        out_shape=jax.ShapeDtypeStruct((N, 3 * H), jnp.float32),
    )(feats, degp, isq, qW0, W0, lqW, lqb, lfW, lfb, fqaT, faT, fW0)


def _mid(y, sp, degp, qW, Wm, fW, qb, bm, fb, qaT, aT):
    return pl.pallas_call(
        _tc_mid_body,
        grid=(GRID,),
        in_specs=[_rows(3 * H), _srows(NG, HW), _srows(NC, DW),
                  _full((H, H)), _full((H, H)), _full((H, H)),
                  _full((1, H)), _full((1, H)), _full((1, H)),
                  _full((1, H)), _full((1, H))],
        out_specs=_rows(3 * H),
        out_shape=jax.ShapeDtypeStruct((N, 3 * H), jnp.float32),
    )(y, sp, degp, qW, Wm, fW, qb, bm, fb, qaT, aT)


def _last(y, sp, degp, isq, qb, bm, fb, qaT, aT, mlpW1, mlpb1, mlpW2, mlpb2):
    return pl.pallas_call(
        _tc_last_body,
        grid=(GRID,),
        in_specs=[_rows(3 * H), _srows(NG, HW), _srows(NC, DW), _rows(1),
                  _full((1, H)), _full((1, H)), _full((1, H)),
                  _full((1, H)), _full((1, H)),
                  _full((H, H)), _full((1, H)), _full((H, H)), _full((1, H))],
        out_specs=[_rows(H), pl.BlockSpec((1, H), lambda i: (0, 0))],
        out_shape=[jax.ShapeDtypeStruct((N, H), jnp.float32),
                   jax.ShapeDtypeStruct((1, H), jnp.float32)],
    )(y, sp, degp, isq, qb, bm, fb, qaT, aT, mlpW1, mlpb1, mlpW2, mlpb2)


def _loss_parts(h, hv, sel):
    return pl.pallas_call(
        _tc_loss_body,
        grid=(GRID,),
        in_specs=[_rows(H), _full((1, H)), _rows(1)],
        out_specs=pl.BlockSpec((1, H), lambda i: (0, 0)),
        out_shape=jax.ShapeDtypeStruct((1, H), jnp.float32),
    )(h, hv, sel)



def kernel(feats, edge_index, q, pos, qW0, qb0, qWs, qbs, W0, b0, Ws, bs,
           fWs, fbs, q_atts, atts, fq_att, f_att, mlpW1, mlpb1, mlpW2, mlpb2,
           lqW, lqb, lfW, lfb):
    f32 = jnp.float32
    src = edge_index[0].astype(jnp.int32)
    dst = edge_index[1].astype(jnp.int32)

    dstD = dst.reshape(NC * NS, NCH_DEG, CHUNK)
    src4 = jnp.concatenate([NG * src + g for g in range(NG)]).reshape(
        NG * NS, NCH, CHUNK)
    dstT = dst.reshape(NS, NCH, CHUNK)
    ones_c = jnp.ones((CHUNK, DW), f32)
    zcol = jnp.zeros((NP, DW), f32)
    zacc = jnp.zeros((NP, HW), f32)

    qi = jnp.asarray(q, jnp.int32)
    rows = jnp.arange(N, dtype=jnp.int32)
    isq = (rows == qi).astype(f32).reshape(N, 1)
    selb = jnp.zeros((N,), bool).at[pos].set(True).at[qi].set(False)
    sel = selb.astype(f32).reshape(N, 1)

    r1 = lambda v: v.reshape(1, H).astype(f32)
    qW0r, lqWr, lqbr, lfbr = r1(qW0), r1(lqW), r1(lqb), r1(lfb)
    qb0r, b0r = r1(qb0), r1(b0)
    fqaT, faT = r1(fq_att), r1(f_att)
    qaT = [r1(q_atts[k]) for k in range(3)]
    aT = [r1(atts[k]) for k in range(3)]
    fbr = [r1(fbs[k]) for k in range(3)]
    qbsr = [r1(qbs[k]) for k in range(2)]
    bsr = [r1(bs[k]) for k in range(2)]
    mlpb1r, mlpb2r = r1(mlpb1), r1(mlpb2)

    degp = _sc_degree(dstD, ones_c, zcol)

    y0 = _prep0(feats.astype(f32), degp, isq, qW0r, W0.astype(f32),
                lqWr, lqbr, lfW.astype(f32), lfbr, fqaT, faT, fWs[0].astype(f32))
    s0 = _sc_scatter(y0.reshape(NG * N, HW), src4, dstT, zacc)

    y1 = _mid(y0, s0, degp, qWs[0].astype(f32), Ws[0].astype(f32),
              fWs[1].astype(f32), qb0r, b0r, fbr[0], qaT[0], aT[0])
    s1 = _sc_scatter(y1.reshape(NG * N, HW), src4, dstT, zacc)

    y2 = _mid(y1, s1, degp, qWs[1].astype(f32), Ws[1].astype(f32),
              fWs[2].astype(f32), qbsr[0], bsr[0], fbr[1], qaT[1], aT[1])
    s2 = _sc_scatter(y2.reshape(NG * N, HW), src4, dstT, zacc)

    h_, hv = _last(y2, s2, degp, isq, qbsr[1], bsr[1], fbr[2],
                   qaT[2], aT[2], mlpW1.astype(f32), mlpb1r,
                   mlpW2.astype(f32), mlpb2r)

    p = _loss_parts(h_, hv, sel)[0]
    loss = -(p[1] - p[2] * jnp.log(p[0])) / p[2]
    return loss, h_

# --- scband reference (transcript-rebuilt; emitter-appended) ---
"""Pipeline reference for scband-emb-learner-without-hyper-74749610820268 (READ-ONLY COPY).

The authoritative reference and input builder live on the scoring server;
editing this copy changes nothing except your own understanding.
"""

import jax, jax.numpy as jnp
import numpy as np

N = 10000
E = 320000
D = 128
H = 128
TAU = 0.5


def gcn(x, edge_index, W, b):
    n = x.shape[0]
    loop = jnp.arange(n, dtype=edge_index.dtype)
    src = jnp.concatenate([edge_index[0], loop])
    dst = jnp.concatenate([edge_index[1], loop])
    deg = jax.ops.segment_sum(jnp.ones(src.shape[0], x.dtype), dst, num_segments=n)
    dinv = jnp.where(deg > 0, deg ** -0.5, 0.0)
    norm = dinv[src] * dinv[dst]
    msg = (x @ W)[src] * norm[:, None]
    return jax.ops.segment_sum(msg, dst, num_segments=n) + b


def fuse(a, b, wa, wb):
    co = jax.nn.softmax(jnp.concatenate([a @ wa, b @ wb], axis=1), axis=1)[:, :, None]
    return jnp.sum(co * jnp.stack([a, b], axis=1), axis=1)


def setup_inputs(seed: int = 0):
    key = jax.random.key(seed)
    ks = jax.random.split(key, 32)
    s = 0.05
    inp = {}
    inp["feats"] = jax.random.normal(ks[0], (N, D), jnp.float32)
    inp["edge_index"] = jax.random.randint(ks[1], (2, E), 0, N, dtype=jnp.int32)
    inp["q"] = 123
    inp["pos"] = jax.random.randint(ks[2], (32,), 0, N, dtype=jnp.int32)
    inp["qW0"] = jax.random.normal(ks[3], (1, H)) * s
    inp["qb0"] = jnp.zeros((H,))
    inp["qWs"] = jax.random.normal(ks[4], (2, H, H)) * s
    inp["qbs"] = jnp.zeros((2, H))
    inp["W0"] = jax.random.normal(ks[5], (D, H)) * s
    inp["b0"] = jnp.zeros((H,))
    inp["Ws"] = jax.random.normal(ks[6], (2, H, H)) * s
    inp["bs"] = jnp.zeros((2, H))
    inp["fWs"] = jax.random.normal(ks[7], (3, H, H)) * s
    inp["fbs"] = jnp.zeros((3, H))
    inp["q_atts"] = jax.random.normal(ks[8], (3, H, 1)) * s
    inp["atts"] = jax.random.normal(ks[9], (3, H, 1)) * s
    inp["fq_att"] = jax.random.normal(ks[10], (H, 1)) * s
    inp["f_att"] = jax.random.normal(ks[11], (H, 1)) * s
    inp["mlpW1"] = jax.random.normal(ks[12], (H, H)) * s
    inp["mlpb1"] = jnp.zeros((H,))
    inp["mlpW2"] = jax.random.normal(ks[13], (H, H)) * s
    inp["mlpb2"] = jnp.zeros((H,))
    inp["lqW"] = jax.random.normal(ks[14], (1, H)) * s
    inp["lqb"] = jnp.zeros((H,))
    inp["lfW"] = jax.random.normal(ks[15], (D, H)) * s
    inp["lfb"] = jnp.zeros((H,))
    return inp


def _forward(feats, edge_index, q, sel_mask, qW0, qb0, qWs, qbs, W0, b0, Ws, bs, fWs, fbs, q_atts, atts, fq_att, f_att, mlpW1, mlpb1, mlpW2, mlpb2, lqW, lqb, lfW, lfb):
    n = feats.shape[0]
    querys = jnp.zeros((n, 1), feats.dtype).at[q].set(1.0)
    # layer 0
    hq = jax.nn.relu(gcn(querys, edge_index, qW0, qb0))
    h = jax.nn.relu(gcn(feats, edge_index, W0, b0))
    hf = fuse(hq, h, q_atts[0], atts[0])
    querys2 = querys @ lqW + lqb
    feats2 = feats @ lfW + lfb
    hf_ = fuse(querys2, feats2, fq_att, f_att)
    hf = jax.nn.relu(hf + gcn(hf_, edge_index, fWs[0], fbs[0]))
    # middle layer (num_layers - 2 = 1 iteration); dropout p=0.0 -> identity
    hq = jax.nn.relu(gcn(hq, edge_index, qWs[0], qbs[0]))
    h = jax.nn.relu(gcn(h, edge_index, Ws[0], bs[0]))
    hfx = fuse(hq, h, q_atts[1], atts[1])
    hf = jax.nn.relu(hfx + gcn(hf, edge_index, fWs[1], fbs[1]))
    # last layer
    hq = gcn(hq, edge_index, qWs[1], qbs[1])
    h = gcn(h, edge_index, Ws[1], bs[1])
    hfx = fuse(hq, h, q_atts[2], atts[2])
    hf = hfx + gcn(hf, edge_index, fWs[2], fbs[2])
    h_ = jax.nn.relu(hf @ mlpW1 + mlpb1) @ mlpW2 + mlpb2
    # Contra loss (training branch)
    hv = h_[q]
    num = h_ @ hv
    denom = jnp.linalg.norm(h_, axis=1) * jnp.linalg.norm(hv)
    sim = jnp.exp(num / jnp.maximum(denom, 1e-8) / TAU)
    logterm = jnp.log(sim / jnp.sum(sim))
    cnt = jnp.sum(sel_mask)
    loss = -jnp.sum(jnp.where(sel_mask, logterm, jnp.zeros((), logterm.dtype))) / cnt
    return loss, h_


def reference(feats, edge_index, q, pos, qW0, qb0, qWs, qbs, W0, b0, Ws, bs, fWs, fbs, q_atts, atts, fq_att, f_att, mlpW1, mlpb1, mlpW2, mlpb2, lqW, lqb, lfW, lfb):
    sel_mask = jnp.zeros(feats.shape[0], dtype=bool).at[pos].set(True).at[q].set(False)
    return _forward(feats, edge_index, q, sel_mask, qW0, qb0, qWs, qbs, W0, b0, Ws, bs, fWs, fbs, q_atts, atts, fq_att, f_att, mlpW1, mlpb1, mlpW2, mlpb2, lqW, lqb, lfW, lfb)

if __name__ == "__main__":
    import jax
    _d = setup_inputs()
    print(jax.jit(kernel)(*tuple(_d.values())))

</pallas_src>

<mosaic_0001>
#map = affine_map<(d0, d1) -> (0, 0)>
#map1 = affine_map<(d0, d1) -> (0, 0, 0)>
module attributes {stable_mosaic.version = 14 : i64} {
  func.func @_sc_scatter(%arg0: i32, %arg1: i32, %arg2: memref<40000x96xf32, #tpu.memory_space<hbm>>, %arg3: memref<64x160x125xi32, #tpu.memory_space<hbm>>, %arg4: memref<16x160x125xi32, #tpu.memory_space<hbm>>, %arg5: memref<10240x96xf32, #tpu.memory_space<hbm>>, %arg6: memref<4x10240x96xf32, #tpu.memory_space<hbm>>, %arg7: memref<160x125xi32, #tpu.memory_space<vmem>>, %arg8: memref<160x125xi32, #tpu.memory_space<vmem>>, %arg9: memref<125x96xf32, #tpu.memory_space<vmem>>, %arg10: memref<10240x96xf32, #tpu.memory_space<vmem_shared>>, %arg11: memref<!tpu.dma_semaphore, #tpu.memory_space<semaphore_mem>>) attributes {dimension_semantics = [#tpu.dimension_semantics<core_parallel>, #tpu.dimension_semantics<subcore_parallel>], iteration_bounds = array<i64: 2, 16>, scalar_prefetch = 0 : i64, scratch_operands = 5 : i64, tpu.core_type = #tpu.core_type<sc_vector_subcore>, window_params = [{transform_indices = #map}, {transform_indices = #map1}, {transform_indices = #map1}, {transform_indices = #map}, {transform_indices = #map1}]} {
    %mul3A = arith.constant 640 : i32
    %mul3A_0 = arith.muli %arg1, %mul3A : i32
    "tpu.region"() ({
      %run_scoped3A = tpu.sem_alloc : memref<!tpu.dma_semaphore, #tpu.memory_space<semaphore_mem>>
      %dma_start3A = arith.constant 0 : i32
      %dma_start3A_24 = arith.constant 0 : i32
      %dma_start3A_25 = tpu.memref_slice %arg4[%arg1, %dma_start3A, %dma_start3A_24] : memref<16x160x125xi32, #tpu.memory_space<hbm>> -> memref<1x160x125xi32, #tpu.memory_space<hbm>>
      %dma_start3A_26 = tpu.memref_squeeze %dma_start3A_25 : memref<1x160x125xi32, #tpu.memory_space<hbm>> -> memref<160x125xi32, #tpu.memory_space<hbm>>
      %dma_start3A_27 = arith.constant 0 : i32
      %dma_start3A_28 = arith.constant 0 : i32
      %dma_start3A_29 = tpu.memref_slice %arg4[%arg1, %dma_start3A_27, %dma_start3A_28] : memref<16x160x125xi32, #tpu.memory_space<hbm>> -> memref<1x160x125xi32, #tpu.memory_space<hbm>>
      %dma_start3A_30 = tpu.memref_squeeze %dma_start3A_29 : memref<1x160x125xi32, #tpu.memory_space<hbm>> -> memref<160x125xi32, #tpu.memory_space<hbm>>
      tpu.enqueue_dma source(%dma_start3A_30 : memref<160x125xi32, #tpu.memory_space<hbm>>) target(%arg8 : memref<160x125xi32, #tpu.memory_space<vmem>>) target_semaphore(%run_scoped3A : memref<!tpu.dma_semaphore, #tpu.memory_space<semaphore_mem>>)
      %dma_wait3A = arith.constant 0 : i32
      %dma_wait3A_31 = arith.constant 0 : i32
      %dma_wait3A_32 = tpu.memref_slice %arg4[%arg1, %dma_wait3A, %dma_wait3A_31] : memref<16x160x125xi32, #tpu.memory_space<hbm>> -> memref<1x160x125xi32, #tpu.memory_space<hbm>>
      %dma_wait3A_33 = tpu.memref_squeeze %dma_wait3A_32 : memref<1x160x125xi32, #tpu.memory_space<hbm>> -> memref<160x125xi32, #tpu.memory_space<hbm>>
      %dma_wait3A_34 = arith.constant 0 : i32
      %dma_wait3A_35 = arith.constant 0 : i32
      %dma_wait3A_36 = tpu.memref_slice %arg4[%arg1, %dma_wait3A_34, %dma_wait3A_35] : memref<16x160x125xi32, #tpu.memory_space<hbm>> -> memref<1x160x125xi32, #tpu.memory_space<hbm>>
      %dma_wait3A_37 = tpu.memref_squeeze %dma_wait3A_36 : memref<1x160x125xi32, #tpu.memory_space<hbm>> -> memref<160x125xi32, #tpu.memory_space<hbm>>
      tpu.wait_dma2 semaphore(%run_scoped3A : memref<!tpu.dma_semaphore, #tpu.memory_space<semaphore_mem>>) src(%dma_wait3A_37 : memref<160x125xi32, #tpu.memory_space<hbm>>) dst(%arg8 : memref<160x125xi32, #tpu.memory_space<vmem>>)
      tpu.yield
    }) : () -> ()
    %add3A = arith.constant 0 : i32
    %add3A_1 = arith.addi %add3A, %arg0 : i32
    %mul3A_2 = arith.constant 16 : i32
    %mul3A_3 = arith.muli %add3A_1, %mul3A_2 : i32
    %add3A_4 = arith.addi %mul3A_3, %arg1 : i32
    "tpu.region"() ({
      %run_scoped3A = tpu.sem_alloc : memref<!tpu.dma_semaphore, #tpu.memory_space<semaphore_mem>>
      %dma_start3A = arith.constant 0 : i32
      %dma_start3A_24 = arith.constant 0 : i32
      %dma_start3A_25 = tpu.memref_slice %arg3[%add3A_4, %dma_start3A, %dma_start3A_24] : memref<64x160x125xi32, #tpu.memory_space<hbm>> -> memref<1x160x125xi32, #tpu.memory_space<hbm>>
      %dma_start3A_26 = tpu.memref_squeeze %dma_start3A_25 : memref<1x160x125xi32, #tpu.memory_space<hbm>> -> memref<160x125xi32, #tpu.memory_space<hbm>>
      %dma_start3A_27 = arith.constant 0 : i32
      %dma_start3A_28 = arith.constant 0 : i32
      %dma_start3A_29 = tpu.memref_slice %arg3[%add3A_4, %dma_start3A_27, %dma_start3A_28] : memref<64x160x125xi32, #tpu.memory_space<hbm>> -> memref<1x160x125xi32, #tpu.memory_space<hbm>>
      %dma_start3A_30 = tpu.memref_squeeze %dma_start3A_29 : memref<1x160x125xi32, #tpu.memory_space<hbm>> -> memref<160x125xi32, #tpu.memory_space<hbm>>
      tpu.enqueue_dma source(%dma_start3A_30 : memref<160x125xi32, #tpu.memory_space<hbm>>) target(%arg7 : memref<160x125xi32, #tpu.memory_space<vmem>>) target_semaphore(%run_scoped3A : memref<!tpu.dma_semaphore, #tpu.memory_space<semaphore_mem>>)
      %dma_wait3A = arith.constant 0 : i32
      %dma_wait3A_31 = arith.constant 0 : i32
      %dma_wait3A_32 = tpu.memref_slice %arg3[%add3A_4, %dma_wait3A, %dma_wait3A_31] : memref<64x160x125xi32, #tpu.memory_space<hbm>> -> memref<1x160x125xi32, #tpu.memory_space<hbm>>
      %dma_wait3A_33 = tpu.memref_squeeze %dma_wait3A_32 : memref<1x160x125xi32, #tpu.memory_space<hbm>> -> memref<160x125xi32, #tpu.memory_space<hbm>>
      %dma_wait3A_34 = arith.constant 0 : i32
      %dma_wait3A_35 = arith.constant 0 : i32
      %dma_wait3A_36 = tpu.memref_slice %arg3[%add3A_4, %dma_wait3A_34, %dma_wait3A_35] : memref<64x160x125xi32, #tpu.memory_space<hbm>> -> memref<1x160x125xi32, #tpu.memory_space<hbm>>
      %dma_wait3A_37 = tpu.memref_squeeze %dma_wait3A_36 : memref<1x160x125xi32, #tpu.memory_space<hbm>> -> memref<160x125xi32, #tpu.memory_space<hbm>>
      tpu.wait_dma2 semaphore(%run_scoped3A : memref<!tpu.dma_semaphore, #tpu.memory_space<semaphore_mem>>) src(%dma_wait3A_37 : memref<160x125xi32, #tpu.memory_space<hbm>>) dst(%arg7 : memref<160x125xi32, #tpu.memory_space<vmem>>)
      tpu.yield
    }) : () -> ()
    "tpu.region"() ({
      %run_scoped3A = tpu.sem_alloc : memref<!tpu.dma_semaphore, #tpu.memory_space<semaphore_mem>>
      %dma_start3A = arith.constant 0 : i32
      %dma_start3A_24 = tpu.memref_slice %arg10[%mul3A_0, %dma_start3A] : memref<10240x96xf32, #tpu.memory_space<vmem_shared>> -> memref<640x96xf32, #tpu.memory_space<vmem_shared>>
      %dma_start3A_25 = arith.constant 0 : i32
      %dma_start3A_26 = tpu.memref_slice %arg5[%mul3A_0, %dma_start3A_25] : memref<10240x96xf32, #tpu.memory_space<hbm>> -> memref<640x96xf32, #tpu.memory_space<hbm>>
      tpu.enqueue_dma source(%dma_start3A_26 : memref<640x96xf32, #tpu.memory_space<hbm>>) target(%dma_start3A_24 : memref<640x96xf32, #tpu.memory_space<vmem_shared>>) target_semaphore(%run_scoped3A : memref<!tpu.dma_semaphore, #tpu.memory_space<semaphore_mem>>)
      %dma_wait3A = arith.constant 0 : i32
      %dma_wait3A_27 = tpu.memref_slice %arg10[%mul3A_0, %dma_wait3A] : memref<10240x96xf32, #tpu.memory_space<vmem_shared>> -> memref<640x96xf32, #tpu.memory_space<vmem_shared>>
      %dma_wait3A_28 = arith.constant 0 : i32
      %dma_wait3A_29 = tpu.memref_slice %arg5[%mul3A_0, %dma_wait3A_28] : memref<10240x96xf32, #tpu.memory_space<hbm>> -> memref<640x96xf32, #tpu.memory_space<hbm>>
      tpu.wait_dma2 semaphore(%run_scoped3A : memref<!tpu.dma_semaphore, #tpu.memory_space<semaphore_mem>>) src(%dma_wait3A_29 : memref<640x96xf32, #tpu.memory_space<hbm>>) dst(%dma_wait3A_27 : memref<640x96xf32, #tpu.memory_space<vmem_shared>>)
      tpu.yield
    }) : () -> ()
    %barrier3A = arith.constant 0 : index
    tpu.barrier barrier_id(%barrier3A)
    %scan3A = arith.constant 0 : i32
    %scan3A_5 = arith.constant 0 : i32
    %scan3A_6 = arith.constant 160 : i32
    %scan3A_7 = arith.addi %scan3A_5, %scan3A_6 : i32
    %scan3A_8 = arith.constant 1 : i32
    scf.for %scan3A_24 = %scan3A_5 to %scan3A_7 step %scan3A_8  : i32 {
      %dma_start3A = arith.constant 0 : i32
      %dma_start3A_25 = tpu.memref_slice %arg7[%scan3A_24, %dma_start3A] : memref<160x125xi32, #tpu.memory_space<vmem>> -> memref<1x125xi32, #tpu.memory_space<vmem>>
      %dma_start3A_26 = tpu.memref_squeeze %dma_start3A_25 : memref<1x125xi32, #tpu.memory_space<vmem>> -> memref<125xi32, #tpu.memory_space<vmem>>
      %dma_start3A_27 = arith.constant 0 : i32
      %dma_start3A_28 = arith.constant 0 : i32
      %dma_start3A_29 = tpu.memref_slice %arg2[%dma_start3A_27, %dma_start3A_28] : memref<40000x96xf32, #tpu.memory_space<hbm>> -> memref<40000x96xf32, #tpu.memory_space<hbm>>
      tpu.enqueue_indirect_dma source(%dma_start3A_29 : memref<40000x96xf32, #tpu.memory_space<hbm>>) target(%arg9 : memref<125x96xf32, #tpu.memory_space<vmem>>) offsets(%dma_start3A_26 : memref<125xi32, #tpu.memory_space<vmem>>) semaphore(%arg11 : memref<!tpu.dma_semaphore, #tpu.memory_space<semaphore_mem>>)
      %dma_wait3A = arith.constant 0 : i32
      %dma_wait3A_30 = tpu.memref_slice %arg7[%scan3A_24, %dma_wait3A] : memref<160x125xi32, #tpu.memory_space<vmem>> -> memref<1x125xi32, #tpu.memory_space<vmem>>
      %dma_wait3A_31 = tpu.memref_squeeze %dma_wait3A_30 : memref<1x125xi32, #tpu.memory_space<vmem>> -> memref<125xi32, #tpu.memory_space<vmem>>
      %dma_wait3A_32 = arith.constant 0 : i32
      %dma_wait3A_33 = arith.constant 0 : i32
      %dma_wait3A_34 = tpu.memref_slice %arg2[%dma_wait3A_32, %dma_wait3A_33] : memref<40000x96xf32, #tpu.memory_space<hbm>> -> memref<40000x96xf32, #tpu.memory_space<hbm>>
      tpu.wait_indirect_dma semaphore(%arg11 : memref<!tpu.dma_semaphore, #tpu.memory_space<semaphore_mem>>) src(%dma_wait3A_34 : memref<40000x96xf32, #tpu.memory_space<hbm>>) dst(%arg9 : memref<125x96xf32, #tpu.memory_space<vmem>>)
      "tpu.region"() ({
        %run_scoped3A = tpu.sem_alloc : memref<!tpu.dma_semaphore, #tpu.memory_space<semaphore_mem>>
        %dma_start3A_35 = arith.constant 0 : i32
        %dma_start3A_36 = tpu.memref_slice %arg8[%scan3A_24, %dma_start3A_35] : memref<160x125xi32, #tpu.memory_space<vmem>> -> memref<1x125xi32, #tpu.memory_space<vmem>>
        %dma_start3A_37 = tpu.memref_squeeze %dma_start3A_36 : memref<1x125xi32, #tpu.memory_space<vmem>> -> memref<125xi32, #tpu.memory_space<vmem>>
        %dma_start3A_38 = arith.constant 0 : i32
        %dma_start3A_39 = arith.constant 0 : i32
        %dma_start3A_40 = tpu.memref_slice %arg10[%dma_start3A_38, %dma_start3A_39] : memref<10240x96xf32, #tpu.memory_space<vmem_shared>> -> memref<10240x96xf32, #tpu.memory_space<vmem_shared>>
        tpu.enqueue_indirect_dma source(%arg9 : memref<125x96xf32, #tpu.memory_space<vmem>>) target(%dma_start3A_40 : memref<10240x96xf32, #tpu.memory_space<vmem_shared>>) offsets(%dma_start3A_37 : memref<125xi32, #tpu.memory_space<vmem>>) semaphore(%run_scoped3A : memref<!tpu.dma_semaphore, #tpu.memory_space<semaphore_mem>>) {add = true}
        %dma_wait3A_41 = arith.constant 0 : i32
        %dma_wait3A_42 = tpu.memref_slice %arg8[%scan3A_24, %dma_wait3A_41] : memref<160x125xi32, #tpu.memory_space<vmem>> -> memref<1x125xi32, #tpu.memory_space<vmem>>
        %dma_wait3A_43 = tpu.memref_squeeze %dma_wait3A_42 : memref<1x125xi32, #tpu.memory_space<vmem>> -> memref<125xi32, #tpu.memory_space<vmem>>
        %dma_wait3A_44 = arith.constant 0 : i32
        %dma_wait3A_45 = arith.constant 0 : i32
        %dma_wait3A_46 = tpu.memref_slice %arg10[%dma_wait3A_44, %dma_wait3A_45] : memref<10240x96xf32, #tpu.memory_space<vmem_shared>> -> memref<10240x96xf32, #tpu.memory_space<vmem_shared>>
        tpu.wait_indirect_dma semaphore(%run_scoped3A : memref<!tpu.dma_semaphore, #tpu.memory_space<semaphore_mem>>) src(%arg9 : memref<125x96xf32, #tpu.memory_space<vmem>>) dst(%dma_wait3A_46 : memref<10240x96xf32, #tpu.memory_space<vmem_shared>>)
        tpu.yield
      }) : () -> ()
    }
    %scan3A_9 = arith.constant 160 : i32
    %barrier3A_10 = arith.constant 0 : index
    tpu.barrier barrier_id(%barrier3A_10)
    "tpu.region"() ({
      %run_scoped3A = tpu.sem_alloc : memref<!tpu.dma_semaphore, #tpu.memory_space<semaphore_mem>>
      %dma_start3A = arith.constant 0 : i32
      %dma_start3A_24 = tpu.memref_slice %arg6[%add3A_1, %mul3A_0, %dma_start3A] : memref<4x10240x96xf32, #tpu.memory_space<hbm>> -> memref<1x640x96xf32, #tpu.memory_space<hbm>>
      %dma_start3A_25 = tpu.memref_squeeze %dma_start3A_24 : memref<1x640x96xf32, #tpu.memory_space<hbm>> -> memref<640x96xf32, #tpu.memory_space<hbm>>
      %dma_start3A_26 = arith.constant 0 : i32
      %dma_start3A_27 = tpu.memref_slice %arg10[%mul3A_0, %dma_start3A_26] : memref<10240x96xf32, #tpu.memory_space<vmem_shared>> -> memref<640x96xf32, #tpu.memory_space<vmem_shared>>
      tpu.enqueue_dma source(%dma_start3A_27 : memref<640x96xf32, #tpu.memory_space<vmem_shared>>) target(%dma_start3A_25 : memref<640x96xf32, #tpu.memory_space<hbm>>) target_semaphore(%run_scoped3A : memref<!tpu.dma_semaphore, #tpu.memory_space<semaphore_mem>>)
      %dma_wait3A = arith.constant 0 : i32
      %dma_wait3A_28 = tpu.memref_slice %arg6[%add3A_1, %mul3A_0, %dma_wait3A] : memref<4x10240x96xf32, #tpu.memory_space<hbm>> -> memref<1x640x96xf32, #tpu.memory_space<hbm>>
      %dma_wait3A_29 = tpu.memref_squeeze %dma_wait3A_28 : memref<1x640x96xf32, #tpu.memory_space<hbm>> -> memref<640x96xf32, #tpu.memory_space<hbm>>
      %dma_wait3A_30 = arith.constant 0 : i32
      %dma_wait3A_31 = tpu.memref_slice %arg10[%mul3A_0, %dma_wait3A_30] : memref<10240x96xf32, #tpu.memory_space<vmem_shared>> -> memref<640x96xf32, #tpu.memory_space<vmem_shared>>
      tpu.wait_dma2 semaphore(%run_scoped3A : memref<!tpu.dma_semaphore, #tpu.memory_space<semaphore_mem>>) src(%dma_wait3A_31 : memref<640x96xf32, #tpu.memory_space<vmem_shared>>) dst(%dma_wait3A_29 : memref<640x96xf32, #tpu.memory_space<hbm>>)
      tpu.yield
    }) : () -> ()
    %add3A_11 = arith.constant 2 : i32
    %add3A_12 = arith.addi %add3A_11, %arg0 : i32
    %mul3A_13 = arith.constant 16 : i32
    %mul3A_14 = arith.muli %add3A_12, %mul3A_13 : i32
    %add3A_15 = arith.addi %mul3A_14, %arg1 : i32
    "tpu.region"() ({
      %run_scoped3A = tpu.sem_alloc : memref<!tpu.dma_semaphore, #tpu.memory_space<semaphore_mem>>
      %dma_start3A = arith.constant 0 : i32
      %dma_start3A_24 = arith.constant 0 : i32
      %dma_start3A_25 = tpu.memref_slice %arg3[%add3A_15, %dma_start3A, %dma_start3A_24] : memref<64x160x125xi32, #tpu.memory_space<hbm>> -> memref<1x160x125xi32, #tpu.memory_space<hbm>>
      %dma_start3A_26 = tpu.memref_squeeze %dma_start3A_25 : memref<1x160x125xi32, #tpu.memory_space<hbm>> -> memref<160x125xi32, #tpu.memory_space<hbm>>
      %dma_start3A_27 = arith.constant 0 : i32
      %dma_start3A_28 = arith.constant 0 : i32
      %dma_start3A_29 = tpu.memref_slice %arg3[%add3A_15, %dma_start3A_27, %dma_start3A_28] : memref<64x160x125xi32, #tpu.memory_space<hbm>> -> memref<1x160x125xi32, #tpu.memory_space<hbm>>
      %dma_start3A_30 = tpu.memref_squeeze %dma_start3A_29 : memref<1x160x125xi32, #tpu.memory_space<hbm>> -> memref<160x125xi32, #tpu.memory_space<hbm>>
      tpu.enqueue_dma source(%dma_start3A_30 : memref<160x125xi32, #tpu.memory_space<hbm>>) target(%arg7 : memref<160x125xi32, #tpu.memory_space<vmem>>) target_semaphore(%run_scoped3A : memref<!tpu.dma_semaphore, #tpu.memory_space<semaphore_mem>>)
      %dma_wait3A = arith.constant 0 : i32
      %dma_wait3A_31 = arith.constant 0 : i32
      %dma_wait3A_32 = tpu.memref_slice %arg3[%add3A_15, %dma_wait3A, %dma_wait3A_31] : memref<64x160x125xi32, #tpu.memory_space<hbm>> -> memref<1x160x125xi32, #tpu.memory_space<hbm>>
      %dma_wait3A_33 = tpu.memref_squeeze %dma_wait3A_32 : memref<1x160x125xi32, #tpu.memory_space<hbm>> -> memref<160x125xi32, #tpu.memory_space<hbm>>
      %dma_wait3A_34 = arith.constant 0 : i32
      %dma_wait3A_35 = arith.constant 0 : i32
      %dma_wait3A_36 = tpu.memref_slice %arg3[%add3A_15, %dma_wait3A_34, %dma_wait3A_35] : memref<64x160x125xi32, #tpu.memory_space<hbm>> -> memref<1x160x125xi32, #tpu.memory_space<hbm>>
      %dma_wait3A_37 = tpu.memref_squeeze %dma_wait3A_36 : memref<1x160x125xi32, #tpu.memory_space<hbm>> -> memref<160x125xi32, #tpu.memory_space<hbm>>
      tpu.wait_dma2 semaphore(%run_scoped3A : memref<!tpu.dma_semaphore, #tpu.memory_space<semaphore_mem>>) src(%dma_wait3A_37 : memref<160x125xi32, #tpu.memory_space<hbm>>) dst(%arg7 : memref<160x125xi32, #tpu.memory_space<vmem>>)
      tpu.yield
    }) : () -> ()
    "tpu.region"() ({
      %run_scoped3A = tpu.sem_alloc : memref<!tpu.dma_semaphore, #tpu.memory_space<semaphore_mem>>
      %dma_start3A = arith.constant 0 : i32
      %dma_start3A_24 = tpu.memref_slice %arg10[%mul3A_0, %dma_start3A] : memref<10240x96xf32, #tpu.memory_space<vmem_shared>> -> memref<640x96xf32, #tpu.memory_space<vmem_shared>>
      %dma_start3A_25 = arith.constant 0 : i32
      %dma_start3A_26 = tpu.memref_slice %arg5[%mul3A_0, %dma_start3A_25] : memref<10240x96xf32, #tpu.memory_space<hbm>> -> memref<640x96xf32, #tpu.memory_space<hbm>>
      tpu.enqueue_dma source(%dma_start3A_26 : memref<640x96xf32, #tpu.memory_space<hbm>>) target(%dma_start3A_24 : memref<640x96xf32, #tpu.memory_space<vmem_shared>>) target_semaphore(%run_scoped3A : memref<!tpu.dma_semaphore, #tpu.memory_space<semaphore_mem>>)
      %dma_wait3A = arith.constant 0 : i32
      %dma_wait3A_27 = tpu.memref_slice %arg10[%mul3A_0, %dma_wait3A] : memref<10240x96xf32, #tpu.memory_space<vmem_shared>> -> memref<640x96xf32, #tpu.memory_space<vmem_shared>>
      %dma_wait3A_28 = arith.constant 0 : i32
      %dma_wait3A_29 = tpu.memref_slice %arg5[%mul3A_0, %dma_wait3A_28] : memref<10240x96xf32, #tpu.memory_space<hbm>> -> memref<640x96xf32, #tpu.memory_space<hbm>>
      tpu.wait_dma2 semaphore(%run_scoped3A : memref<!tpu.dma_semaphore, #tpu.memory_space<semaphore_mem>>) src(%dma_wait3A_29 : memref<640x96xf32, #tpu.memory_space<hbm>>) dst(%dma_wait3A_27 : memref<640x96xf32, #tpu.memory_space<vmem_shared>>)
      tpu.yield
    }) : () -> ()
    %barrier3A_16 = arith.constant 0 : index
    tpu.barrier barrier_id(%barrier3A_16)
    %scan3A_17 = arith.constant 0 : i32
    %scan3A_18 = arith.constant 0 : i32
    %scan3A_19 = arith.constant 160 : i32
    %scan3A_20 = arith.addi %scan3A_18, %scan3A_19 : i32
    %scan3A_21 = arith.constant 1 : i32
    scf.for %scan3A_24 = %scan3A_18 to %scan3A_20 step %scan3A_21  : i32 {
      %dma_start3A = arith.constant 0 : i32
      %dma_start3A_25 = tpu.memref_slice %arg7[%scan3A_24, %dma_start3A] : memref<160x125xi32, #tpu.memory_space<vmem>> -> memref<1x125xi32, #tpu.memory_space<vmem>>
      %dma_start3A_26 = tpu.memref_squeeze %dma_start3A_25 : memref<1x125xi32, #tpu.memory_space<vmem>> -> memref<125xi32, #tpu.memory_space<vmem>>
      %dma_start3A_27 = arith.constant 0 : i32
      %dma_start3A_28 = arith.constant 0 : i32
      %dma_start3A_29 = tpu.memref_slice %arg2[%dma_start3A_27, %dma_start3A_28] : memref<40000x96xf32, #tpu.memory_space<hbm>> -> memref<40000x96xf32, #tpu.memory_space<hbm>>
      tpu.enqueue_indirect_dma source(%dma_start3A_29 : memref<40000x96xf32, #tpu.memory_space<hbm>>) target(%arg9 : memref<125x96xf32, #tpu.memory_space<vmem>>) offsets(%dma_start3A_26 : memref<125xi32, #tpu.memory_space<vmem>>) semaphore(%arg11 : memref<!tpu.dma_semaphore, #tpu.memory_space<semaphore_mem>>)
      %dma_wait3A = arith.constant 0 : i32
      %dma_wait3A_30 = tpu.memref_slice %arg7[%scan3A_24, %dma_wait3A] : memref<160x125xi32, #tpu.memory_space<vmem>> -> memref<1x125xi32, #tpu.memory_space<vmem>>
      %dma_wait3A_31 = tpu.memref_squeeze %dma_wait3A_30 : memref<1x125xi32, #tpu.memory_space<vmem>> -> memref<125xi32, #tpu.memory_space<vmem>>
      %dma_wait3A_32 = arith.constant 0 : i32
      %dma_wait3A_33 = arith.constant 0 : i32
      %dma_wait3A_34 = tpu.memref_slice %arg2[%dma_wait3A_32, %dma_wait3A_33] : memref<40000x96xf32, #tpu.memory_space<hbm>> -> memref<40000x96xf32, #tpu.memory_space<hbm>>
      tpu.wait_indirect_dma semaphore(%arg11 : memref<!tpu.dma_semaphore, #tpu.memory_space<semaphore_mem>>) src(%dma_wait3A_34 : memref<40000x96xf32, #tpu.memory_space<hbm>>) dst(%arg9 : memref<125x96xf32, #tpu.memory_space<vmem>>)
      "tpu.region"() ({
        %run_scoped3A = tpu.sem_alloc : memref<!tpu.dma_semaphore, #tpu.memory_space<semaphore_mem>>
        %dma_start3A_35 = arith.constant 0 : i32
        %dma_start3A_36 = tpu.memref_slice %arg8[%scan3A_24, %dma_start3A_35] : memref<160x125xi32, #tpu.memory_space<vmem>> -> memref<1x125xi32, #tpu.memory_space<vmem>>
        %dma_start3A_37 = tpu.memref_squeeze %dma_start3A_36 : memref<1x125xi32, #tpu.memory_space<vmem>> -> memref<125xi32, #tpu.memory_space<vmem>>
        %dma_start3A_38 = arith.constant 0 : i32
        %dma_start3A_39 = arith.constant 0 : i32
        %dma_start3A_40 = tpu.memref_slice %arg10[%dma_start3A_38, %dma_start3A_39] : memref<10240x96xf32, #tpu.memory_space<vmem_shared>> -> memref<10240x96xf32, #tpu.memory_space<vmem_shared>>
        tpu.enqueue_indirect_dma source(%arg9 : memref<125x96xf32, #tpu.memory_space<vmem>>) target(%dma_start3A_40 : memref<10240x96xf32, #tpu.memory_space<vmem_shared>>) offsets(%dma_start3A_37 : memref<125xi32, #tpu.memory_space<vmem>>) semaphore(%run_scoped3A : memref<!tpu.dma_semaphore, #tpu.memory_space<semaphore_mem>>) {add = true}
        %dma_wait3A_41 = arith.constant 0 : i32
        %dma_wait3A_42 = tpu.memref_slice %arg8[%scan3A_24, %dma_wait3A_41] : memref<160x125xi32, #tpu.memory_space<vmem>> -> memref<1x125xi32, #tpu.memory_space<vmem>>
        %dma_wait3A_43 = tpu.memref_squeeze %dma_wait3A_42 : memref<1x125xi32, #tpu.memory_space<vmem>> -> memref<125xi32, #tpu.memory_space<vmem>>
        %dma_wait3A_44 = arith.constant 0 : i32
        %dma_wait3A_45 = arith.constant 0 : i32
        %dma_wait3A_46 = tpu.memref_slice %arg10[%dma_wait3A_44, %dma_wait3A_45] : memref<10240x96xf32, #tpu.memory_space<vmem_shared>> -> memref<10240x96xf32, #tpu.memory_space<vmem_shared>>
        tpu.wait_indirect_dma semaphore(%run_scoped3A : memref<!tpu.dma_semaphore, #tpu.memory_space<semaphore_mem>>) src(%arg9 : memref<125x96xf32, #tpu.memory_space<vmem>>) dst(%dma_wait3A_46 : memref<10240x96xf32, #tpu.memory_space<vmem_shared>>)
        tpu.yield
      }) : () -> ()
    }
    %scan3A_22 = arith.constant 160 : i32
    %barrier3A_23 = arith.constant 0 : index
    tpu.barrier barrier_id(%barrier3A_23)
    "tpu.region"() ({
      %run_scoped3A = tpu.sem_alloc : memref<!tpu.dma_semaphore, #tpu.memory_space<semaphore_mem>>
      %dma_start3A = arith.constant 0 : i32
      %dma_start3A_24 = tpu.memref_slice %arg6[%add3A_12, %mul3A_0, %dma_start3A] : memref<4x10240x96xf32, #tpu.memory_space<hbm>> -> memref<1x640x96xf32, #tpu.memory_space<hbm>>
      %dma_start3A_25 = tpu.memref_squeeze %dma_start3A_24 : memref<1x640x96xf32, #tpu.memory_space<hbm>> -> memref<640x96xf32, #tpu.memory_space<hbm>>
      %dma_start3A_26 = arith.constant 0 : i32
      %dma_start3A_27 = tpu.memref_slice %arg10[%mul3A_0, %dma_start3A_26] : memref<10240x96xf32, #tpu.memory_space<vmem_shared>> -> memref<640x96xf32, #tpu.memory_space<vmem_shared>>
      tpu.enqueue_dma source(%dma_start3A_27 : memref<640x96xf32, #tpu.memory_space<vmem_shared>>) target(%dma_start3A_25 : memref<640x96xf32, #tpu.memory_space<hbm>>) target_semaphore(%run_scoped3A : memref<!tpu.dma_semaphore, #tpu.memory_space<semaphore_mem>>)
      %dma_wait3A = arith.constant 0 : i32
      %dma_wait3A_28 = tpu.memref_slice %arg6[%add3A_12, %mul3A_0, %dma_wait3A] : memref<4x10240x96xf32, #tpu.memory_space<hbm>> -> memref<1x640x96xf32, #tpu.memory_space<hbm>>
      %dma_wait3A_29 = tpu.memref_squeeze %dma_wait3A_28 : memref<1x640x96xf32, #tpu.memory_space<hbm>> -> memref<640x96xf32, #tpu.memory_space<hbm>>
      %dma_wait3A_30 = arith.constant 0 : i32
      %dma_wait3A_31 = tpu.memref_slice %arg10[%mul3A_0, %dma_wait3A_30] : memref<10240x96xf32, #tpu.memory_space<vmem_shared>> -> memref<640x96xf32, #tpu.memory_space<vmem_shared>>
      tpu.wait_dma2 semaphore(%run_scoped3A : memref<!tpu.dma_semaphore, #tpu.memory_space<semaphore_mem>>) src(%dma_wait3A_31 : memref<640x96xf32, #tpu.memory_space<vmem_shared>>) dst(%dma_wait3A_29 : memref<640x96xf32, #tpu.memory_space<hbm>>)
      tpu.yield
    }) : () -> ()
    return
  }
}

#map = affine_map<(d0, d1) -> (0, 0)>
#map1 = affine_map<(d0, d1) -> (0, 0, 0)>
module attributes {stable_mosaic.version = 14 : i64} {
  func.func @_sc_scatter(%arg0: i32, %arg1: i32, %arg2: memref<40000x96xf32, #tpu.memory_space<hbm>>, %arg3: memref<64x160x125xi32, #tpu.memory_space<hbm>>, %arg4: memref<16x160x125xi32, #tpu.memory_space<hbm>>, %arg5: memref<10240x96xf32, #tpu.memory_space<hbm>>, %arg6: memref<4x10240x96xf32, #tpu.memory_space<hbm>>, %arg7: memref<160x125xi32, #tpu.memory_space<vmem>>, %arg8: memref<160x125xi32, #tpu.memory_space<vmem>>, %arg9: memref<125x96xf32, #tpu.memory_space<vmem>>, %arg10: memref<10240x96xf32, #tpu.memory_space<vmem_shared>>, %arg11: memref<!tpu.dma_semaphore, #tpu.memory_space<semaphore_mem>>) attributes {dimension_semantics = [#tpu.dimension_semantics<core_parallel>, #tpu.dimension_semantics<subcore_parallel>], iteration_bounds = array<i64: 2, 16>, scalar_prefetch = 0 : i64, scratch_operands = 5 : i64, tpu.core_type = #tpu.core_type<sc_vector_subcore>, window_params = [{transform_indices = #map}, {transform_indices = #map1}, {transform_indices = #map1}, {transform_indices = #map}, {transform_indices = #map1}]} {
    %mul3A = arith.constant 640 : i32
    %mul3A_0 = arith.muli %arg1, %mul3A : i32
    "tpu.region"() ({
      %run_scoped3A = tpu.sem_alloc : memref<!tpu.dma_semaphore, #tpu.memory_space<semaphore_mem>>
      %dma_start3A = arith.constant 0 : i32
      %dma_start3A_24 = arith.constant 0 : i32
      %dma_start3A_25 = tpu.memref_slice %arg4[%arg1, %dma_start3A, %dma_start3A_24] : memref<16x160x125xi32, #tpu.memory_space<hbm>> -> memref<1x160x125xi32, #tpu.memory_space<hbm>>
      %dma_start3A_26 = tpu.memref_squeeze %dma_start3A_25 : memref<1x160x125xi32, #tpu.memory_space<hbm>> -> memref<160x125xi32, #tpu.memory_space<hbm>>
      %dma_start3A_27 = arith.constant 0 : i32
      %dma_start3A_28 = arith.constant 0 : i32
      %dma_start3A_29 = tpu.memref_slice %arg4[%arg1, %dma_start3A_27, %dma_start3A_28] : memref<16x160x125xi32, #tpu.memory_space<hbm>> -> memref<1x160x125xi32, #tpu.memory_space<hbm>>
      %dma_start3A_30 = tpu.memref_squeeze %dma_start3A_29 : memref<1x160x125xi32, #tpu.memory_space<hbm>> -> memref<160x125xi32, #tpu.memory_space<hbm>>
      tpu.enqueue_dma source(%dma_start3A_30 : memref<160x125xi32, #tpu.memory_space<hbm>>) target(%arg8 : memref<160x125xi32, #tpu.memory_space<vmem>>) target_semaphore(%run_scoped3A : memref<!tpu.dma_semaphore, #tpu.memory_space<semaphore_mem>>)
      %dma_wait3A = arith.constant 0 : i32
      %dma_wait3A_31 = arith.constant 0 : i32
      %dma_wait3A_32 = tpu.memref_slice %arg4[%arg1, %dma_wait3A, %dma_wait3A_31] : memref<16x160x125xi32, #tpu.memory_space<hbm>> -> memref<1x160x125xi32, #tpu.memory_space<hbm>>
      %dma_wait3A_33 = tpu.memref_squeeze %dma_wait3A_32 : memref<1x160x125xi32, #tpu.memory_space<hbm>> -> memref<160x125xi32, #tpu.memory_space<hbm>>
      %dma_wait3A_34 = arith.constant 0 : i32
      %dma_wait3A_35 = arith.constant 0 : i32
      %dma_wait3A_36 = tpu.memref_slice %arg4[%arg1, %dma_wait3A_34, %dma_wait3A_35] : memref<16x160x125xi32, #tpu.memory_space<hbm>> -> memref<1x160x125xi32, #tpu.memory_space<hbm>>
      %dma_wait3A_37 = tpu.memref_squeeze %dma_wait3A_36 : memref<1x160x125xi32, #tpu.memory_space<hbm>> -> memref<160x125xi32, #tpu.memory_space<hbm>>
      tpu.wait_dma2 semaphore(%run_scoped3A : memref<!tpu.dma_semaphore, #tpu.memory_space<semaphore_mem>>) src(%dma_wait3A_37 : memref<160x125xi32, #tpu.memory_space<hbm>>) dst(%arg8 : memref<160x125xi32, #tpu.memory_space<vmem>>)
      tpu.yield
    }) : () -> ()
    %add3A = arith.constant 0 : i32
    %add3A_1 = arith.addi %add3A, %arg0 : i32
    %mul3A_2 = arith.constant 16 : i32
    %mul3A_3 = arith.muli %add3A_1, %mul3A_2 : i32
    %add3A_4 = arith.addi %mul3A_3, %arg1 : i32
    "tpu.region"() ({
      %run_scoped3A = tpu.sem_alloc : memref<!tpu.dma_semaphore, #tpu.memory_space<semaphore_mem>>
      %dma_start3A = arith.constant 0 : i32
      %dma_start3A_24 = arith.constant 0 : i32
      %dma_start3A_25 = tpu.memref_slice %arg3[%add3A_4, %dma_start3A, %dma_start3A_24] : memref<64x160x125xi32, #tpu.memory_space<hbm>> -> memref<1x160x125xi32, #tpu.memory_space<hbm>>
      %dma_start3A_26 = tpu.memref_squeeze %dma_start3A_25 : memref<1x160x125xi32, #tpu.memory_space<hbm>> -> memref<160x125xi32, #tpu.memory_space<hbm>>
      %dma_start3A_27 = arith.constant 0 : i32
      %dma_start3A_28 = arith.constant 0 : i32
      %dma_start3A_29 = tpu.memref_slice %arg3[%add3A_4, %dma_start3A_27, %dma_start3A_28] : memref<64x160x125xi32, #tpu.memory_space<hbm>> -> memref<1x160x125xi32, #tpu.memory_space<hbm>>
      %dma_start3A_30 = tpu.memref_squeeze %dma_start3A_29 : memref<1x160x125xi32, #tpu.memory_space<hbm>> -> memref<160x125xi32, #tpu.memory_space<hbm>>
      tpu.enqueue_dma source(%dma_start3A_30 : memref<160x125xi32, #tpu.memory_space<hbm>>) target(%arg7 : memref<160x125xi32, #tpu.memory_space<vmem>>) target_semaphore(%run_scoped3A : memref<!tpu.dma_semaphore, #tpu.memory_space<semaphore_mem>>)
      %dma_wait3A = arith.constant 0 : i32
      %dma_wait3A_31 = arith.constant 0 : i32
      %dma_wait3A_32 = tpu.memref_slice %arg3[%add3A_4, %dma_wait3A, %dma_wait3A_31] : memref<64x160x125xi32, #tpu.memory_space<hbm>> -> memref<1x160x125xi32, #tpu.memory_space<hbm>>
      %dma_wait3A_33 = tpu.memref_squeeze %dma_wait3A_32 : memref<1x160x125xi32, #tpu.memory_space<hbm>> -> memref<160x125xi32, #tpu.memory_space<hbm>>
      %dma_wait3A_34 = arith.constant 0 : i32
      %dma_wait3A_35 = arith.constant 0 : i32
      %dma_wait3A_36 = tpu.memref_slice %arg3[%add3A_4, %dma_wait3A_34, %dma_wait3A_35] : memref<64x160x125xi32, #tpu.memory_space<hbm>> -> memref<1x160x125xi32, #tpu.memory_space<hbm>>
      %dma_wait3A_37 = tpu.memref_squeeze %dma_wait3A_36 : memref<1x160x125xi32, #tpu.memory_space<hbm>> -> memref<160x125xi32, #tpu.memory_space<hbm>>
      tpu.wait_dma2 semaphore(%run_scoped3A : memref<!tpu.dma_semaphore, #tpu.memory_space<semaphore_mem>>) src(%dma_wait3A_37 : memref<160x125xi32, #tpu.memory_space<hbm>>) dst(%arg7 : memref<160x125xi32, #tpu.memory_space<vmem>>)
      tpu.yield
    }) : () -> ()
    "tpu.region"() ({
      %run_scoped3A = tpu.sem_alloc : memref<!tpu.dma_semaphore, #tpu.memory_space<semaphore_mem>>
      %dma_start3A = arith.constant 0 : i32
      %dma_start3A_24 = tpu.memref_slice %arg10[%mul3A_0, %dma_start3A] : memref<10240x96xf32, #tpu.memory_space<vmem_shared>> -> memref<640x96xf32, #tpu.memory_space<vmem_shared>>
      %dma_start3A_25 = arith.constant 0 : i32
      %dma_start3A_26 = tpu.memref_slice %arg5[%mul3A_0, %dma_start3A_25] : memref<10240x96xf32, #tpu.memory_space<hbm>> -> memref<640x96xf32, #tpu.memory_space<hbm>>
      tpu.enqueue_dma source(%dma_start3A_26 : memref<640x96xf32, #tpu.memory_space<hbm>>) target(%dma_start3A_24 : memref<640x96xf32, #tpu.memory_space<vmem_shared>>) target_semaphore(%run_scoped3A : memref<!tpu.dma_semaphore, #tpu.memory_space<semaphore_mem>>)
      %dma_wait3A = arith.constant 0 : i32
      %dma_wait3A_27 = tpu.memref_slice %arg10[%mul3A_0, %dma_wait3A] : memref<10240x96xf32, #tpu.memory_space<vmem_shared>> -> memref<640x96xf32, #tpu.memory_space<vmem_shared>>
      %dma_wait3A_28 = arith.constant 0 : i32
      %dma_wait3A_29 = tpu.memref_slice %arg5[%mul3A_0, %dma_wait3A_28] : memref<10240x96xf32, #tpu.memory_space<hbm>> -> memref<640x96xf32, #tpu.memory_space<hbm>>
      tpu.wait_dma2 semaphore(%run_scoped3A : memref<!tpu.dma_semaphore, #tpu.memory_space<semaphore_mem>>) src(%dma_wait3A_29 : memref<640x96xf32, #tpu.memory_space<hbm>>) dst(%dma_wait3A_27 : memref<640x96xf32, #tpu.memory_space<vmem_shared>>)
      tpu.yield
    }) : () -> ()
    %barrier3A = arith.constant 0 : index
    tpu.barrier barrier_id(%barrier3A)
    %scan3A = arith.constant 0 : i32
    %scan3A_5 = arith.constant 0 : i32
    %scan3A_6 = arith.constant 160 : i32
    %scan3A_7 = arith.addi %scan3A_5, %scan3A_6 : i32
    %scan3A_8 = arith.constant 1 : i32
    scf.for %scan3A_24 = %scan3A_5 to %scan3A_7 step %scan3A_8  : i32 {
      %dma_start3A = arith.constant 0 : i32
      %dma_start3A_25 = tpu.memref_slice %arg7[%scan3A_24, %dma_start3A] : memref<160x125xi32, #tpu.memory_space<vmem>> -> memref<1x125xi32, #tpu.memory_space<vmem>>
      %dma_start3A_26 = tpu.memref_squeeze %dma_start3A_25 : memref<1x125xi32, #tpu.memory_space<vmem>> -> memref<125xi32, #tpu.memory_space<vmem>>
      %dma_start3A_27 = arith.constant 0 : i32
      %dma_start3A_28 = arith.constant 0 : i32
      %dma_start3A_29 = tpu.memref_slice %arg2[%dma_start3A_27, %dma_start3A_28] : memref<40000x96xf32, #tpu.memory_space<hbm>> -> memref<40000x96xf32, #tpu.memory_space<hbm>>
      tpu.enqueue_indirect_dma source(%dma_start3A_29 : memref<40000x96xf32, #tpu.memory_space<hbm>>) target(%arg9 : memref<125x96xf32, #tpu.memory_space<vmem>>) offsets(%dma_start3A_26 : memref<125xi32, #tpu.memory_space<vmem>>) semaphore(%arg11 : memref<!tpu.dma_semaphore, #tpu.memory_space<semaphore_mem>>)
      %dma_wait3A = arith.constant 0 : i32
      %dma_wait3A_30 = tpu.memref_slice %arg7[%scan3A_24, %dma_wait3A] : memref<160x125xi32, #tpu.memory_space<vmem>> -> memref<1x125xi32, #tpu.memory_space<vmem>>
      %dma_wait3A_31 = tpu.memref_squeeze %dma_wait3A_30 : memref<1x125xi32, #tpu.memory_space<vmem>> -> memref<125xi32, #tpu.memory_space<vmem>>
      %dma_wait3A_32 = arith.constant 0 : i32
      %dma_wait3A_33 = arith.constant 0 : i32
      %dma_wait3A_34 = tpu.memref_slice %arg2[%dma_wait3A_32, %dma_wait3A_33] : memref<40000x96xf32, #tpu.memory_space<hbm>> -> memref<40000x96xf32, #tpu.memory_space<hbm>>
      tpu.wait_indirect_dma semaphore(%arg11 : memref<!tpu.dma_semaphore, #tpu.memory_space<semaphore_mem>>) src(%dma_wait3A_34 : memref<40000x96xf32, #tpu.memory_space<hbm>>) dst(%arg9 : memref<125x96xf32, #tpu.memory_space<vmem>>)
      "tpu.region"() ({
        %run_scoped3A = tpu.sem_alloc : memref<!tpu.dma_semaphore, #tpu.memory_space<semaphore_mem>>
        %dma_start3A_35 = arith.constant 0 : i32
        %dma_start3A_36 = tpu.memref_slice %arg8[%scan3A_24, %dma_start3A_35] : memref<160x125xi32, #tpu.memory_space<vmem>> -> memref<1x125xi32, #tpu.memory_space<vmem>>
        %dma_start3A_37 = tpu.memref_squeeze %dma_start3A_36 : memref<1x125xi32, #tpu.memory_space<vmem>> -> memref<125xi32, #tpu.memory_space<vmem>>
        %dma_start3A_38 = arith.constant 0 : i32
        %dma_start3A_39 = arith.constant 0 : i32
        %dma_start3A_40 = tpu.memref_slice %arg10[%dma_start3A_38, %dma_start3A_39] : memref<10240x96xf32, #tpu.memory_space<vmem_shared>> -> memref<10240x96xf32, #tpu.memory_space<vmem_shared>>
        tpu.enqueue_indirect_dma source(%arg9 : memref<125x96xf32, #tpu.memory_space<vmem>>) target(%dma_start3A_40 : memref<10240x96xf32, #tpu.memory_space<vmem_shared>>) offsets(%dma_start3A_37 : memref<125xi32, #tpu.memory_space<vmem>>) semaphore(%run_scoped3A : memref<!tpu.dma_semaphore, #tpu.memory_space<semaphore_mem>>) {add = true}
        %dma_wait3A_41 = arith.constant 0 : i32
        %dma_wait3A_42 = tpu.memref_slice %arg8[%scan3A_24, %dma_wait3A_41] : memref<160x125xi32, #tpu.memory_space<vmem>> -> memref<1x125xi32, #tpu.memory_space<vmem>>
        %dma_wait3A_43 = tpu.memref_squeeze %dma_wait3A_42 : memref<1x125xi32, #tpu.memory_space<vmem>> -> memref<125xi32, #tpu.memory_space<vmem>>
        %dma_wait3A_44 = arith.constant 0 : i32
        %dma_wait3A_45 = arith.constant 0 : i32
        %dma_wait3A_46 = tpu.memref_slice %arg10[%dma_wait3A_44, %dma_wait3A_45] : memref<10240x96xf32, #tpu.memory_space<vmem_shared>> -> memref<10240x96xf32, #tpu.memory_space<vmem_shared>>
        tpu.wait_indirect_dma semaphore(%run_scoped3A : memref<!tpu.dma_semaphore, #tpu.memory_space<semaphore_mem>>) src(%arg9 : memref<125x96xf32, #tpu.memory_space<vmem>>) dst(%dma_wait3A_46 : memref<10240x96xf32, #tpu.memory_space<vmem_shared>>)
        tpu.yield
      }) : () -> ()
    }
    %scan3A_9 = arith.constant 160 : i32
    %barrier3A_10 = arith.constant 0 : index
    tpu.barrier barrier_id(%barrier3A_10)
    "tpu.region"() ({
      %run_scoped3A = tpu.sem_alloc : memref<!tpu.dma_semaphore, #tpu.memory_space<semaphore_mem>>
      %dma_start3A = arith.constant 0 : i32
      %dma_start3A_24 = tpu.memref_slice %arg6[%add3A_1, %mul3A_0, %dma_start3A] : memref<4x10240x96xf32, #tpu.memory_space<hbm>> -> memref<1x640x96xf32, #tpu.memory_space<hbm>>
      %dma_start3A_25 = tpu.memref_squeeze %dma_start3A_24 : memref<1x640x96xf32, #tpu.memory_space<hbm>> -> memref<640x96xf32, #tpu.memory_space<hbm>>
      %dma_start3A_26 = arith.constant 0 : i32
      %dma_start3A_27 = tpu.memref_slice %arg10[%mul3A_0, %dma_start3A_26] : memref<10240x96xf32, #tpu.memory_space<vmem_shared>> -> memref<640x96xf32, #tpu.memory_space<vmem_shared>>
      tpu.enqueue_dma source(%dma_start3A_27 : memref<640x96xf32, #tpu.memory_space<vmem_shared>>) target(%dma_start3A_25 : memref<640x96xf32, #tpu.memory_space<hbm>>) target_semaphore(%run_scoped3A : memref<!tpu.dma_semaphore, #tpu.memory_space<semaphore_mem>>)
      %dma_wait3A = arith.constant 0 : i32
      %dma_wait3A_28 = tpu.memref_slice %arg6[%add3A_1, %mul3A_0, %dma_wait3A] : memref<4x10240x96xf32, #tpu.memory_space<hbm>> -> memref<1x640x96xf32, #tpu.memory_space<hbm>>
      %dma_wait3A_29 = tpu.memref_squeeze %dma_wait3A_28 : memref<1x640x96xf32, #tpu.memory_space<hbm>> -> memref<640x96xf32, #tpu.memory_space<hbm>>
      %dma_wait3A_30 = arith.constant 0 : i32
      %dma_wait3A_31 = tpu.memref_slice %arg10[%mul3A_0, %dma_wait3A_30] : memref<10240x96xf32, #tpu.memory_space<vmem_shared>> -> memref<640x96xf32, #tpu.memory_space<vmem_shared>>
      tpu.wait_dma2 semaphore(%run_scoped3A : memref<!tpu.dma_semaphore, #tpu.memory_space<semaphore_mem>>) src(%dma_wait3A_31 : memref<640x96xf32, #tpu.memory_space<vmem_shared>>) dst(%dma_wait3A_29 : memref<640x96xf32, #tpu.memory_space<hbm>>)
      tpu.yield
    }) : () -> ()
    %add3A_11 = arith.constant 2 : i32
    %add3A_12 = arith.addi %add3A_11, %arg0 : i32
    %mul3A_13 = arith.constant 16 : i32
    %mul3A_14 = arith.muli %add3A_12, %mul3A_13 : i32
    %add3A_15 = arith.addi %mul3A_14, %arg1 : i32
    "tpu.region"() ({
      %run_scoped3A = tpu.sem_alloc : memref<!tpu.dma_semaphore, #tpu.memory_space<semaphore_mem>>
      %dma_start3A = arith.constant 0 : i32
      %dma_start3A_24 = arith.constant 0 : i32
      %dma_start3A_25 = tpu.memref_slice %arg3[%add3A_15, %dma_start3A, %dma_start3A_24] : memref<64x160x125xi32, #tpu.memory_space<hbm>> -> memref<1x160x125xi32, #tpu.memory_space<hbm>>
      %dma_start3A_26 = tpu.memref_squeeze %dma_start3A_25 : memref<1x160x125xi32, #tpu.memory_space<hbm>> -> memref<160x125xi32, #tpu.memory_space<hbm>>
      %dma_start3A_27 = arith.constant 0 : i32
      %dma_start3A_28 = arith.constant 0 : i32
      %dma_start3A_29 = tpu.memref_slice %arg3[%add3A_15, %dma_start3A_27, %dma_start3A_28] : memref<64x160x125xi32, #tpu.memory_space<hbm>> -> memref<1x160x125xi32, #tpu.memory_space<hbm>>
      %dma_start3A_30 = tpu.memref_squeeze %dma_start3A_29 : memref<1x160x125xi32, #tpu.memory_space<hbm>> -> memref<160x125xi32, #tpu.memory_space<hbm>>
      tpu.enqueue_dma source(%dma_start3A_30 : memref<160x125xi32, #tpu.memory_space<hbm>>) target(%arg7 : memref<160x125xi32, #tpu.memory_space<vmem>>) target_semaphore(%run_scoped3A : memref<!tpu.dma_semaphore, #tpu.memory_space<semaphore_mem>>)
      %dma_wait3A = arith.constant 0 : i32
      %dma_wait3A_31 = arith.constant 0 : i32
      %dma_wait3A_32 = tpu.memref_slice %arg3[%add3A_15, %dma_wait3A, %dma_wait3A_31] : memref<64x160x125xi32, #tpu.memory_space<hbm>> -> memref<1x160x125xi32, #tpu.memory_space<hbm>>
      %dma_wait3A_33 = tpu.memref_squeeze %dma_wait3A_32 : memref<1x160x125xi32, #tpu.memory_space<hbm>> -> memref<160x125xi32, #tpu.memory_space<hbm>>
      %dma_wait3A_34 = arith.constant 0 : i32
      %dma_wait3A_35 = arith.constant 0 : i32
      %dma_wait3A_36 = tpu.memref_slice %arg3[%add3A_15, %dma_wait3A_34, %dma_wait3A_35] : memref<64x160x125xi32, #tpu.memory_space<hbm>> -> memref<1x160x125xi32, #tpu.memory_space<hbm>>
      %dma_wait3A_37 = tpu.memref_squeeze %dma_wait3A_36 : memref<1x160x125xi32, #tpu.memory_space<hbm>> -> memref<160x125xi32, #tpu.memory_space<hbm>>
      tpu.wait_dma2 semaphore(%run_scoped3A : memref<!tpu.dma_semaphore, #tpu.memory_space<semaphore_mem>>) src(%dma_wait3A_37 : memref<160x125xi32, #tpu.memory_space<hbm>>) dst(%arg7 : memref<160x125xi32, #tpu.memory_space<vmem>>)
      tpu.yield
    }) : () -> ()
    "tpu.region"() ({
      %run_scoped3A = tpu.sem_alloc : memref<!tpu.dma_semaphore, #tpu.memory_space<semaphore_mem>>
      %dma_start3A = arith.constant 0 : i32
      %dma_start3A_24 = tpu.memref_slice %arg10[%mul3A_0, %dma_start3A] : memref<10240x96xf32, #tpu.memory_space<vmem_shared>> -> memref<640x96xf32, #tpu.memory_space<vmem_shared>>
      %dma_start3A_25 = arith.constant 0 : i32
      %dma_start3A_26 = tpu.memref_slice %arg5[%mul3A_0, %dma_start3A_25] : memref<10240x96xf32, #tpu.memory_space<hbm>> -> memref<640x96xf32, #tpu.memory_space<hbm>>
      tpu.enqueue_dma source(%dma_start3A_26 : memref<640x96xf32, #tpu.memory_space<hbm>>) target(%dma_start3A_24 : memref<640x96xf32, #tpu.memory_space<vmem_shared>>) target_semaphore(%run_scoped3A : memref<!tpu.dma_semaphore, #tpu.memory_space<semaphore_mem>>)
      %dma_wait3A = arith.constant 0 : i32
      %dma_wait3A_27 = tpu.memref_slice %arg10[%mul3A_0, %dma_wait3A] : memref<10240x96xf32, #tpu.memory_space<vmem_shared>> -> memref<640x96xf32, #tpu.memory_space<vmem_shared>>
      %dma_wait3A_28 = arith.constant 0 : i32
      %dma_wait3A_29 = tpu.memref_slice %arg5[%mul3A_0, %dma_wait3A_28] : memref<10240x96xf32, #tpu.memory_space<hbm>> -> memref<640x96xf32, #tpu.memory_space<hbm>>
      tpu.wait_dma2 semaphore(%run_scoped3A : memref<!tpu.dma_semaphore, #tpu.memory_space<semaphore_mem>>) src(%dma_wait3A_29 : memref<640x96xf32, #tpu.memory_space<hbm>>) dst(%dma_wait3A_27 : memref<640x96xf32, #tpu.memory_space<vmem_shared>>)
      tpu.yield
    }) : () -> ()
    %barrier3A_16 = arith.constant 0 : index
    tpu.barrier barrier_id(%barrier3A_16)
    %scan3A_17 = arith.constant 0 : i32
    %scan3A_18 = arith.constant 0 : i32
    %scan3A_19 = arith.constant 160 : i32
    %scan3A_20 = arith.addi %scan3A_18, %scan3A_19 : i32
    %scan3A_21 = arith.constant 1 : i32
    scf.for %scan3A_24 = %scan3A_18 to %scan3A_20 step %scan3A_21  : i32 {
      %dma_start3A = arith.constant 0 : i32
      %dma_start3A_25 = tpu.memref_slice %arg7[%scan3A_24, %dma_start3A] : memref<160x125xi32, #tpu.memory_space<vmem>> -> memref<1x125xi32, #tpu.memory_space<vmem>>
      %dma_start3A_26 = tpu.memref_squeeze %dma_start3A_25 : memref<1x125xi32, #tpu.memory_space<vmem>> -> memref<125xi32, #tpu.memory_space<vmem>>
      %dma_start3A_27 = arith.constant 0 : i32
      %dma_start3A_28 = arith.constant 0 : i32
      %dma_start3A_29 = tpu.memref_slice %arg2[%dma_start3A_27, %dma_start3A_28] : memref<40000x96xf32, #tpu.memory_space<hbm>> -> memref<40000x96xf32, #tpu.memory_space<hbm>>
      tpu.enqueue_indirect_dma source(%dma_start3A_29 : memref<40000x96xf32, #tpu.memory_space<hbm>>) target(%arg9 : memref<125x96xf32, #tpu.memory_space<vmem>>) offsets(%dma_start3A_26 : memref<125xi32, #tpu.memory_space<vmem>>) semaphore(%arg11 : memref<!tpu.dma_semaphore, #tpu.memory_space<semaphore_mem>>)
      %dma_wait3A = arith.constant 0 : i32
      %dma_wait3A_30 = tpu.memref_slice %arg7[%scan3A_24, %dma_wait3A] : memref<160x125xi32, #tpu.memory_space<vmem>> -> memref<1x125xi32, #tpu.memory_space<vmem>>
      %dma_wait3A_31 = tpu.memref_squeeze %dma_wait3A_30 : memref<1x125xi32, #tpu.memory_space<vmem>> -> memref<125xi32, #tpu.memory_space<vmem>>
      %dma_wait3A_32 = arith.constant 0 : i32
      %dma_wait3A_33 = arith.constant 0 : i32
      %dma_wait3A_34 = tpu.memref_slice %arg2[%dma_wait3A_32, %dma_wait3A_33] : memref<40000x96xf32, #tpu.memory_space<hbm>> -> memref<40000x96xf32, #tpu.memory_space<hbm>>
      tpu.wait_indirect_dma semaphore(%arg11 : memref<!tpu.dma_semaphore, #tpu.memory_space<semaphore_mem>>) src(%dma_wait3A_34 : memref<40000x96xf32, #tpu.memory_space<hbm>>) dst(%arg9 : memref<125x96xf32, #tpu.memory_space<vmem>>)
      "tpu.region"() ({
        %run_scoped3A = tpu.sem_alloc : memref<!tpu.dma_semaphore, #tpu.memory_space<semaphore_mem>>
        %dma_start3A_35 = arith.constant 0 : i32
        %dma_start3A_36 = tpu.memref_slice %arg8[%scan3A_24, %dma_start3A_35] : memref<160x125xi32, #tpu.memory_space<vmem>> -> memref<1x125xi32, #tpu.memory_space<vmem>>
        %dma_start3A_37 = tpu.memref_squeeze %dma_start3A_36 : memref<1x125xi32, #tpu.memory_space<vmem>> -> memref<125xi32, #tpu.memory_space<vmem>>
        %dma_start3A_38 = arith.constant 0 : i32
        %dma_start3A_39 = arith.constant 0 : i32
        %dma_start3A_40 = tpu.memref_slice %arg10[%dma_start3A_38, %dma_start3A_39] : memref<10240x96xf32, #tpu.memory_space<vmem_shared>> -> memref<10240x96xf32, #tpu.memory_space<vmem_shared>>
        tpu.enqueue_indirect_dma source(%arg9 : memref<125x96xf32, #tpu.memory_space<vmem>>) target(%dma_start3A_40 : memref<10240x96xf32, #tpu.memory_space<vmem_shared>>) offsets(%dma_start3A_37 : memref<125xi32, #tpu.memory_space<vmem>>) semaphore(%run_scoped3A : memref<!tpu.dma_semaphore, #tpu.memory_space<semaphore_mem>>) {add = true}
        %dma_wait3A_41 = arith.constant 0 : i32
        %dma_wait3A_42 = tpu.memref_slice %arg8[%scan3A_24, %dma_wait3A_41] : memref<160x125xi32, #tpu.memory_space<vmem>> -> memref<1x125xi32, #tpu.memory_space<vmem>>
        %dma_wait3A_43 = tpu.memref_squeeze %dma_wait3A_42 : memref<1x125xi32, #tpu.memory_space<vmem>> -> memref<125xi32, #tpu.memory_space<vmem>>
        %dma_wait3A_44 = arith.constant 0 : i32
        %dma_wait3A_45 = arith.constant 0 : i32
        %dma_wait3A_46 = tpu.memref_slice %arg10[%dma_wait3A_44, %dma_wait3A_45] : memref<10240x96xf32, #tpu.memory_space<vmem_shared>> -> memref<10240x96xf32, #tpu.memory_space<vmem_shared>>
        tpu.wait_indirect_dma semaphore(%run_scoped3A : memref<!tpu.dma_semaphore, #tpu.memory_space<semaphore_mem>>) src(%arg9 : memref<125x96xf32, #tpu.memory_space<vmem>>) dst(%dma_wait3A_46 : memref<10240x96xf32, #tpu.memory_space<vmem_shared>>)
        tpu.yield
      }) : () -> ()
    }
    %scan3A_22 = arith.constant 160 : i32
    %barrier3A_23 = arith.constant 0 : index
    tpu.barrier barrier_id(%barrier3A_23)
    "tpu.region"() ({
      %run_scoped3A = tpu.sem_alloc : memref<!tpu.dma_semaphore, #tpu.memory_space<semaphore_mem>>
      %dma_start3A = arith.constant 0 : i32
      %dma_start3A_24 = tpu.memref_slice %arg6[%add3A_12, %mul3A_0, %dma_start3A] : memref<4x10240x96xf32, #tpu.memory_space<hbm>> -> memref<1x640x96xf32, #tpu.memory_space<hbm>>
      %dma_start3A_25 = tpu.memref_squeeze %dma_start3A_24 : memref<1x640x96xf32, #tpu.memory_space<hbm>> -> memref<640x96xf32, #tpu.memory_space<hbm>>
      %dma_start3A_26 = arith.constant 0 : i32
      %dma_start3A_27 = tpu.memref_slice %arg10[%mul3A_0, %dma_start3A_26] : memref<10240x96xf32, #tpu.memory_space<vmem_shared>> -> memref<640x96xf32, #tpu.memory_space<vmem_shared>>
      tpu.enqueue_dma source(%dma_start3A_27 : memref<640x96xf32, #tpu.memory_space<vmem_shared>>) target(%dma_start3A_25 : memref<640x96xf32, #tpu.memory_space<hbm>>) target_semaphore(%run_scoped3A : memref<!tpu.dma_semaphore, #tpu.memory_space<semaphore_mem>>)
      %dma_wait3A = arith.constant 0 : i32
      %dma_wait3A_28 = tpu.memref_slice %arg6[%add3A_12, %mul3A_0, %dma_wait3A] : memref<4x10240x96xf32, #tpu.memory_space<hbm>> -> memref<1x640x96xf32, #tpu.memory_space<hbm>>
      %dma_wait3A_29 = tpu.memref_squeeze %dma_wait3A_28 : memref<1x640x96xf32, #tpu.memory_space<hbm>> -> memref<640x96xf32, #tpu.memory_space<hbm>>
      %dma_wait3A_30 = arith.constant 0 : i32
      %dma_wait3A_31 = tpu.memref_slice %arg10[%mul3A_0, %dma_wait3A_30] : memref<10240x96xf32, #tpu.memory_space<vmem_shared>> -> memref<640x96xf32, #tpu.memory_space<vmem_shared>>
      tpu.wait_dma2 semaphore(%run_scoped3A : memref<!tpu.dma_semaphore, #tpu.memory_space<semaphore_mem>>) src(%dma_wait3A_31 : memref<640x96xf32, #tpu.memory_space<vmem_shared>>) dst(%dma_wait3A_29 : memref<640x96xf32, #tpu.memory_space<hbm>>)
      tpu.yield
    }) : () -> ()
    return
  }
}

#map = affine_map<(d0, d1) -> (0, 0, 0)>
#map1 = affine_map<(d0, d1) -> (0, 0)>
module attributes {stable_mosaic.version = 14 : i64} {
  func.func @_sc_degree(%arg0: i32, %arg1: i32, %arg2: memref<32x80x125xi32, #tpu.memory_space<hbm>>, %arg3: memref<125x16xf32, #tpu.memory_space<hbm>>, %arg4: memref<10240x16xf32, #tpu.memory_space<hbm>>, %arg5: memref<2x10240x16xf32, #tpu.memory_space<hbm>>, %arg6: memref<80x125xi32, #tpu.memory_space<vmem>>, %arg7: memref<125x16xf32, #tpu.memory_space<vmem>>, %arg8: memref<10240x16xf32, #tpu.memory_space<vmem_shared>>) attributes {dimension_semantics = [#tpu.dimension_semantics<core_parallel>, #tpu.dimension_semantics<subcore_parallel>], iteration_bounds = array<i64: 2, 16>, scalar_prefetch = 0 : i64, scratch_operands = 3 : i64, tpu.core_type = #tpu.core_type<sc_vector_subcore>, window_params = [{transform_indices = #map}, {transform_indices = #map1}, {transform_indices = #map1}, {transform_indices = #map}]} {
    %mul3A = arith.constant 16 : i32
    %mul3A_0 = arith.muli %arg0, %mul3A : i32
    %add3A = arith.addi %mul3A_0, %arg1 : i32
    "tpu.region"() ({
      %run_scoped3A = tpu.sem_alloc : memref<!tpu.dma_semaphore, #tpu.memory_space<semaphore_mem>>
      %dma_start3A = arith.constant 0 : i32
      %dma_start3A_9 = arith.constant 0 : i32
      %dma_start3A_10 = tpu.memref_slice %arg2[%add3A, %dma_start3A, %dma_start3A_9] : memref<32x80x125xi32, #tpu.memory_space<hbm>> -> memref<1x80x125xi32, #tpu.memory_space<hbm>>
      %dma_start3A_11 = tpu.memref_squeeze %dma_start3A_10 : memref<1x80x125xi32, #tpu.memory_space<hbm>> -> memref<80x125xi32, #tpu.memory_space<hbm>>
      %dma_start3A_12 = arith.constant 0 : i32
      %dma_start3A_13 = arith.constant 0 : i32
      %dma_start3A_14 = tpu.memref_slice %arg2[%add3A, %dma_start3A_12, %dma_start3A_13] : memref<32x80x125xi32, #tpu.memory_space<hbm>> -> memref<1x80x125xi32, #tpu.memory_space<hbm>>
      %dma_start3A_15 = tpu.memref_squeeze %dma_start3A_14 : memref<1x80x125xi32, #tpu.memory_space<hbm>> -> memref<80x125xi32, #tpu.memory_space<hbm>>
      tpu.enqueue_dma source(%dma_start3A_15 : memref<80x125xi32, #tpu.memory_space<hbm>>) target(%arg6 : memref<80x125xi32, #tpu.memory_space<vmem>>) target_semaphore(%run_scoped3A : memref<!tpu.dma_semaphore, #tpu.memory_space<semaphore_mem>>)
      %dma_wait3A = arith.constant 0 : i32
      %dma_wait3A_16 = arith.constant 0 : i32
      %dma_wait3A_17 = tpu.memref_slice %arg2[%add3A, %dma_wait3A, %dma_wait3A_16] : memref<32x80x125xi32, #tpu.memory_space<hbm>> -> memref<1x80x125xi32, #tpu.memory_space<hbm>>
      %dma_wait3A_18 = tpu.memref_squeeze %dma_wait3A_17 : memref<1x80x125xi32, #tpu.memory_space<hbm>> -> memref<80x125xi32, #tpu.memory_space<hbm>>
      %dma_wait3A_19 = arith.constant 0 : i32
      %dma_wait3A_20 = arith.constant 0 : i32
      %dma_wait3A_21 = tpu.memref_slice %arg2[%add3A, %dma_wait3A_19, %dma_wait3A_20] : memref<32x80x125xi32, #tpu.memory_space<hbm>> -> memref<1x80x125xi32, #tpu.memory_space<hbm>>
      %dma_wait3A_22 = tpu.memref_squeeze %dma_wait3A_21 : memref<1x80x125xi32, #tpu.memory_space<hbm>> -> memref<80x125xi32, #tpu.memory_space<hbm>>
      tpu.wait_dma2 semaphore(%run_scoped3A : memref<!tpu.dma_semaphore, #tpu.memory_space<semaphore_mem>>) src(%dma_wait3A_22 : memref<80x125xi32, #tpu.memory_space<hbm>>) dst(%arg6 : memref<80x125xi32, #tpu.memory_space<vmem>>)
      tpu.yield
    }) : () -> ()
    "tpu.region"() ({
      %run_scoped3A = tpu.sem_alloc : memref<!tpu.dma_semaphore, #tpu.memory_space<semaphore_mem>>
      tpu.enqueue_dma source(%arg3 : memref<125x16xf32, #tpu.memory_space<hbm>>) target(%arg7 : memref<125x16xf32, #tpu.memory_space<vmem>>) target_semaphore(%run_scoped3A : memref<!tpu.dma_semaphore, #tpu.memory_space<semaphore_mem>>)
      tpu.wait_dma2 semaphore(%run_scoped3A : memref<!tpu.dma_semaphore, #tpu.memory_space<semaphore_mem>>) src(%arg3 : memref<125x16xf32, #tpu.memory_space<hbm>>) dst(%arg7 : memref<125x16xf32, #tpu.memory_space<vmem>>)
      tpu.yield
    }) : () -> ()
    %mul3A_1 = arith.constant 640 : i32
    %mul3A_2 = arith.muli %arg1, %mul3A_1 : i32
    "tpu.region"() ({
      %run_scoped3A = tpu.sem_alloc : memref<!tpu.dma_semaphore, #tpu.memory_space<semaphore_mem>>
      %dma_start3A = arith.constant 0 : i32
      %dma_start3A_9 = tpu.memref_slice %arg8[%mul3A_2, %dma_start3A] : memref<10240x16xf32, #tpu.memory_space<vmem_shared>> -> memref<640x16xf32, #tpu.memory_space<vmem_shared>>
      %dma_start3A_10 = arith.constant 0 : i32
      %dma_start3A_11 = tpu.memref_slice %arg4[%mul3A_2, %dma_start3A_10] : memref<10240x16xf32, #tpu.memory_space<hbm>> -> memref<640x16xf32, #tpu.memory_space<hbm>>
      tpu.enqueue_dma source(%dma_start3A_11 : memref<640x16xf32, #tpu.memory_space<hbm>>) target(%dma_start3A_9 : memref<640x16xf32, #tpu.memory_space<vmem_shared>>) target_semaphore(%run_scoped3A : memref<!tpu.dma_semaphore, #tpu.memory_space<semaphore_mem>>)
      %dma_wait3A = arith.constant 0 : i32
      %dma_wait3A_12 = tpu.memref_slice %arg8[%mul3A_2, %dma_wait3A] : memref<10240x16xf32, #tpu.memory_space<vmem_shared>> -> memref<640x16xf32, #tpu.memory_space<vmem_shared>>
      %dma_wait3A_13 = arith.constant 0 : i32
      %dma_wait3A_14 = tpu.memref_slice %arg4[%mul3A_2, %dma_wait3A_13] : memref<10240x16xf32, #tpu.memory_space<hbm>> -> memref<640x16xf32, #tpu.memory_space<hbm>>
      tpu.wait_dma2 semaphore(%run_scoped3A : memref<!tpu.dma_semaphore, #tpu.memory_space<semaphore_mem>>) src(%dma_wait3A_14 : memref<640x16xf32, #tpu.memory_space<hbm>>) dst(%dma_wait3A_12 : memref<640x16xf32, #tpu.memory_space<vmem_shared>>)
      tpu.yield
    }) : () -> ()
    %barrier3A = arith.constant 0 : index
    tpu.barrier barrier_id(%barrier3A)
    %scan3A = arith.constant 0 : i32
    %scan3A_3 = arith.constant 0 : i32
    %scan3A_4 = arith.constant 80 : i32
    %scan3A_5 = arith.addi %scan3A_3, %scan3A_4 : i32
    %scan3A_6 = arith.constant 1 : i32
    scf.for %scan3A_9 = %scan3A_3 to %scan3A_5 step %scan3A_6  : i32 {
      "tpu.region"() ({
        %run_scoped3A = tpu.sem_alloc : memref<!tpu.dma_semaphore, #tpu.memory_space<semaphore_mem>>
        %dma_start3A = arith.constant 0 : i32
        %dma_start3A_10 = tpu.memref_slice %arg6[%scan3A_9, %dma_start3A] : memref<80x125xi32, #tpu.memory_space<vmem>> -> memref<1x125xi32, #tpu.memory_space<vmem>>
        %dma_start3A_11 = tpu.memref_squeeze %dma_start3A_10 : memref<1x125xi32, #tpu.memory_space<vmem>> -> memref<125xi32, #tpu.memory_space<vmem>>
        %dma_start3A_12 = arith.constant 0 : i32
        %dma_start3A_13 = arith.constant 0 : i32
        %dma_start3A_14 = tpu.memref_slice %arg8[%dma_start3A_12, %dma_start3A_13] : memref<10240x16xf32, #tpu.memory_space<vmem_shared>> -> memref<10240x16xf32, #tpu.memory_space<vmem_shared>>
        tpu.enqueue_indirect_dma source(%arg7 : memref<125x16xf32, #tpu.memory_space<vmem>>) target(%dma_start3A_14 : memref<10240x16xf32, #tpu.memory_space<vmem_shared>>) offsets(%dma_start3A_11 : memref<125xi32, #tpu.memory_space<vmem>>) semaphore(%run_scoped3A : memref<!tpu.dma_semaphore, #tpu.memory_space<semaphore_mem>>) {add = true}
        %dma_wait3A = arith.constant 0 : i32
        %dma_wait3A_15 = tpu.memref_slice %arg6[%scan3A_9, %dma_wait3A] : memref<80x125xi32, #tpu.memory_space<vmem>> -> memref<1x125xi32, #tpu.memory_space<vmem>>
        %dma_wait3A_16 = tpu.memref_squeeze %dma_wait3A_15 : memref<1x125xi32, #tpu.memory_space<vmem>> -> memref<125xi32, #tpu.memory_space<vmem>>
        %dma_wait3A_17 = arith.constant 0 : i32
        %dma_wait3A_18 = arith.constant 0 : i32
        %dma_wait3A_19 = tpu.memref_slice %arg8[%dma_wait3A_17, %dma_wait3A_18] : memref<10240x16xf32, #tpu.memory_space<vmem_shared>> -> memref<10240x16xf32, #tpu.memory_space<vmem_shared>>
        tpu.wait_indirect_dma semaphore(%run_scoped3A : memref<!tpu.dma_semaphore, #tpu.memory_space<semaphore_mem>>) src(%arg7 : memref<125x16xf32, #tpu.memory_space<vmem>>) dst(%dma_wait3A_19 : memref<10240x16xf32, #tpu.memory_space<vmem_shared>>)
        tpu.yield
      }) : () -> ()
    }
    %scan3A_7 = arith.constant 80 : i32
    %barrier3A_8 = arith.constant 0 : index
    tpu.barrier barrier_id(%barrier3A_8)
    "tpu.region"() ({
      %run_scoped3A = tpu.sem_alloc : memref<!tpu.dma_semaphore, #tpu.memory_space<semaphore_mem>>
      %dma_start3A = arith.constant 0 : i32
      %dma_start3A_9 = tpu.memref_slice %arg5[%arg0, %mul3A_2, %dma_start3A] : memref<2x10240x16xf32, #tpu.memory_space<hbm>> -> memref<1x640x16xf32, #tpu.memory_space<hbm>>
      %dma_start3A_10 = tpu.memref_squeeze %dma_start3A_9 : memref<1x640x16xf32, #tpu.memory_space<hbm>> -> memref<640x16xf32, #tpu.memory_space<hbm>>
      %dma_start3A_11 = arith.constant 0 : i32
      %dma_start3A_12 = tpu.memref_slice %arg8[%mul3A_2, %dma_start3A_11] : memref<10240x16xf32, #tpu.memory_space<vmem_shared>> -> memref<640x16xf32, #tpu.memory_space<vmem_shared>>
      tpu.enqueue_dma source(%dma_start3A_12 : memref<640x16xf32, #tpu.memory_space<vmem_shared>>) target(%dma_start3A_10 : memref<640x16xf32, #tpu.memory_space<hbm>>) target_semaphore(%run_scoped3A : memref<!tpu.dma_semaphore, #tpu.memory_space<semaphore_mem>>)
      %dma_wait3A = arith.constant 0 : i32
      %dma_wait3A_13 = tpu.memref_slice %arg5[%arg0, %mul3A_2, %dma_wait3A] : memref<2x10240x16xf32, #tpu.memory_space<hbm>> -> memref<1x640x16xf32, #tpu.memory_space<hbm>>
      %dma_wait3A_14 = tpu.memref_squeeze %dma_wait3A_13 : memref<1x640x16xf32, #tpu.memory_space<hbm>> -> memref<640x16xf32, #tpu.memory_space<hbm>>
      %dma_wait3A_15 = arith.constant 0 : i32
      %dma_wait3A_16 = tpu.memref_slice %arg8[%mul3A_2, %dma_wait3A_15] : memref<10240x16xf32, #tpu.memory_space<vmem_shared>> -> memref<640x16xf32, #tpu.memory_space<vmem_shared>>
      tpu.wait_dma2 semaphore(%run_scoped3A : memref<!tpu.dma_semaphore, #tpu.memory_space<semaphore_mem>>) src(%dma_wait3A_16 : memref<640x16xf32, #tpu.memory_space<vmem_shared>>) dst(%dma_wait3A_14 : memref<640x16xf32, #tpu.memory_space<hbm>>)
      tpu.yield
    }) : () -> ()
    return
  }
}

#map = affine_map<(d0, d1) -> (0, 0)>
#map1 = affine_map<(d0, d1) -> (0, 0, 0)>
module attributes {stable_mosaic.version = 14 : i64} {
  func.func @_sc_scatter(%arg0: i32, %arg1: i32, %arg2: memref<40000x96xf32, #tpu.memory_space<hbm>>, %arg3: memref<64x160x125xi32, #tpu.memory_space<hbm>>, %arg4: memref<16x160x125xi32, #tpu.memory_space<hbm>>, %arg5: memref<10240x96xf32, #tpu.memory_space<hbm>>, %arg6: memref<4x10240x96xf32, #tpu.memory_space<hbm>>, %arg7: memref<160x125xi32, #tpu.memory_space<vmem>>, %arg8: memref<160x125xi32, #tpu.memory_space<vmem>>, %arg9: memref<125x96xf32, #tpu.memory_space<vmem>>, %arg10: memref<10240x96xf32, #tpu.memory_space<vmem_shared>>, %arg11: memref<!tpu.dma_semaphore, #tpu.memory_space<semaphore_mem>>) attributes {dimension_semantics = [#tpu.dimension_semantics<core_parallel>, #tpu.dimension_semantics<subcore_parallel>], iteration_bounds = array<i64: 2, 16>, scalar_prefetch = 0 : i64, scratch_operands = 5 : i64, tpu.core_type = #tpu.core_type<sc_vector_subcore>, window_params = [{transform_indices = #map}, {transform_indices = #map1}, {transform_indices = #map1}, {transform_indices = #map}, {transform_indices = #map1}]} {
    %mul3A = arith.constant 640 : i32
    %mul3A_0 = arith.muli %arg1, %mul3A : i32
    "tpu.region"() ({
      %run_scoped3A = tpu.sem_alloc : memref<!tpu.dma_semaphore, #tpu.memory_space<semaphore_mem>>
      %dma_start3A = arith.constant 0 : i32
      %dma_start3A_24 = arith.constant 0 : i32
      %dma_start3A_25 = tpu.memref_slice %arg4[%arg1, %dma_start3A, %dma_start3A_24] : memref<16x160x125xi32, #tpu.memory_space<hbm>> -> memref<1x160x125xi32, #tpu.memory_space<hbm>>
      %dma_start3A_26 = tpu.memref_squeeze %dma_start3A_25 : memref<1x160x125xi32, #tpu.memory_space<hbm>> -> memref<160x125xi32, #tpu.memory_space<hbm>>
      %dma_start3A_27 = arith.constant 0 : i32
      %dma_start3A_28 = arith.constant 0 : i32
      %dma_start3A_29 = tpu.memref_slice %arg4[%arg1, %dma_start3A_27, %dma_start3A_28] : memref<16x160x125xi32, #tpu.memory_space<hbm>> -> memref<1x160x125xi32, #tpu.memory_space<hbm>>
      %dma_start3A_30 = tpu.memref_squeeze %dma_start3A_29 : memref<1x160x125xi32, #tpu.memory_space<hbm>> -> memref<160x125xi32, #tpu.memory_space<hbm>>
      tpu.enqueue_dma source(%dma_start3A_30 : memref<160x125xi32, #tpu.memory_space<hbm>>) target(%arg8 : memref<160x125xi32, #tpu.memory_space<vmem>>) target_semaphore(%run_scoped3A : memref<!tpu.dma_semaphore, #tpu.memory_space<semaphore_mem>>)
      %dma_wait3A = arith.constant 0 : i32
      %dma_wait3A_31 = arith.constant 0 : i32
      %dma_wait3A_32 = tpu.memref_slice %arg4[%arg1, %dma_wait3A, %dma_wait3A_31] : memref<16x160x125xi32, #tpu.memory_space<hbm>> -> memref<1x160x125xi32, #tpu.memory_space<hbm>>
      %dma_wait3A_33 = tpu.memref_squeeze %dma_wait3A_32 : memref<1x160x125xi32, #tpu.memory_space<hbm>> -> memref<160x125xi32, #tpu.memory_space<hbm>>
      %dma_wait3A_34 = arith.constant 0 : i32
      %dma_wait3A_35 = arith.constant 0 : i32
      %dma_wait3A_36 = tpu.memref_slice %arg4[%arg1, %dma_wait3A_34, %dma_wait3A_35] : memref<16x160x125xi32, #tpu.memory_space<hbm>> -> memref<1x160x125xi32, #tpu.memory_space<hbm>>
      %dma_wait3A_37 = tpu.memref_squeeze %dma_wait3A_36 : memref<1x160x125xi32, #tpu.memory_space<hbm>> -> memref<160x125xi32, #tpu.memory_space<hbm>>
      tpu.wait_dma2 semaphore(%run_scoped3A : memref<!tpu.dma_semaphore, #tpu.memory_space<semaphore_mem>>) src(%dma_wait3A_37 : memref<160x125xi32, #tpu.memory_space<hbm>>) dst(%arg8 : memref<160x125xi32, #tpu.memory_space<vmem>>)
      tpu.yield
    }) : () -> ()
    %add3A = arith.constant 0 : i32
    %add3A_1 = arith.addi %add3A, %arg0 : i32
    %mul3A_2 = arith.constant 16 : i32
    %mul3A_3 = arith.muli %add3A_1, %mul3A_2 : i32
    %add3A_4 = arith.addi %mul3A_3, %arg1 : i32
    "tpu.region"() ({
      %run_scoped3A = tpu.sem_alloc : memref<!tpu.dma_semaphore, #tpu.memory_space<semaphore_mem>>
      %dma_start3A = arith.constant 0 : i32
      %dma_start3A_24 = arith.constant 0 : i32
      %dma_start3A_25 = tpu.memref_slice %arg3[%add3A_4, %dma_start3A, %dma_start3A_24] : memref<64x160x125xi32, #tpu.memory_space<hbm>> -> memref<1x160x125xi32, #tpu.memory_space<hbm>>
      %dma_start3A_26 = tpu.memref_squeeze %dma_start3A_25 : memref<1x160x125xi32, #tpu.memory_space<hbm>> -> memref<160x125xi32, #tpu.memory_space<hbm>>
      %dma_start3A_27 = arith.constant 0 : i32
      %dma_start3A_28 = arith.constant 0 : i32
      %dma_start3A_29 = tpu.memref_slice %arg3[%add3A_4, %dma_start3A_27, %dma_start3A_28] : memref<64x160x125xi32, #tpu.memory_space<hbm>> -> memref<1x160x125xi32, #tpu.memory_space<hbm>>
      %dma_start3A_30 = tpu.memref_squeeze %dma_start3A_29 : memref<1x160x125xi32, #tpu.memory_space<hbm>> -> memref<160x125xi32, #tpu.memory_space<hbm>>
      tpu.enqueue_dma source(%dma_start3A_30 : memref<160x125xi32, #tpu.memory_space<hbm>>) target(%arg7 : memref<160x125xi32, #tpu.memory_space<vmem>>) target_semaphore(%run_scoped3A : memref<!tpu.dma_semaphore, #tpu.memory_space<semaphore_mem>>)
      %dma_wait3A = arith.constant 0 : i32
      %dma_wait3A_31 = arith.constant 0 : i32
      %dma_wait3A_32 = tpu.memref_slice %arg3[%add3A_4, %dma_wait3A, %dma_wait3A_31] : memref<64x160x125xi32, #tpu.memory_space<hbm>> -> memref<1x160x125xi32, #tpu.memory_space<hbm>>
      %dma_wait3A_33 = tpu.memref_squeeze %dma_wait3A_32 : memref<1x160x125xi32, #tpu.memory_space<hbm>> -> memref<160x125xi32, #tpu.memory_space<hbm>>
      %dma_wait3A_34 = arith.constant 0 : i32
      %dma_wait3A_35 = arith.constant 0 : i32
      %dma_wait3A_36 = tpu.memref_slice %arg3[%add3A_4, %dma_wait3A_34, %dma_wait3A_35] : memref<64x160x125xi32, #tpu.memory_space<hbm>> -> memref<1x160x125xi32, #tpu.memory_space<hbm>>
      %dma_wait3A_37 = tpu.memref_squeeze %dma_wait3A_36 : memref<1x160x125xi32, #tpu.memory_space<hbm>> -> memref<160x125xi32, #tpu.memory_space<hbm>>
      tpu.wait_dma2 semaphore(%run_scoped3A : memref<!tpu.dma_semaphore, #tpu.memory_space<semaphore_mem>>) src(%dma_wait3A_37 : memref<160x125xi32, #tpu.memory_space<hbm>>) dst(%arg7 : memref<160x125xi32, #tpu.memory_space<vmem>>)
      tpu.yield
    }) : () -> ()
    "tpu.region"() ({
      %run_scoped3A = tpu.sem_alloc : memref<!tpu.dma_semaphore, #tpu.memory_space<semaphore_mem>>
      %dma_start3A = arith.constant 0 : i32
      %dma_start3A_24 = tpu.memref_slice %arg10[%mul3A_0, %dma_start3A] : memref<10240x96xf32, #tpu.memory_space<vmem_shared>> -> memref<640x96xf32, #tpu.memory_space<vmem_shared>>
      %dma_start3A_25 = arith.constant 0 : i32
      %dma_start3A_26 = tpu.memref_slice %arg5[%mul3A_0, %dma_start3A_25] : memref<10240x96xf32, #tpu.memory_space<hbm>> -> memref<640x96xf32, #tpu.memory_space<hbm>>
      tpu.enqueue_dma source(%dma_start3A_26 : memref<640x96xf32, #tpu.memory_space<hbm>>) target(%dma_start3A_24 : memref<640x96xf32, #tpu.memory_space<vmem_shared>>) target_semaphore(%run_scoped3A : memref<!tpu.dma_semaphore, #tpu.memory_space<semaphore_mem>>)
      %dma_wait3A = arith.constant 0 : i32
      %dma_wait3A_27 = tpu.memref_slice %arg10[%mul3A_0, %dma_wait3A] : memref<10240x96xf32, #tpu.memory_space<vmem_shared>> -> memref<640x96xf32, #tpu.memory_space<vmem_shared>>
      %dma_wait3A_28 = arith.constant 0 : i32
      %dma_wait3A_29 = tpu.memref_slice %arg5[%mul3A_0, %dma_wait3A_28] : memref<10240x96xf32, #tpu.memory_space<hbm>> -> memref<640x96xf32, #tpu.memory_space<hbm>>
      tpu.wait_dma2 semaphore(%run_scoped3A : memref<!tpu.dma_semaphore, #tpu.memory_space<semaphore_mem>>) src(%dma_wait3A_29 : memref<640x96xf32, #tpu.memory_space<hbm>>) dst(%dma_wait3A_27 : memref<640x96xf32, #tpu.memory_space<vmem_shared>>)
      tpu.yield
    }) : () -> ()
    %barrier3A = arith.constant 0 : index
    tpu.barrier barrier_id(%barrier3A)
    %scan3A = arith.constant 0 : i32
    %scan3A_5 = arith.constant 0 : i32
    %scan3A_6 = arith.constant 160 : i32
    %scan3A_7 = arith.addi %scan3A_5, %scan3A_6 : i32
    %scan3A_8 = arith.constant 1 : i32
    scf.for %scan3A_24 = %scan3A_5 to %scan3A_7 step %scan3A_8  : i32 {
      %dma_start3A = arith.constant 0 : i32
      %dma_start3A_25 = tpu.memref_slice %arg7[%scan3A_24, %dma_start3A] : memref<160x125xi32, #tpu.memory_space<vmem>> -> memref<1x125xi32, #tpu.memory_space<vmem>>
      %dma_start3A_26 = tpu.memref_squeeze %dma_start3A_25 : memref<1x125xi32, #tpu.memory_space<vmem>> -> memref<125xi32, #tpu.memory_space<vmem>>
      %dma_start3A_27 = arith.constant 0 : i32
      %dma_start3A_28 = arith.constant 0 : i32
      %dma_start3A_29 = tpu.memref_slice %arg2[%dma_start3A_27, %dma_start3A_28] : memref<40000x96xf32, #tpu.memory_space<hbm>> -> memref<40000x96xf32, #tpu.memory_space<hbm>>
      tpu.enqueue_indirect_dma source(%dma_start3A_29 : memref<40000x96xf32, #tpu.memory_space<hbm>>) target(%arg9 : memref<125x96xf32, #tpu.memory_space<vmem>>) offsets(%dma_start3A_26 : memref<125xi32, #tpu.memory_space<vmem>>) semaphore(%arg11 : memref<!tpu.dma_semaphore, #tpu.memory_space<semaphore_mem>>)
      %dma_wait3A = arith.constant 0 : i32
      %dma_wait3A_30 = tpu.memref_slice %arg7[%scan3A_24, %dma_wait3A] : memref<160x125xi32, #tpu.memory_space<vmem>> -> memref<1x125xi32, #tpu.memory_space<vmem>>
      %dma_wait3A_31 = tpu.memref_squeeze %dma_wait3A_30 : memref<1x125xi32, #tpu.memory_space<vmem>> -> memref<125xi32, #tpu.memory_space<vmem>>
      %dma_wait3A_32 = arith.constant 0 : i32
      %dma_wait3A_33 = arith.constant 0 : i32
      %dma_wait3A_34 = tpu.memref_slice %arg2[%dma_wait3A_32, %dma_wait3A_33] : memref<40000x96xf32, #tpu.memory_space<hbm>> -> memref<40000x96xf32, #tpu.memory_space<hbm>>
      tpu.wait_indirect_dma semaphore(%arg11 : memref<!tpu.dma_semaphore, #tpu.memory_space<semaphore_mem>>) src(%dma_wait3A_34 : memref<40000x96xf32, #tpu.memory_space<hbm>>) dst(%arg9 : memref<125x96xf32, #tpu.memory_space<vmem>>)
      "tpu.region"() ({
        %run_scoped3A = tpu.sem_alloc : memref<!tpu.dma_semaphore, #tpu.memory_space<semaphore_mem>>
        %dma_start3A_35 = arith.constant 0 : i32
        %dma_start3A_36 = tpu.memref_slice %arg8[%scan3A_24, %dma_start3A_35] : memref<160x125xi32, #tpu.memory_space<vmem>> -> memref<1x125xi32, #tpu.memory_space<vmem>>
        %dma_start3A_37 = tpu.memref_squeeze %dma_start3A_36 : memref<1x125xi32, #tpu.memory_space<vmem>> -> memref<125xi32, #tpu.memory_space<vmem>>
        %dma_start3A_38 = arith.constant 0 : i32
        %dma_start3A_39 = arith.constant 0 : i32
        %dma_start3A_40 = tpu.memref_slice %arg10[%dma_start3A_38, %dma_start3A_39] : memref<10240x96xf32, #tpu.memory_space<vmem_shared>> -> memref<10240x96xf32, #tpu.memory_space<vmem_shared>>
        tpu.enqueue_indirect_dma source(%arg9 : memref<125x96xf32, #tpu.memory_space<vmem>>) target(%dma_start3A_40 : memref<10240x96xf32, #tpu.memory_space<vmem_shared>>) offsets(%dma_start3A_37 : memref<125xi32, #tpu.memory_space<vmem>>) semaphore(%run_scoped3A : memref<!tpu.dma_semaphore, #tpu.memory_space<semaphore_mem>>) {add = true}
        %dma_wait3A_41 = arith.constant 0 : i32
        %dma_wait3A_42 = tpu.memref_slice %arg8[%scan3A_24, %dma_wait3A_41] : memref<160x125xi32, #tpu.memory_space<vmem>> -> memref<1x125xi32, #tpu.memory_space<vmem>>
        %dma_wait3A_43 = tpu.memref_squeeze %dma_wait3A_42 : memref<1x125xi32, #tpu.memory_space<vmem>> -> memref<125xi32, #tpu.memory_space<vmem>>
        %dma_wait3A_44 = arith.constant 0 : i32
        %dma_wait3A_45 = arith.constant 0 : i32
        %dma_wait3A_46 = tpu.memref_slice %arg10[%dma_wait3A_44, %dma_wait3A_45] : memref<10240x96xf32, #tpu.memory_space<vmem_shared>> -> memref<10240x96xf32, #tpu.memory_space<vmem_shared>>
        tpu.wait_indirect_dma semaphore(%run_scoped3A : memref<!tpu.dma_semaphore, #tpu.memory_space<semaphore_mem>>) src(%arg9 : memref<125x96xf32, #tpu.memory_space<vmem>>) dst(%dma_wait3A_46 : memref<10240x96xf32, #tpu.memory_space<vmem_shared>>)
        tpu.yield
      }) : () -> ()
    }
    %scan3A_9 = arith.constant 160 : i32
    %barrier3A_10 = arith.constant 0 : index
    tpu.barrier barrier_id(%barrier3A_10)
    "tpu.region"() ({
      %run_scoped3A = tpu.sem_alloc : memref<!tpu.dma_semaphore, #tpu.memory_space<semaphore_mem>>
      %dma_start3A = arith.constant 0 : i32
      %dma_start3A_24 = tpu.memref_slice %arg6[%add3A_1, %mul3A_0, %dma_start3A] : memref<4x10240x96xf32, #tpu.memory_space<hbm>> -> memref<1x640x96xf32, #tpu.memory_space<hbm>>
      %dma_start3A_25 = tpu.memref_squeeze %dma_start3A_24 : memref<1x640x96xf32, #tpu.memory_space<hbm>> -> memref<640x96xf32, #tpu.memory_space<hbm>>
      %dma_start3A_26 = arith.constant 0 : i32
      %dma_start3A_27 = tpu.memref_slice %arg10[%mul3A_0, %dma_start3A_26] : memref<10240x96xf32, #tpu.memory_space<vmem_shared>> -> memref<640x96xf32, #tpu.memory_space<vmem_shared>>
      tpu.enqueue_dma source(%dma_start3A_27 : memref<640x96xf32, #tpu.memory_space<vmem_shared>>) target(%dma_start3A_25 : memref<640x96xf32, #tpu.memory_space<hbm>>) target_semaphore(%run_scoped3A : memref<!tpu.dma_semaphore, #tpu.memory_space<semaphore_mem>>)
      %dma_wait3A = arith.constant 0 : i32
      %dma_wait3A_28 = tpu.memref_slice %arg6[%add3A_1, %mul3A_0, %dma_wait3A] : memref<4x10240x96xf32, #tpu.memory_space<hbm>> -> memref<1x640x96xf32, #tpu.memory_space<hbm>>
      %dma_wait3A_29 = tpu.memref_squeeze %dma_wait3A_28 : memref<1x640x96xf32, #tpu.memory_space<hbm>> -> memref<640x96xf32, #tpu.memory_space<hbm>>
      %dma_wait3A_30 = arith.constant 0 : i32
      %dma_wait3A_31 = tpu.memref_slice %arg10[%mul3A_0, %dma_wait3A_30] : memref<10240x96xf32, #tpu.memory_space<vmem_shared>> -> memref<640x96xf32, #tpu.memory_space<vmem_shared>>
      tpu.wait_dma2 semaphore(%run_scoped3A : memref<!tpu.dma_semaphore, #tpu.memory_space<semaphore_mem>>) src(%dma_wait3A_31 : memref<640x96xf32, #tpu.memory_space<vmem_shared>>) dst(%dma_wait3A_29 : memref<640x96xf32, #tpu.memory_space<hbm>>)
      tpu.yield
    }) : () -> ()
    %add3A_11 = arith.constant 2 : i32
    %add3A_12 = arith.addi %add3A_11, %arg0 : i32
    %mul3A_13 = arith.constant 16 : i32
    %mul3A_14 = arith.muli %add3A_12, %mul3A_13 : i32
    %add3A_15 = arith.addi %mul3A_14, %arg1 : i32
    "tpu.region"() ({
      %run_scoped3A = tpu.sem_alloc : memref<!tpu.dma_semaphore, #tpu.memory_space<semaphore_mem>>
      %dma_start3A = arith.constant 0 : i32
      %dma_start3A_24 = arith.constant 0 : i32
      %dma_start3A_25 = tpu.memref_slice %arg3[%add3A_15, %dma_start3A, %dma_start3A_24] : memref<64x160x125xi32, #tpu.memory_space<hbm>> -> memref<1x160x125xi32, #tpu.memory_space<hbm>>
      %dma_start3A_26 = tpu.memref_squeeze %dma_start3A_25 : memref<1x160x125xi32, #tpu.memory_space<hbm>> -> memref<160x125xi32, #tpu.memory_space<hbm>>
      %dma_start3A_27 = arith.constant 0 : i32
      %dma_start3A_28 = arith.constant 0 : i32
      %dma_start3A_29 = tpu.memref_slice %arg3[%add3A_15, %dma_start3A_27, %dma_start3A_28] : memref<64x160x125xi32, #tpu.memory_space<hbm>> -> memref<1x160x125xi32, #tpu.memory_space<hbm>>
      %dma_start3A_30 = tpu.memref_squeeze %dma_start3A_29 : memref<1x160x125xi32, #tpu.memory_space<hbm>> -> memref<160x125xi32, #tpu.memory_space<hbm>>
      tpu.enqueue_dma source(%dma_start3A_30 : memref<160x125xi32, #tpu.memory_space<hbm>>) target(%arg7 : memref<160x125xi32, #tpu.memory_space<vmem>>) target_semaphore(%run_scoped3A : memref<!tpu.dma_semaphore, #tpu.memory_space<semaphore_mem>>)
      %dma_wait3A = arith.constant 0 : i32
      %dma_wait3A_31 = arith.constant 0 : i32
      %dma_wait3A_32 = tpu.memref_slice %arg3[%add3A_15, %dma_wait3A, %dma_wait3A_31] : memref<64x160x125xi32, #tpu.memory_space<hbm>> -> memref<1x160x125xi32, #tpu.memory_space<hbm>>
      %dma_wait3A_33 = tpu.memref_squeeze %dma_wait3A_32 : memref<1x160x125xi32, #tpu.memory_space<hbm>> -> memref<160x125xi32, #tpu.memory_space<hbm>>
      %dma_wait3A_34 = arith.constant 0 : i32
      %dma_wait3A_35 = arith.constant 0 : i32
      %dma_wait3A_36 = tpu.memref_slice %arg3[%add3A_15, %dma_wait3A_34, %dma_wait3A_35] : memref<64x160x125xi32, #tpu.memory_space<hbm>> -> memref<1x160x125xi32, #tpu.memory_space<hbm>>
      %dma_wait3A_37 = tpu.memref_squeeze %dma_wait3A_36 : memref<1x160x125xi32, #tpu.memory_space<hbm>> -> memref<160x125xi32, #tpu.memory_space<hbm>>
      tpu.wait_dma2 semaphore(%run_scoped3A : memref<!tpu.dma_semaphore, #tpu.memory_space<semaphore_mem>>) src(%dma_wait3A_37 : memref<160x125xi32, #tpu.memory_space<hbm>>) dst(%arg7 : memref<160x125xi32, #tpu.memory_space<vmem>>)
      tpu.yield
    }) : () -> ()
    "tpu.region"() ({
      %run_scoped3A = tpu.sem_alloc : memref<!tpu.dma_semaphore, #tpu.memory_space<semaphore_mem>>
      %dma_start3A = arith.constant 0 : i32
      %dma_start3A_24 = tpu.memref_slice %arg10[%mul3A_0, %dma_start3A] : memref<10240x96xf32, #tpu.memory_space<vmem_shared>> -> memref<640x96xf32, #tpu.memory_space<vmem_shared>>
      %dma_start3A_25 = arith.constant 0 : i32
      %dma_start3A_26 = tpu.memref_slice %arg5[%mul3A_0, %dma_start3A_25] : memref<10240x96xf32, #tpu.memory_space<hbm>> -> memref<640x96xf32, #tpu.memory_space<hbm>>
      tpu.enqueue_dma source(%dma_start3A_26 : memref<640x96xf32, #tpu.memory_space<hbm>>) target(%dma_start3A_24 : memref<640x96xf32, #tpu.memory_space<vmem_shared>>) target_semaphore(%run_scoped3A : memref<!tpu.dma_semaphore, #tpu.memory_space<semaphore_mem>>)
      %dma_wait3A = arith.constant 0 : i32
      %dma_wait3A_27 = tpu.memref_slice %arg10[%mul3A_0, %dma_wait3A] : memref<10240x96xf32, #tpu.memory_space<vmem_shared>> -> memref<640x96xf32, #tpu.memory_space<vmem_shared>>
      %dma_wait3A_28 = arith.constant 0 : i32
      %dma_wait3A_29 = tpu.memref_slice %arg5[%mul3A_0, %dma_wait3A_28] : memref<10240x96xf32, #tpu.memory_space<hbm>> -> memref<640x96xf32, #tpu.memory_space<hbm>>
      tpu.wait_dma2 semaphore(%run_scoped3A : memref<!tpu.dma_semaphore, #tpu.memory_space<semaphore_mem>>) src(%dma_wait3A_29 : memref<640x96xf32, #tpu.memory_space<hbm>>) dst(%dma_wait3A_27 : memref<640x96xf32, #tpu.memory_space<vmem_shared>>)
      tpu.yield
    }) : () -> ()
    %barrier3A_16 = arith.constant 0 : index
    tpu.barrier barrier_id(%barrier3A_16)
    %scan3A_17 = arith.constant 0 : i32
    %scan3A_18 = arith.constant 0 : i32
    %scan3A_19 = arith.constant 160 : i32
    %scan3A_20 = arith.addi %scan3A_18, %scan3A_19 : i32
    %scan3A_21 = arith.constant 1 : i32
    scf.for %scan3A_24 = %scan3A_18 to %scan3A_20 step %scan3A_21  : i32 {
      %dma_start3A = arith.constant 0 : i32
      %dma_start3A_25 = tpu.memref_slice %arg7[%scan3A_24, %dma_start3A] : memref<160x125xi32, #tpu.memory_space<vmem>> -> memref<1x125xi32, #tpu.memory_space<vmem>>
      %dma_start3A_26 = tpu.memref_squeeze %dma_start3A_25 : memref<1x125xi32, #tpu.memory_space<vmem>> -> memref<125xi32, #tpu.memory_space<vmem>>
      %dma_start3A_27 = arith.constant 0 : i32
      %dma_start3A_28 = arith.constant 0 : i32
      %dma_start3A_29 = tpu.memref_slice %arg2[%dma_start3A_27, %dma_start3A_28] : memref<40000x96xf32, #tpu.memory_space<hbm>> -> memref<40000x96xf32, #tpu.memory_space<hbm>>
      tpu.enqueue_indirect_dma source(%dma_start3A_29 : memref<40000x96xf32, #tpu.memory_space<hbm>>) target(%arg9 : memref<125x96xf32, #tpu.memory_space<vmem>>) offsets(%dma_start3A_26 : memref<125xi32, #tpu.memory_space<vmem>>) semaphore(%arg11 : memref<!tpu.dma_semaphore, #tpu.memory_space<semaphore_mem>>)
      %dma_wait3A = arith.constant 0 : i32
      %dma_wait3A_30 = tpu.memref_slice %arg7[%scan3A_24, %dma_wait3A] : memref<160x125xi32, #tpu.memory_space<vmem>> -> memref<1x125xi32, #tpu.memory_space<vmem>>
      %dma_wait3A_31 = tpu.memref_squeeze %dma_wait3A_30 : memref<1x125xi32, #tpu.memory_space<vmem>> -> memref<125xi32, #tpu.memory_space<vmem>>
      %dma_wait3A_32 = arith.constant 0 : i32
      %dma_wait3A_33 = arith.constant 0 : i32
      %dma_wait3A_34 = tpu.memref_slice %arg2[%dma_wait3A_32, %dma_wait3A_33] : memref<40000x96xf32, #tpu.memory_space<hbm>> -> memref<40000x96xf32, #tpu.memory_space<hbm>>
      tpu.wait_indirect_dma semaphore(%arg11 : memref<!tpu.dma_semaphore, #tpu.memory_space<semaphore_mem>>) src(%dma_wait3A_34 : memref<40000x96xf32, #tpu.memory_space<hbm>>) dst(%arg9 : memref<125x96xf32, #tpu.memory_space<vmem>>)
      "tpu.region"() ({
        %run_scoped3A = tpu.sem_alloc : memref<!tpu.dma_semaphore, #tpu.memory_space<semaphore_mem>>
        %dma_start3A_35 = arith.constant 0 : i32
        %dma_start3A_36 = tpu.memref_slice %arg8[%scan3A_24, %dma_start3A_35] : memref<160x125xi32, #tpu.memory_space<vmem>> -> memref<1x125xi32, #tpu.memory_space<vmem>>
        %dma_start3A_37 = tpu.memref_squeeze %dma_start3A_36 : memref<1x125xi32, #tpu.memory_space<vmem>> -> memref<125xi32, #tpu.memory_space<vmem>>
        %dma_start3A_38 = arith.constant 0 : i32
        %dma_start3A_39 = arith.constant 0 : i32
        %dma_start3A_40 = tpu.memref_slice %arg10[%dma_start3A_38, %dma_start3A_39] : memref<10240x96xf32, #tpu.memory_space<vmem_shared>> -> memref<10240x96xf32, #tpu.memory_space<vmem_shared>>
        tpu.enqueue_indirect_dma source(%arg9 : memref<125x96xf32, #tpu.memory_space<vmem>>) target(%dma_start3A_40 : memref<10240x96xf32, #tpu.memory_space<vmem_shared>>) offsets(%dma_start3A_37 : memref<125xi32, #tpu.memory_space<vmem>>) semaphore(%run_scoped3A : memref<!tpu.dma_semaphore, #tpu.memory_space<semaphore_mem>>) {add = true}
        %dma_wait3A_41 = arith.constant 0 : i32
        %dma_wait3A_42 = tpu.memref_slice %arg8[%scan3A_24, %dma_wait3A_41] : memref<160x125xi32, #tpu.memory_space<vmem>> -> memref<1x125xi32, #tpu.memory_space<vmem>>
        %dma_wait3A_43 = tpu.memref_squeeze %dma_wait3A_42 : memref<1x125xi32, #tpu.memory_space<vmem>> -> memref<125xi32, #tpu.memory_space<vmem>>
        %dma_wait3A_44 = arith.constant 0 : i32
        %dma_wait3A_45 = arith.constant 0 : i32
        %dma_wait3A_46 = tpu.memref_slice %arg10[%dma_wait3A_44, %dma_wait3A_45] : memref<10240x96xf32, #tpu.memory_space<vmem_shared>> -> memref<10240x96xf32, #tpu.memory_space<vmem_shared>>
        tpu.wait_indirect_dma semaphore(%run_scoped3A : memref<!tpu.dma_semaphore, #tpu.memory_space<semaphore_mem>>) src(%arg9 : memref<125x96xf32, #tpu.memory_space<vmem>>) dst(%dma_wait3A_46 : memref<10240x96xf32, #tpu.memory_space<vmem_shared>>)
        tpu.yield
      }) : () -> ()
    }
    %scan3A_22 = arith.constant 160 : i32
    %barrier3A_23 = arith.constant 0 : index
    tpu.barrier barrier_id(%barrier3A_23)
    "tpu.region"() ({
      %run_scoped3A = tpu.sem_alloc : memref<!tpu.dma_semaphore, #tpu.memory_space<semaphore_mem>>
      %dma_start3A = arith.constant 0 : i32
      %dma_start3A_24 = tpu.memref_slice %arg6[%add3A_12, %mul3A_0, %dma_start3A] : memref<4x10240x96xf32, #tpu.memory_space<hbm>> -> memref<1x640x96xf32, #tpu.memory_space<hbm>>
      %dma_start3A_25 = tpu.memref_squeeze %dma_start3A_24 : memref<1x640x96xf32, #tpu.memory_space<hbm>> -> memref<640x96xf32, #tpu.memory_space<hbm>>
      %dma_start3A_26 = arith.constant 0 : i32
      %dma_start3A_27 = tpu.memref_slice %arg10[%mul3A_0, %dma_start3A_26] : memref<10240x96xf32, #tpu.memory_space<vmem_shared>> -> memref<640x96xf32, #tpu.memory_space<vmem_shared>>
      tpu.enqueue_dma source(%dma_start3A_27 : memref<640x96xf32, #tpu.memory_space<vmem_shared>>) target(%dma_start3A_25 : memref<640x96xf32, #tpu.memory_space<hbm>>) target_semaphore(%run_scoped3A : memref<!tpu.dma_semaphore, #tpu.memory_space<semaphore_mem>>)
      %dma_wait3A = arith.constant 0 : i32
      %dma_wait3A_28 = tpu.memref_slice %arg6[%add3A_12, %mul3A_0, %dma_wait3A] : memref<4x10240x96xf32, #tpu.memory_space<hbm>> -> memref<1x640x96xf32, #tpu.memory_space<hbm>>
      %dma_wait3A_29 = tpu.memref_squeeze %dma_wait3A_28 : memref<1x640x96xf32, #tpu.memory_space<hbm>> -> memref<640x96xf32, #tpu.memory_space<hbm>>
      %dma_wait3A_30 = arith.constant 0 : i32
      %dma_wait3A_31 = tpu.memref_slice %arg10[%mul3A_0, %dma_wait3A_30] : memref<10240x96xf32, #tpu.memory_space<vmem_shared>> -> memref<640x96xf32, #tpu.memory_space<vmem_shared>>
      tpu.wait_dma2 semaphore(%run_scoped3A : memref<!tpu.dma_semaphore, #tpu.memory_space<semaphore_mem>>) src(%dma_wait3A_31 : memref<640x96xf32, #tpu.memory_space<vmem_shared>>) dst(%dma_wait3A_29 : memref<640x96xf32, #tpu.memory_space<hbm>>)
      tpu.yield
    }) : () -> ()
    return
  }
}

module attributes {stable_mosaic.version = 14 : i64} {
  func.func @_tc_prep0_body(%arg0: i32, %arg1: memref<1000x128xf32, #tpu.memory_space<vmem>>, %arg2: memref<2x1000x16xf32, #tpu.memory_space<vmem>>, %arg3: memref<1000x1xf32, #tpu.memory_space<vmem>>, %arg4: memref<1x128xf32, #tpu.memory_space<vmem>>, %arg5: memref<128x128xf32, #tpu.memory_space<vmem>>, %arg6: memref<1x128xf32, #tpu.memory_space<vmem>>, %arg7: memref<1x128xf32, #tpu.memory_space<vmem>>, %arg8: memref<128x128xf32, #tpu.memory_space<vmem>>, %arg9: memref<1x128xf32, #tpu.memory_space<vmem>>, %arg10: memref<1x128xf32, #tpu.memory_space<vmem>>, %arg11: memref<1x128xf32, #tpu.memory_space<vmem>>, %arg12: memref<128x128xf32, #tpu.memory_space<vmem>>, %arg13: memref<1000x384xf32, #tpu.memory_space<vmem>>) attributes {dimension_semantics = [#tpu.dimension_semantics<arbitrary>], iteration_bounds = array<i64: 10>, scalar_prefetch = 0 : i64, scratch_operands = 0 : i64, tpu.core_type = #tpu.core_type<tc>, window_params = [{transform_indices = @transform_0, window_bounds = array<i64: 1000, 128>}, {transform_indices = @transform_1, window_bounds = array<i64: 2, 1000, 16>}, {transform_indices = @transform_2, window_bounds = array<i64: 1000, 1>}, {pipeline_mode = #tpu.pipeline_mode<synchronous>, transform_indices = @transform_3, window_bounds = array<i64: 1, 128>}, {pipeline_mode = #tpu.pipeline_mode<synchronous>, transform_indices = @transform_4, window_bounds = array<i64: 128, 128>}, {pipeline_mode = #tpu.pipeline_mode<synchronous>, transform_indices = @transform_5, window_bounds = array<i64: 1, 128>}, {pipeline_mode = #tpu.pipeline_mode<synchronous>, transform_indices = @transform_6, window_bounds = array<i64: 1, 128>}, {pipeline_mode = #tpu.pipeline_mode<synchronous>, transform_indices = @transform_7, window_bounds = array<i64: 128, 128>}, {pipeline_mode = #tpu.pipeline_mode<synchronous>, transform_indices = @transform_8, window_bounds = array<i64: 1, 128>}, {pipeline_mode = #tpu.pipeline_mode<synchronous>, transform_indices = @transform_9, window_bounds = array<i64: 1, 128>}, {pipeline_mode = #tpu.pipeline_mode<synchronous>, transform_indices = @transform_10, window_bounds = array<i64: 1, 128>}, {pipeline_mode = #tpu.pipeline_mode<synchronous>, transform_indices = @transform_11, window_bounds = array<i64: 128, 128>}, {transform_indices = @transform_12, window_bounds = array<i64: 1000, 384>}]} {
    %get3A = arith.constant 0 : index
    %get3A_0 = arith.constant 0 : index
    %get3A_1 = arith.constant 0 : index
    %get3A_2 = vector.load %arg2[%get3A, %get3A_0, %get3A_1] : memref<2x1000x16xf32, #tpu.memory_space<vmem>>, vector<2x1000x16xf32>
    %slice3A = vector.extract_strided_slice %get3A_2 {offsets = [0, 0, 0], sizes = [1, 1000, 1], strides = [1, 1, 1]} : vector<2x1000x16xf32> to vector<1x1000x1xf32>
    %squeeze3A = vector.shape_cast %slice3A : vector<1x1000x1xf32> to vector<1000x1xf32>
    %slice3A_3 = vector.extract_strided_slice %get3A_2 {offsets = [1, 0, 0], sizes = [1, 1000, 1], strides = [1, 1, 1]} : vector<2x1000x16xf32> to vector<1x1000x1xf32>
    %squeeze3A_4 = vector.shape_cast %slice3A_3 : vector<1x1000x1xf32> to vector<1000x1xf32>
    %add3A = arith.addf %squeeze3A, %squeeze3A_4 : vector<1000x1xf32>
    %add3A_5 = arith.constant 1.000000e+00 : f32
    %add3A_6 = vector.broadcast %add3A_5 : f32 to vector<1000x1xf32>
    %add3A_7 = arith.addf %add3A, %add3A_6 : vector<1000x1xf32>
    %rsqrt3A = math.rsqrt %add3A_7 : vector<1000x1xf32>
    %get3A_8 = arith.constant 0 : index
    %get3A_9 = arith.constant 0 : index
    %get3A_10 = vector.load %arg3[%get3A_8, %get3A_9] : memref<1000x1xf32, #tpu.memory_space<vmem>>, vector<1000x1xf32>
    %get3A_11 = arith.constant 0 : index
    %get3A_12 = arith.constant 0 : index
    %get3A_13 = vector.load %arg4[%get3A_11, %get3A_12] : memref<1x128xf32, #tpu.memory_space<vmem>>, vector<1x128xf32>
    %mul3A = vector.broadcast %get3A_10 : vector<1000x1xf32> to vector<1000x128xf32>
    %mul3A_14 = vector.broadcast %get3A_13 : vector<1x128xf32> to vector<1000x128xf32>
    %mul3A_15 = arith.mulf %mul3A, %mul3A_14 : vector<1000x128xf32>
    %mul3A_16 = vector.broadcast %rsqrt3A : vector<1000x1xf32> to vector<1000x128xf32>
    %mul3A_17 = arith.mulf %mul3A_16, %mul3A_15 : vector<1000x128xf32>
    %get3A_18 = arith.constant 0 : index
    %get3A_19 = arith.constant 0 : index
    %get3A_20 = vector.load %arg1[%get3A_18, %get3A_19] : memref<1000x128xf32, #tpu.memory_space<vmem>>, vector<1000x128xf32>
    %get3A_21 = arith.constant 0 : index
    %get3A_22 = arith.constant 0 : index
    %get3A_23 = vector.load %arg5[%get3A_21, %get3A_22] : memref<128x128xf32, #tpu.memory_space<vmem>>, vector<128x128xf32>
    %dot_general3A = arith.constant dense<0.000000e+00> : vector<1000x128xf32>
    %dot_general3A_24 = tpu.matmul %get3A_20, %get3A_23, %dot_general3A {dimension_numbers = #tpu.dot_dimension_numbers<[1], [0], [0], [1], [0, 0, 1, 1], [], []>, transpose_lhs_hint = false} : vector<1000x128xf32>, vector<128x128xf32>, vector<1000x128xf32> -> vector<1000x128xf32>
    %mul3A_25 = vector.broadcast %rsqrt3A : vector<1000x1xf32> to vector<1000x128xf32>
    %mul3A_26 = arith.mulf %mul3A_25, %dot_general3A_24 : vector<1000x128xf32>
    %get3A_27 = arith.constant 0 : index
    %get3A_28 = arith.constant 0 : index
    %get3A_29 = vector.load %arg6[%get3A_27, %get3A_28] : memref<1x128xf32, #tpu.memory_space<vmem>>, vector<1x128xf32>
    %mul3A_30 = vector.broadcast %get3A_10 : vector<1000x1xf32> to vector<1000x128xf32>
    %mul3A_31 = vector.broadcast %get3A_29 : vector<1x128xf32> to vector<1000x128xf32>
    %mul3A_32 = arith.mulf %mul3A_30, %mul3A_31 : vector<1000x128xf32>
    %get3A_33 = arith.constant 0 : index
    %get3A_34 = arith.constant 0 : index
    %get3A_35 = vector.load %arg7[%get3A_33, %get3A_34] : memref<1x128xf32, #tpu.memory_space<vmem>>, vector<1x128xf32>
    %add3A_36 = vector.broadcast %get3A_35 : vector<1x128xf32> to vector<1000x128xf32>
    %add3A_37 = arith.addf %mul3A_32, %add3A_36 : vector<1000x128xf32>
    %get3A_38 = arith.constant 0 : index
    %get3A_39 = arith.constant 0 : index
    %get3A_40 = vector.load %arg1[%get3A_38, %get3A_39] : memref<1000x128xf32, #tpu.memory_space<vmem>>, vector<1000x128xf32>
    %get3A_41 = arith.constant 0 : index
    %get3A_42 = arith.constant 0 : index
    %get3A_43 = vector.load %arg8[%get3A_41, %get3A_42] : memref<128x128xf32, #tpu.memory_space<vmem>>, vector<128x128xf32>
    %dot_general3A_44 = arith.constant dense<0.000000e+00> : vector<1000x128xf32>
    %dot_general3A_45 = tpu.matmul %get3A_40, %get3A_43, %dot_general3A_44 {dimension_numbers = #tpu.dot_dimension_numbers<[1], [0], [0], [1], [0, 0, 1, 1], [], []>, transpose_lhs_hint = false} : vector<1000x128xf32>, vector<128x128xf32>, vector<1000x128xf32> -> vector<1000x128xf32>
    %get3A_46 = arith.constant 0 : index
    %get3A_47 = arith.constant 0 : index
    %get3A_48 = vector.load %arg9[%get3A_46, %get3A_47] : memref<1x128xf32, #tpu.memory_space<vmem>>, vector<1x128xf32>
    %add3A_49 = vector.broadcast %get3A_48 : vector<1x128xf32> to vector<1000x128xf32>
    %add3A_50 = arith.addf %dot_general3A_45, %add3A_49 : vector<1000x128xf32>
    %get3A_51 = arith.constant 0 : index
    %get3A_52 = arith.constant 0 : index
    %get3A_53 = vector.load %arg10[%get3A_51, %get3A_52] : memref<1x128xf32, #tpu.memory_space<vmem>>, vector<1x128xf32>
    %get3A_54 = arith.constant 0 : index
    %get3A_55 = arith.constant 0 : index
    %get3A_56 = vector.load %arg11[%get3A_54, %get3A_55] : memref<1x128xf32, #tpu.memory_space<vmem>>, vector<1x128xf32>
    %mul3A_57 = vector.broadcast %get3A_53 : vector<1x128xf32> to vector<1000x128xf32>
    %mul3A_58 = arith.mulf %add3A_37, %mul3A_57 : vector<1000x128xf32>
    %reduce_sum3A = arith.constant dense<0.000000e+00> : vector<1000xf32>
    %reduce_sum3A_59 = vector.multi_reduction <add>, %mul3A_58, %reduce_sum3A [1] : vector<1000x128xf32> to vector<1000xf32>
    %broadcast_in_dim3A = vector.shape_cast %reduce_sum3A_59 : vector<1000xf32> to vector<1000x1xf32>
    %mul3A_60 = vector.broadcast %get3A_56 : vector<1x128xf32> to vector<1000x128xf32>
    %mul3A_61 = arith.mulf %add3A_50, %mul3A_60 : vector<1000x128xf32>
    %reduce_sum3A_62 = arith.constant dense<0.000000e+00> : vector<1000xf32>
    %reduce_sum3A_63 = vector.multi_reduction <add>, %mul3A_61, %reduce_sum3A_62 [1] : vector<1000x128xf32> to vector<1000xf32>
    %broadcast_in_dim3A_64 = vector.shape_cast %reduce_sum3A_63 : vector<1000xf32> to vector<1000x1xf32>
    %max3A = arith.maximumf %broadcast_in_dim3A, %broadcast_in_dim3A_64 : vector<1000x1xf32>
    %sub3A = arith.subf %broadcast_in_dim3A, %max3A : vector<1000x1xf32>
    %exp3A = math.exp %sub3A : vector<1000x1xf32>
    %sub3A_65 = arith.subf %broadcast_in_dim3A_64, %max3A : vector<1000x1xf32>
    %exp3A_66 = math.exp %sub3A_65 : vector<1000x1xf32>
    %mul3A_67 = vector.broadcast %exp3A : vector<1000x1xf32> to vector<1000x128xf32>
    %mul3A_68 = arith.mulf %mul3A_67, %add3A_37 : vector<1000x128xf32>
    %mul3A_69 = vector.broadcast %exp3A_66 : vector<1000x1xf32> to vector<1000x128xf32>
    %mul3A_70 = arith.mulf %mul3A_69, %add3A_50 : vector<1000x128xf32>
    %add3A_71 = arith.addf %mul3A_68, %mul3A_70 : vector<1000x128xf32>
    %add3A_72 = arith.addf %exp3A, %exp3A_66 : vector<1000x1xf32>
    %div3A = vector.broadcast %add3A_72 : vector<1000x1xf32> to vector<1000x128xf32>
    %div3A_73 = arith.divf %add3A_71, %div3A : vector<1000x128xf32>
    %get3A_74 = arith.constant 0 : index
    %get3A_75 = arith.constant 0 : index
    %get3A_76 = vector.load %arg12[%get3A_74, %get3A_75] : memref<128x128xf32, #tpu.memory_space<vmem>>, vector<128x128xf32>
    %dot_general3A_77 = arith.constant dense<0.000000e+00> : vector<1000x128xf32>
    %dot_general3A_78 = tpu.matmul %div3A_73, %get3A_76, %dot_general3A_77 {dimension_numbers = #tpu.dot_dimension_numbers<[1], [0], [0], [1], [0, 0, 1, 1], [], []>, transpose_lhs_hint = false} : vector<1000x128xf32>, vector<128x128xf32>, vector<1000x128xf32> -> vector<1000x128xf32>
    %mul3A_79 = vector.broadcast %rsqrt3A : vector<1000x1xf32> to vector<1000x128xf32>
    %mul3A_80 = arith.mulf %mul3A_79, %dot_general3A_78 : vector<1000x128xf32>
    %concatenate3A = tpu.concatenate %mul3A_17, %mul3A_26, %mul3A_80 in 1 : vector<1000x128xf32>, vector<1000x128xf32>, vector<1000x128xf32> -> vector<1000x384xf32>
    %swap3A = arith.constant 0 : index
    %swap3A_81 = arith.constant 0 : index
    %swap3A_82 = vector.load %arg13[%swap3A, %swap3A_81] : memref<1000x384xf32, #tpu.memory_space<vmem>>, vector<1000x384xf32>
    tpu.vector_store %arg13[%swap3A, %swap3A_81], %concatenate3A {strides = array<i32>} : memref<1000x384xf32, #tpu.memory_space<vmem>>, vector<1000x384xf32>,
    return
  }
  func.func @transform_0(%arg0: i32) -> (i32, i32) {
    %c0_i32 = arith.constant 0 : i32
    %c0_i32_0 = arith.constant 0 : i32
    return %arg0, %c0_i32 : i32, i32
  }
  func.func @transform_1(%arg0: i32) -> (i32, i32, i32) {
    %c0_i32 = arith.constant 0 : i32
    %c0_i32_0 = arith.constant 0 : i32
    %c0_i32_1 = arith.constant 0 : i32
    return %c0_i32, %arg0, %c0_i32_0 : i32, i32, i32
  }
  func.func @transform_2(%arg0: i32) -> (i32, i32) {
    %c0_i32 = arith.constant 0 : i32
    %c0_i32_0 = arith.constant 0 : i32
    return %arg0, %c0_i32 : i32, i32
  }
  func.func @transform_3(%arg0: i32) -> (i32, i32) {
    %c0_i32 = arith.constant 0 : i32
    %c0_i32_0 = arith.constant 0 : i32
    %c0_i32_1 = arith.constant 0 : i32
    return %c0_i32, %c0_i32_0 : i32, i32
  }
  func.func @transform_4(%arg0: i32) -> (i32, i32) {
    %c0_i32 = arith.constant 0 : i32
    %c0_i32_0 = arith.constant 0 : i32
    %c0_i32_1 = arith.constant 0 : i32
    return %c0_i32, %c0_i32_0 : i32, i32
  }
  func.func @transform_5(%arg0: i32) -> (i32, i32) {
    %c0_i32 = arith.constant 0 : i32
    %c0_i32_0 = arith.constant 0 : i32
    %c0_i32_1 = arith.constant 0 : i32
    return %c0_i32, %c0_i32_0 : i32, i32
  }
  func.func @transform_6(%arg0: i32) -> (i32, i32) {
    %c0_i32 = arith.constant 0 : i32
    %c0_i32_0 = arith.constant 0 : i32
    %c0_i32_1 = arith.constant 0 : i32
    return %c0_i32, %c0_i32_0 : i32, i32
  }
  func.func @transform_7(%arg0: i32) -> (i32, i32) {
    %c0_i32 = arith.constant 0 : i32
    %c0_i32_0 = arith.constant 0 : i32
    %c0_i32_1 = arith.constant 0 : i32
    return %c0_i32, %c0_i32_0 : i32, i32
  }
  func.func @transform_8(%arg0: i32) -> (i32, i32) {
    %c0_i32 = arith.constant 0 : i32
    %c0_i32_0 = arith.constant 0 : i32
    %c0_i32_1 = arith.constant 0 : i32
    return %c0_i32, %c0_i32_0 : i32, i32
  }
  func.func @transform_9(%arg0: i32) -> (i32, i32) {
    %c0_i32 = arith.constant 0 : i32
    %c0_i32_0 = arith.constant 0 : i32
    %c0_i32_1 = arith.constant 0 : i32
    return %c0_i32, %c0_i32_0 : i32, i32
  }
  func.func @transform_10(%arg0: i32) -> (i32, i32) {
    %c0_i32 = arith.constant 0 : i32
    %c0_i32_0 = arith.constant 0 : i32
    %c0_i32_1 = arith.constant 0 : i32
    return %c0_i32, %c0_i32_0 : i32, i32
  }
  func.func @transform_11(%arg0: i32) -> (i32, i32) {
    %c0_i32 = arith.constant 0 : i32
    %c0_i32_0 = arith.constant 0 : i32
    %c0_i32_1 = arith.constant 0 : i32
    return %c0_i32, %c0_i32_0 : i32, i32
  }
  func.func @transform_12(%arg0: i32) -> (i32, i32) {
    %c0_i32 = arith.constant 0 : i32
    %c0_i32_0 = arith.constant 0 : i32
    return %arg0, %c0_i32 : i32, i32
  }
}

module attributes {stable_mosaic.version = 14 : i64} {
  func.func @_tc_mid_body(%arg0: i32, %arg1: memref<1000x384xf32, #tpu.memory_space<vmem>>, %arg2: memref<4x1000x96xf32, #tpu.memory_space<vmem>>, %arg3: memref<2x1000x16xf32, #tpu.memory_space<vmem>>, %arg4: memref<128x128xf32, #tpu.memory_space<vmem>>, %arg5: memref<128x128xf32, #tpu.memory_space<vmem>>, %arg6: memref<128x128xf32, #tpu.memory_space<vmem>>, %arg7: memref<1x128xf32, #tpu.memory_space<vmem>>, %arg8: memref<1x128xf32, #tpu.memory_space<vmem>>, %arg9: memref<1x128xf32, #tpu.memory_space<vmem>>, %arg10: memref<1x128xf32, #tpu.memory_space<vmem>>, %arg11: memref<1x128xf32, #tpu.memory_space<vmem>>, %arg12: memref<1000x384xf32, #tpu.memory_space<vmem>>) attributes {dimension_semantics = [#tpu.dimension_semantics<arbitrary>], iteration_bounds = array<i64: 10>, scalar_prefetch = 0 : i64, scratch_operands = 0 : i64, tpu.core_type = #tpu.core_type<tc>, window_params = [{transform_indices = @transform_0, window_bounds = array<i64: 1000, 384>}, {transform_indices = @transform_1, window_bounds = array<i64: 4, 1000, 96>}, {transform_indices = @transform_2, window_bounds = array<i64: 2, 1000, 16>}, {pipeline_mode = #tpu.pipeline_mode<synchronous>, transform_indices = @transform_3, window_bounds = array<i64: 128, 128>}, {pipeline_mode = #tpu.pipeline_mode<synchronous>, transform_indices = @transform_4, window_bounds = array<i64: 128, 128>}, {pipeline_mode = #tpu.pipeline_mode<synchronous>, transform_indices = @transform_5, window_bounds = array<i64: 128, 128>}, {pipeline_mode = #tpu.pipeline_mode<synchronous>, transform_indices = @transform_6, window_bounds = array<i64: 1, 128>}, {pipeline_mode = #tpu.pipeline_mode<synchronous>, transform_indices = @transform_7, window_bounds = array<i64: 1, 128>}, {pipeline_mode = #tpu.pipeline_mode<synchronous>, transform_indices = @transform_8, window_bounds = array<i64: 1, 128>}, {pipeline_mode = #tpu.pipeline_mode<synchronous>, transform_indices = @transform_9, window_bounds = array<i64: 1, 128>}, {pipeline_mode = #tpu.pipeline_mode<synchronous>, transform_indices = @transform_10, window_bounds = array<i64: 1, 128>}, {transform_indices = @transform_11, window_bounds = array<i64: 1000, 384>}]} {
    %get3A = arith.constant 0 : index
    %get3A_0 = arith.constant 0 : index
    %get3A_1 = arith.constant 0 : index
    %get3A_2 = vector.load %arg3[%get3A, %get3A_0, %get3A_1] : memref<2x1000x16xf32, #tpu.memory_space<vmem>>, vector<2x1000x16xf32>
    %slice3A = vector.extract_strided_slice %get3A_2 {offsets = [0, 0, 0], sizes = [1, 1000, 1], strides = [1, 1, 1]} : vector<2x1000x16xf32> to vector<1x1000x1xf32>
    %squeeze3A = vector.shape_cast %slice3A : vector<1x1000x1xf32> to vector<1000x1xf32>
    %slice3A_3 = vector.extract_strided_slice %get3A_2 {offsets = [1, 0, 0], sizes = [1, 1000, 1], strides = [1, 1, 1]} : vector<2x1000x16xf32> to vector<1x1000x1xf32>
    %squeeze3A_4 = vector.shape_cast %slice3A_3 : vector<1x1000x1xf32> to vector<1000x1xf32>
    %add3A = arith.addf %squeeze3A, %squeeze3A_4 : vector<1000x1xf32>
    %add3A_5 = arith.constant 1.000000e+00 : f32
    %add3A_6 = vector.broadcast %add3A_5 : f32 to vector<1000x1xf32>
    %add3A_7 = arith.addf %add3A, %add3A_6 : vector<1000x1xf32>
    %rsqrt3A = math.rsqrt %add3A_7 : vector<1000x1xf32>
    %get3A_8 = arith.constant 0 : index
    %get3A_9 = arith.constant 0 : index
    %get3A_10 = vector.load %arg1[%get3A_8, %get3A_9] : memref<1000x384xf32, #tpu.memory_space<vmem>>, vector<1000x384xf32>
    %get3A_11 = arith.constant 0 : index
    %get3A_12 = arith.constant 0 : index
    %get3A_13 = arith.constant 0 : index
    %get3A_14 = vector.load %arg2[%get3A_11, %get3A_12, %get3A_13] : memref<4x1000x96xf32, #tpu.memory_space<vmem>>, vector<4x1000x96xf32>
    %slice3A_15 = vector.extract_strided_slice %get3A_14 {offsets = [0, 0, 0], sizes = [1, 1000, 96], strides = [1, 1, 1]} : vector<4x1000x96xf32> to vector<1x1000x96xf32>
    %squeeze3A_16 = vector.shape_cast %slice3A_15 : vector<1x1000x96xf32> to vector<1000x96xf32>
    %slice3A_17 = vector.extract_strided_slice %get3A_14 {offsets = [1, 0, 0], sizes = [1, 1000, 96], strides = [1, 1, 1]} : vector<4x1000x96xf32> to vector<1x1000x96xf32>
    %squeeze3A_18 = vector.shape_cast %slice3A_17 : vector<1x1000x96xf32> to vector<1000x96xf32>
    %slice3A_19 = vector.extract_strided_slice %get3A_14 {offsets = [2, 0, 0], sizes = [1, 1000, 96], strides = [1, 1, 1]} : vector<4x1000x96xf32> to vector<1x1000x96xf32>
    %squeeze3A_20 = vector.shape_cast %slice3A_19 : vector<1x1000x96xf32> to vector<1000x96xf32>
    %slice3A_21 = vector.extract_strided_slice %get3A_14 {offsets = [3, 0, 0], sizes = [1, 1000, 96], strides = [1, 1, 1]} : vector<4x1000x96xf32> to vector<1x1000x96xf32>
    %squeeze3A_22 = vector.shape_cast %slice3A_21 : vector<1x1000x96xf32> to vector<1000x96xf32>
    %concatenate3A = tpu.concatenate %squeeze3A_16, %squeeze3A_18, %squeeze3A_20, %squeeze3A_22 in 1 : vector<1000x96xf32>, vector<1000x96xf32>, vector<1000x96xf32>, vector<1000x96xf32> -> vector<1000x384xf32>
    %slice3A_23 = vector.extract_strided_slice %concatenate3A {offsets = [0, 0], sizes = [1000, 128], strides = [1, 1]} : vector<1000x384xf32> to vector<1000x128xf32>
    %slice3A_24 = vector.extract_strided_slice %get3A_10 {offsets = [0, 0], sizes = [1000, 128], strides = [1, 1]} : vector<1000x384xf32> to vector<1000x128xf32>
    %add3A_25 = arith.addf %slice3A_23, %slice3A_24 : vector<1000x128xf32>
    %mul3A = vector.broadcast %rsqrt3A : vector<1000x1xf32> to vector<1000x128xf32>
    %mul3A_26 = arith.mulf %mul3A, %add3A_25 : vector<1000x128xf32>
    %get3A_27 = arith.constant 0 : index
    %get3A_28 = arith.constant 0 : index
    %get3A_29 = vector.load %arg7[%get3A_27, %get3A_28] : memref<1x128xf32, #tpu.memory_space<vmem>>, vector<1x128xf32>
    %add3A_30 = vector.broadcast %get3A_29 : vector<1x128xf32> to vector<1000x128xf32>
    %add3A_31 = arith.addf %mul3A_26, %add3A_30 : vector<1000x128xf32>
    %max3A = arith.constant 0.000000e+00 : f32
    %max3A_32 = vector.broadcast %max3A : f32 to vector<1000x128xf32>
    %max3A_33 = arith.maximumf %add3A_31, %max3A_32 : vector<1000x128xf32>
    %slice3A_34 = vector.extract_strided_slice %concatenate3A {offsets = [0, 128], sizes = [1000, 128], strides = [1, 1]} : vector<1000x384xf32> to vector<1000x128xf32>
    %slice3A_35 = vector.extract_strided_slice %get3A_10 {offsets = [0, 128], sizes = [1000, 128], strides = [1, 1]} : vector<1000x384xf32> to vector<1000x128xf32>
    %add3A_36 = arith.addf %slice3A_34, %slice3A_35 : vector<1000x128xf32>
    %mul3A_37 = vector.broadcast %rsqrt3A : vector<1000x1xf32> to vector<1000x128xf32>
    %mul3A_38 = arith.mulf %mul3A_37, %add3A_36 : vector<1000x128xf32>
    %get3A_39 = arith.constant 0 : index
    %get3A_40 = arith.constant 0 : index
    %get3A_41 = vector.load %arg8[%get3A_39, %get3A_40] : memref<1x128xf32, #tpu.memory_space<vmem>>, vector<1x128xf32>
    %add3A_42 = vector.broadcast %get3A_41 : vector<1x128xf32> to vector<1000x128xf32>
    %add3A_43 = arith.addf %mul3A_38, %add3A_42 : vector<1000x128xf32>
    %max3A_44 = arith.constant 0.000000e+00 : f32
    %max3A_45 = vector.broadcast %max3A_44 : f32 to vector<1000x128xf32>
    %max3A_46 = arith.maximumf %add3A_43, %max3A_45 : vector<1000x128xf32>
    %slice3A_47 = vector.extract_strided_slice %concatenate3A {offsets = [0, 256], sizes = [1000, 128], strides = [1, 1]} : vector<1000x384xf32> to vector<1000x128xf32>
    %slice3A_48 = vector.extract_strided_slice %get3A_10 {offsets = [0, 256], sizes = [1000, 128], strides = [1, 1]} : vector<1000x384xf32> to vector<1000x128xf32>
    %add3A_49 = arith.addf %slice3A_47, %slice3A_48 : vector<1000x128xf32>
    %mul3A_50 = vector.broadcast %rsqrt3A : vector<1000x1xf32> to vector<1000x128xf32>
    %mul3A_51 = arith.mulf %mul3A_50, %add3A_49 : vector<1000x128xf32>
    %get3A_52 = arith.constant 0 : index
    %get3A_53 = arith.constant 0 : index
    %get3A_54 = vector.load %arg9[%get3A_52, %get3A_53] : memref<1x128xf32, #tpu.memory_space<vmem>>, vector<1x128xf32>
    %add3A_55 = vector.broadcast %get3A_54 : vector<1x128xf32> to vector<1000x128xf32>
    %add3A_56 = arith.addf %mul3A_51, %add3A_55 : vector<1000x128xf32>
    %get3A_57 = arith.constant 0 : index
    %get3A_58 = arith.constant 0 : index
    %get3A_59 = vector.load %arg10[%get3A_57, %get3A_58] : memref<1x128xf32, #tpu.memory_space<vmem>>, vector<1x128xf32>
    %get3A_60 = arith.constant 0 : index
    %get3A_61 = arith.constant 0 : index
    %get3A_62 = vector.load %arg11[%get3A_60, %get3A_61] : memref<1x128xf32, #tpu.memory_space<vmem>>, vector<1x128xf32>
    %mul3A_63 = vector.broadcast %get3A_59 : vector<1x128xf32> to vector<1000x128xf32>
    %mul3A_64 = arith.mulf %max3A_33, %mul3A_63 : vector<1000x128xf32>
    %reduce_sum3A = arith.constant dense<0.000000e+00> : vector<1000xf32>
    %reduce_sum3A_65 = vector.multi_reduction <add>, %mul3A_64, %reduce_sum3A [1] : vector<1000x128xf32> to vector<1000xf32>
    %broadcast_in_dim3A = vector.shape_cast %reduce_sum3A_65 : vector<1000xf32> to vector<1000x1xf32>
    %mul3A_66 = vector.broadcast %get3A_62 : vector<1x128xf32> to vector<1000x128xf32>
    %mul3A_67 = arith.mulf %max3A_46, %mul3A_66 : vector<1000x128xf32>
    %reduce_sum3A_68 = arith.constant dense<0.000000e+00> : vector<1000xf32>
    %reduce_sum3A_69 = vector.multi_reduction <add>, %mul3A_67, %reduce_sum3A_68 [1] : vector<1000x128xf32> to vector<1000xf32>
    %broadcast_in_dim3A_70 = vector.shape_cast %reduce_sum3A_69 : vector<1000xf32> to vector<1000x1xf32>
    %max3A_71 = arith.maximumf %broadcast_in_dim3A, %broadcast_in_dim3A_70 : vector<1000x1xf32>
    %sub3A = arith.subf %broadcast_in_dim3A, %max3A_71 : vector<1000x1xf32>
    %exp3A = math.exp %sub3A : vector<1000x1xf32>
    %sub3A_72 = arith.subf %broadcast_in_dim3A_70, %max3A_71 : vector<1000x1xf32>
    %exp3A_73 = math.exp %sub3A_72 : vector<1000x1xf32>
    %mul3A_74 = vector.broadcast %exp3A : vector<1000x1xf32> to vector<1000x128xf32>
    %mul3A_75 = arith.mulf %mul3A_74, %max3A_33 : vector<1000x128xf32>
    %mul3A_76 = vector.broadcast %exp3A_73 : vector<1000x1xf32> to vector<1000x128xf32>
    %mul3A_77 = arith.mulf %mul3A_76, %max3A_46 : vector<1000x128xf32>
    %add3A_78 = arith.addf %mul3A_75, %mul3A_77 : vector<1000x128xf32>
    %add3A_79 = arith.addf %exp3A, %exp3A_73 : vector<1000x1xf32>
    %div3A = vector.broadcast %add3A_79 : vector<1000x1xf32> to vector<1000x128xf32>
    %div3A_80 = arith.divf %add3A_78, %div3A : vector<1000x128xf32>
    %add3A_81 = arith.addf %div3A_80, %add3A_56 : vector<1000x128xf32>
    %max3A_82 = arith.constant 0.000000e+00 : f32
    %max3A_83 = vector.broadcast %max3A_82 : f32 to vector<1000x128xf32>
    %max3A_84 = arith.maximumf %add3A_81, %max3A_83 : vector<1000x128xf32>
    %get3A_85 = arith.constant 0 : index
    %get3A_86 = arith.constant 0 : index
    %get3A_87 = vector.load %arg4[%get3A_85, %get3A_86] : memref<128x128xf32, #tpu.memory_space<vmem>>, vector<128x128xf32>
    %dot_general3A = arith.constant dense<0.000000e+00> : vector<1000x128xf32>
    %dot_general3A_88 = tpu.matmul %max3A_33, %get3A_87, %dot_general3A {dimension_numbers = #tpu.dot_dimension_numbers<[1], [0], [0], [1], [0, 0, 1, 1], [], []>, transpose_lhs_hint = false} : vector<1000x128xf32>, vector<128x128xf32>, vector<1000x128xf32> -> vector<1000x128xf32>
    %mul3A_89 = vector.broadcast %rsqrt3A : vector<1000x1xf32> to vector<1000x128xf32>
    %mul3A_90 = arith.mulf %mul3A_89, %dot_general3A_88 : vector<1000x128xf32>
    %get3A_91 = arith.constant 0 : index
    %get3A_92 = arith.constant 0 : index
    %get3A_93 = vector.load %arg5[%get3A_91, %get3A_92] : memref<128x128xf32, #tpu.memory_space<vmem>>, vector<128x128xf32>
    %dot_general3A_94 = arith.constant dense<0.000000e+00> : vector<1000x128xf32>
    %dot_general3A_95 = tpu.matmul %max3A_46, %get3A_93, %dot_general3A_94 {dimension_numbers = #tpu.dot_dimension_numbers<[1], [0], [0], [1], [0, 0, 1, 1], [], []>, transpose_lhs_hint = false} : vector<1000x128xf32>, vector<128x128xf32>, vector<1000x128xf32> -> vector<1000x128xf32>
    %mul3A_96 = vector.broadcast %rsqrt3A : vector<1000x1xf32> to vector<1000x128xf32>
    %mul3A_97 = arith.mulf %mul3A_96, %dot_general3A_95 : vector<1000x128xf32>
    %get3A_98 = arith.constant 0 : index
    %get3A_99 = arith.constant 0 : index
    %get3A_100 = vector.load %arg6[%get3A_98, %get3A_99] : memref<128x128xf32, #tpu.memory_space<vmem>>, vector<128x128xf32>
    %dot_general3A_101 = arith.constant dense<0.000000e+00> : vector<1000x128xf32>
    %dot_general3A_102 = tpu.matmul %max3A_84, %get3A_100, %dot_general3A_101 {dimension_numbers = #tpu.dot_dimension_numbers<[1], [0], [0], [1], [0, 0, 1, 1], [], []>, transpose_lhs_hint = false} : vector<1000x128xf32>, vector<128x128xf32>, vector<1000x128xf32> -> vector<1000x128xf32>
    %mul3A_103 = vector.broadcast %rsqrt3A : vector<1000x1xf32> to vector<1000x128xf32>
    %mul3A_104 = arith.mulf %mul3A_103, %dot_general3A_102 : vector<1000x128xf32>
    %concatenate3A_105 = tpu.concatenate %mul3A_90, %mul3A_97, %mul3A_104 in 1 : vector<1000x128xf32>, vector<1000x128xf32>, vector<1000x128xf32> -> vector<1000x384xf32>
    %swap3A = arith.constant 0 : index
    %swap3A_106 = arith.constant 0 : index
    %swap3A_107 = vector.load %arg12[%swap3A, %swap3A_106] : memref<1000x384xf32, #tpu.memory_space<vmem>>, vector<1000x384xf32>
    tpu.vector_store %arg12[%swap3A, %swap3A_106], %concatenate3A_105 {strides = array<i32>} : memref<1000x384xf32, #tpu.memory_space<vmem>>, vector<1000x384xf32>,
    return
  }
  func.func @transform_0(%arg0: i32) -> (i32, i32) {
    %c0_i32 = arith.constant 0 : i32
    %c0_i32_0 = arith.constant 0 : i32
    return %arg0, %c0_i32 : i32, i32
  }
  func.func @transform_1(%arg0: i32) -> (i32, i32, i32) {
    %c0_i32 = arith.constant 0 : i32
    %c0_i32_0 = arith.constant 0 : i32
    %c0_i32_1 = arith.constant 0 : i32
    return %c0_i32, %arg0, %c0_i32_0 : i32, i32, i32
  }
  func.func @transform_2(%arg0: i32) -> (i32, i32, i32) {
    %c0_i32 = arith.constant 0 : i32
    %c0_i32_0 = arith.constant 0 : i32
    %c0_i32_1 = arith.constant 0 : i32
    return %c0_i32, %arg0, %c0_i32_0 : i32, i32, i32
  }
  func.func @transform_3(%arg0: i32) -> (i32, i32) {
    %c0_i32 = arith.constant 0 : i32
    %c0_i32_0 = arith.constant 0 : i32
    %c0_i32_1 = arith.constant 0 : i32
    return %c0_i32, %c0_i32_0 : i32, i32
  }
  func.func @transform_4(%arg0: i32) -> (i32, i32) {
    %c0_i32 = arith.constant 0 : i32
    %c0_i32_0 = arith.constant 0 : i32
    %c0_i32_1 = arith.constant 0 : i32
    return %c0_i32, %c0_i32_0 : i32, i32
  }
  func.func @transform_5(%arg0: i32) -> (i32, i32) {
    %c0_i32 = arith.constant 0 : i32
    %c0_i32_0 = arith.constant 0 : i32
    %c0_i32_1 = arith.constant 0 : i32
    return %c0_i32, %c0_i32_0 : i32, i32
  }
  func.func @transform_6(%arg0: i32) -> (i32, i32) {
    %c0_i32 = arith.constant 0 : i32
    %c0_i32_0 = arith.constant 0 : i32
    %c0_i32_1 = arith.constant 0 : i32
    return %c0_i32, %c0_i32_0 : i32, i32
  }
  func.func @transform_7(%arg0: i32) -> (i32, i32) {
    %c0_i32 = arith.constant 0 : i32
    %c0_i32_0 = arith.constant 0 : i32
    %c0_i32_1 = arith.constant 0 : i32
    return %c0_i32, %c0_i32_0 : i32, i32
  }
  func.func @transform_8(%arg0: i32) -> (i32, i32) {
    %c0_i32 = arith.constant 0 : i32
    %c0_i32_0 = arith.constant 0 : i32
    %c0_i32_1 = arith.constant 0 : i32
    return %c0_i32, %c0_i32_0 : i32, i32
  }
  func.func @transform_9(%arg0: i32) -> (i32, i32) {
    %c0_i32 = arith.constant 0 : i32
    %c0_i32_0 = arith.constant 0 : i32
    %c0_i32_1 = arith.constant 0 : i32
    return %c0_i32, %c0_i32_0 : i32, i32
  }
  func.func @transform_10(%arg0: i32) -> (i32, i32) {
    %c0_i32 = arith.constant 0 : i32
    %c0_i32_0 = arith.constant 0 : i32
    %c0_i32_1 = arith.constant 0 : i32
    return %c0_i32, %c0_i32_0 : i32, i32
  }
  func.func @transform_11(%arg0: i32) -> (i32, i32) {
    %c0_i32 = arith.constant 0 : i32
    %c0_i32_0 = arith.constant 0 : i32
    return %arg0, %c0_i32 : i32, i32
  }
}

module attributes {stable_mosaic.version = 14 : i64} {
  func.func @_tc_last_body(%arg0: i32, %arg1: memref<1000x384xf32, #tpu.memory_space<vmem>>, %arg2: memref<4x1000x96xf32, #tpu.memory_space<vmem>>, %arg3: memref<2x1000x16xf32, #tpu.memory_space<vmem>>, %arg4: memref<1000x1xf32, #tpu.memory_space<vmem>>, %arg5: memref<1x128xf32, #tpu.memory_space<vmem>>, %arg6: memref<1x128xf32, #tpu.memory_space<vmem>>, %arg7: memref<1x128xf32, #tpu.memory_space<vmem>>, %arg8: memref<1x128xf32, #tpu.memory_space<vmem>>, %arg9: memref<1x128xf32, #tpu.memory_space<vmem>>, %arg10: memref<128x128xf32, #tpu.memory_space<vmem>>, %arg11: memref<1x128xf32, #tpu.memory_space<vmem>>, %arg12: memref<128x128xf32, #tpu.memory_space<vmem>>, %arg13: memref<1x128xf32, #tpu.memory_space<vmem>>, %arg14: memref<1000x128xf32, #tpu.memory_space<vmem>>, %arg15: memref<1x128xf32, #tpu.memory_space<vmem>>) attributes {dimension_semantics = [#tpu.dimension_semantics<arbitrary>], iteration_bounds = array<i64: 10>, scalar_prefetch = 0 : i64, scratch_operands = 0 : i64, tpu.core_type = #tpu.core_type<tc>, window_params = [{transform_indices = @transform_0, window_bounds = array<i64: 1000, 384>}, {transform_indices = @transform_1, window_bounds = array<i64: 4, 1000, 96>}, {transform_indices = @transform_2, window_bounds = array<i64: 2, 1000, 16>}, {transform_indices = @transform_3, window_bounds = array<i64: 1000, 1>}, {pipeline_mode = #tpu.pipeline_mode<synchronous>, transform_indices = @transform_4, window_bounds = array<i64: 1, 128>}, {pipeline_mode = #tpu.pipeline_mode<synchronous>, transform_indices = @transform_5, window_bounds = array<i64: 1, 128>}, {pipeline_mode = #tpu.pipeline_mode<synchronous>, transform_indices = @transform_6, window_bounds = array<i64: 1, 128>}, {pipeline_mode = #tpu.pipeline_mode<synchronous>, transform_indices = @transform_7, window_bounds = array<i64: 1, 128>}, {pipeline_mode = #tpu.pipeline_mode<synchronous>, transform_indices = @transform_8, window_bounds = array<i64: 1, 128>}, {pipeline_mode = #tpu.pipeline_mode<synchronous>, transform_indices = @transform_9, window_bounds = array<i64: 128, 128>}, {pipeline_mode = #tpu.pipeline_mode<synchronous>, transform_indices = @transform_10, window_bounds = array<i64: 1, 128>}, {pipeline_mode = #tpu.pipeline_mode<synchronous>, transform_indices = @transform_11, window_bounds = array<i64: 128, 128>}, {pipeline_mode = #tpu.pipeline_mode<synchronous>, transform_indices = @transform_12, window_bounds = array<i64: 1, 128>}, {transform_indices = @transform_13, window_bounds = array<i64: 1000, 128>}, {pipeline_mode = #tpu.pipeline_mode<synchronous>, transform_indices = @transform_14, window_bounds = array<i64: 1, 128>}]} {
    %get3A = arith.constant 0 : index
    %get3A_0 = arith.constant 0 : index
    %get3A_1 = arith.constant 0 : index
    %get3A_2 = vector.load %arg3[%get3A, %get3A_0, %get3A_1] : memref<2x1000x16xf32, #tpu.memory_space<vmem>>, vector<2x1000x16xf32>
    %slice3A = vector.extract_strided_slice %get3A_2 {offsets = [0, 0, 0], sizes = [1, 1000, 1], strides = [1, 1, 1]} : vector<2x1000x16xf32> to vector<1x1000x1xf32>
    %squeeze3A = vector.shape_cast %slice3A : vector<1x1000x1xf32> to vector<1000x1xf32>
    %slice3A_3 = vector.extract_strided_slice %get3A_2 {offsets = [1, 0, 0], sizes = [1, 1000, 1], strides = [1, 1, 1]} : vector<2x1000x16xf32> to vector<1x1000x1xf32>
    %squeeze3A_4 = vector.shape_cast %slice3A_3 : vector<1x1000x1xf32> to vector<1000x1xf32>
    %add3A = arith.addf %squeeze3A, %squeeze3A_4 : vector<1000x1xf32>
    %add3A_5 = arith.constant 1.000000e+00 : f32
    %add3A_6 = vector.broadcast %add3A_5 : f32 to vector<1000x1xf32>
    %add3A_7 = arith.addf %add3A, %add3A_6 : vector<1000x1xf32>
    %rsqrt3A = math.rsqrt %add3A_7 : vector<1000x1xf32>
    %get3A_8 = arith.constant 0 : index
    %get3A_9 = arith.constant 0 : index
    %get3A_10 = vector.load %arg1[%get3A_8, %get3A_9] : memref<1000x384xf32, #tpu.memory_space<vmem>>, vector<1000x384xf32>
    %get3A_11 = arith.constant 0 : index
    %get3A_12 = arith.constant 0 : index
    %get3A_13 = arith.constant 0 : index
    %get3A_14 = vector.load %arg2[%get3A_11, %get3A_12, %get3A_13] : memref<4x1000x96xf32, #tpu.memory_space<vmem>>, vector<4x1000x96xf32>
    %slice3A_15 = vector.extract_strided_slice %get3A_14 {offsets = [0, 0, 0], sizes = [1, 1000, 96], strides = [1, 1, 1]} : vector<4x1000x96xf32> to vector<1x1000x96xf32>
    %squeeze3A_16 = vector.shape_cast %slice3A_15 : vector<1x1000x96xf32> to vector<1000x96xf32>
    %slice3A_17 = vector.extract_strided_slice %get3A_14 {offsets = [1, 0, 0], sizes = [1, 1000, 96], strides = [1, 1, 1]} : vector<4x1000x96xf32> to vector<1x1000x96xf32>
    %squeeze3A_18 = vector.shape_cast %slice3A_17 : vector<1x1000x96xf32> to vector<1000x96xf32>
    %slice3A_19 = vector.extract_strided_slice %get3A_14 {offsets = [2, 0, 0], sizes = [1, 1000, 96], strides = [1, 1, 1]} : vector<4x1000x96xf32> to vector<1x1000x96xf32>
    %squeeze3A_20 = vector.shape_cast %slice3A_19 : vector<1x1000x96xf32> to vector<1000x96xf32>
    %slice3A_21 = vector.extract_strided_slice %get3A_14 {offsets = [3, 0, 0], sizes = [1, 1000, 96], strides = [1, 1, 1]} : vector<4x1000x96xf32> to vector<1x1000x96xf32>
    %squeeze3A_22 = vector.shape_cast %slice3A_21 : vector<1x1000x96xf32> to vector<1000x96xf32>
    %concatenate3A = tpu.concatenate %squeeze3A_16, %squeeze3A_18, %squeeze3A_20, %squeeze3A_22 in 1 : vector<1000x96xf32>, vector<1000x96xf32>, vector<1000x96xf32>, vector<1000x96xf32> -> vector<1000x384xf32>
    %slice3A_23 = vector.extract_strided_slice %concatenate3A {offsets = [0, 0], sizes = [1000, 128], strides = [1, 1]} : vector<1000x384xf32> to vector<1000x128xf32>
    %slice3A_24 = vector.extract_strided_slice %get3A_10 {offsets = [0, 0], sizes = [1000, 128], strides = [1, 1]} : vector<1000x384xf32> to vector<1000x128xf32>
    %add3A_25 = arith.addf %slice3A_23, %slice3A_24 : vector<1000x128xf32>
    %mul3A = vector.broadcast %rsqrt3A : vector<1000x1xf32> to vector<1000x128xf32>
    %mul3A_26 = arith.mulf %mul3A, %add3A_25 : vector<1000x128xf32>
    %get3A_27 = arith.constant 0 : index
    %get3A_28 = arith.constant 0 : index
    %get3A_29 = vector.load %arg5[%get3A_27, %get3A_28] : memref<1x128xf32, #tpu.memory_space<vmem>>, vector<1x128xf32>
    %add3A_30 = vector.broadcast %get3A_29 : vector<1x128xf32> to vector<1000x128xf32>
    %add3A_31 = arith.addf %mul3A_26, %add3A_30 : vector<1000x128xf32>
    %slice3A_32 = vector.extract_strided_slice %concatenate3A {offsets = [0, 128], sizes = [1000, 128], strides = [1, 1]} : vector<1000x384xf32> to vector<1000x128xf32>
    %slice3A_33 = vector.extract_strided_slice %get3A_10 {offsets = [0, 128], sizes = [1000, 128], strides = [1, 1]} : vector<1000x384xf32> to vector<1000x128xf32>
    %add3A_34 = arith.addf %slice3A_32, %slice3A_33 : vector<1000x128xf32>
    %mul3A_35 = vector.broadcast %rsqrt3A : vector<1000x1xf32> to vector<1000x128xf32>
    %mul3A_36 = arith.mulf %mul3A_35, %add3A_34 : vector<1000x128xf32>
    %get3A_37 = arith.constant 0 : index
    %get3A_38 = arith.constant 0 : index
    %get3A_39 = vector.load %arg6[%get3A_37, %get3A_38] : memref<1x128xf32, #tpu.memory_space<vmem>>, vector<1x128xf32>
    %add3A_40 = vector.broadcast %get3A_39 : vector<1x128xf32> to vector<1000x128xf32>
    %add3A_41 = arith.addf %mul3A_36, %add3A_40 : vector<1000x128xf32>
    %slice3A_42 = vector.extract_strided_slice %concatenate3A {offsets = [0, 256], sizes = [1000, 128], strides = [1, 1]} : vector<1000x384xf32> to vector<1000x128xf32>
    %slice3A_43 = vector.extract_strided_slice %get3A_10 {offsets = [0, 256], sizes = [1000, 128], strides = [1, 1]} : vector<1000x384xf32> to vector<1000x128xf32>
    %add3A_44 = arith.addf %slice3A_42, %slice3A_43 : vector<1000x128xf32>
    %mul3A_45 = vector.broadcast %rsqrt3A : vector<1000x1xf32> to vector<1000x128xf32>
    %mul3A_46 = arith.mulf %mul3A_45, %add3A_44 : vector<1000x128xf32>
    %get3A_47 = arith.constant 0 : index
    %get3A_48 = arith.constant 0 : index
    %get3A_49 = vector.load %arg7[%get3A_47, %get3A_48] : memref<1x128xf32, #tpu.memory_space<vmem>>, vector<1x128xf32>
    %add3A_50 = vector.broadcast %get3A_49 : vector<1x128xf32> to vector<1000x128xf32>
    %add3A_51 = arith.addf %mul3A_46, %add3A_50 : vector<1000x128xf32>
    %get3A_52 = arith.constant 0 : index
    %get3A_53 = arith.constant 0 : index
    %get3A_54 = vector.load %arg8[%get3A_52, %get3A_53] : memref<1x128xf32, #tpu.memory_space<vmem>>, vector<1x128xf32>
    %get3A_55 = arith.constant 0 : index
    %get3A_56 = arith.constant 0 : index
    %get3A_57 = vector.load %arg9[%get3A_55, %get3A_56] : memref<1x128xf32, #tpu.memory_space<vmem>>, vector<1x128xf32>
    %mul3A_58 = vector.broadcast %get3A_54 : vector<1x128xf32> to vector<1000x128xf32>
    %mul3A_59 = arith.mulf %add3A_31, %mul3A_58 : vector<1000x128xf32>
    %reduce_sum3A = arith.constant dense<0.000000e+00> : vector<1000xf32>
    %reduce_sum3A_60 = vector.multi_reduction <add>, %mul3A_59, %reduce_sum3A [1] : vector<1000x128xf32> to vector<1000xf32>
    %broadcast_in_dim3A = vector.shape_cast %reduce_sum3A_60 : vector<1000xf32> to vector<1000x1xf32>
    %mul3A_61 = vector.broadcast %get3A_57 : vector<1x128xf32> to vector<1000x128xf32>
    %mul3A_62 = arith.mulf %add3A_41, %mul3A_61 : vector<1000x128xf32>
    %reduce_sum3A_63 = arith.constant dense<0.000000e+00> : vector<1000xf32>
    %reduce_sum3A_64 = vector.multi_reduction <add>, %mul3A_62, %reduce_sum3A_63 [1] : vector<1000x128xf32> to vector<1000xf32>
    %broadcast_in_dim3A_65 = vector.shape_cast %reduce_sum3A_64 : vector<1000xf32> to vector<1000x1xf32>
    %max3A = arith.maximumf %broadcast_in_dim3A, %broadcast_in_dim3A_65 : vector<1000x1xf32>
    %sub3A = arith.subf %broadcast_in_dim3A, %max3A : vector<1000x1xf32>
    %exp3A = math.exp %sub3A : vector<1000x1xf32>
    %sub3A_66 = arith.subf %broadcast_in_dim3A_65, %max3A : vector<1000x1xf32>
    %exp3A_67 = math.exp %sub3A_66 : vector<1000x1xf32>
    %mul3A_68 = vector.broadcast %exp3A : vector<1000x1xf32> to vector<1000x128xf32>
    %mul3A_69 = arith.mulf %mul3A_68, %add3A_31 : vector<1000x128xf32>
    %mul3A_70 = vector.broadcast %exp3A_67 : vector<1000x1xf32> to vector<1000x128xf32>
    %mul3A_71 = arith.mulf %mul3A_70, %add3A_41 : vector<1000x128xf32>
    %add3A_72 = arith.addf %mul3A_69, %mul3A_71 : vector<1000x128xf32>
    %add3A_73 = arith.addf %exp3A, %exp3A_67 : vector<1000x1xf32>
    %div3A = vector.broadcast %add3A_73 : vector<1000x1xf32> to vector<1000x128xf32>
    %div3A_74 = arith.divf %add3A_72, %div3A : vector<1000x128xf32>
    %add3A_75 = arith.addf %div3A_74, %add3A_51 : vector<1000x128xf32>
    %get3A_76 = arith.constant 0 : index
    %get3A_77 = arith.constant 0 : index
    %get3A_78 = vector.load %arg10[%get3A_76, %get3A_77] : memref<128x128xf32, #tpu.memory_space<vmem>>, vector<128x128xf32>
    %dot_general3A = arith.constant dense<0.000000e+00> : vector<1000x128xf32>
    %dot_general3A_79 = tpu.matmul %add3A_75, %get3A_78, %dot_general3A {dimension_numbers = #tpu.dot_dimension_numbers<[1], [0], [0], [1], [0, 0, 1, 1], [], []>, transpose_lhs_hint = false} : vector<1000x128xf32>, vector<128x128xf32>, vector<1000x128xf32> -> vector<1000x128xf32>
    %get3A_80 = arith.constant 0 : index
    %get3A_81 = arith.constant 0 : index
    %get3A_82 = vector.load %arg11[%get3A_80, %get3A_81] : memref<1x128xf32, #tpu.memory_space<vmem>>, vector<1x128xf32>
    %add3A_83 = vector.broadcast %get3A_82 : vector<1x128xf32> to vector<1000x128xf32>
    %add3A_84 = arith.addf %dot_general3A_79, %add3A_83 : vector<1000x128xf32>
    %max3A_85 = arith.constant 0.000000e+00 : f32
    %max3A_86 = vector.broadcast %max3A_85 : f32 to vector<1000x128xf32>
    %max3A_87 = arith.maximumf %add3A_84, %max3A_86 : vector<1000x128xf32>
    %get3A_88 = arith.constant 0 : index
    %get3A_89 = arith.constant 0 : index
    %get3A_90 = vector.load %arg12[%get3A_88, %get3A_89] : memref<128x128xf32, #tpu.memory_space<vmem>>, vector<128x128xf32>
    %dot_general3A_91 = arith.constant dense<0.000000e+00> : vector<1000x128xf32>
    %dot_general3A_92 = tpu.matmul %max3A_87, %get3A_90, %dot_general3A_91 {dimension_numbers = #tpu.dot_dimension_numbers<[1], [0], [0], [1], [0, 0, 1, 1], [], []>, transpose_lhs_hint = false} : vector<1000x128xf32>, vector<128x128xf32>, vector<1000x128xf32> -> vector<1000x128xf32>
    %get3A_93 = arith.constant 0 : index
    %get3A_94 = arith.constant 0 : index
    %get3A_95 = vector.load %arg13[%get3A_93, %get3A_94] : memref<1x128xf32, #tpu.memory_space<vmem>>, vector<1x128xf32>
    %add3A_96 = vector.broadcast %get3A_95 : vector<1x128xf32> to vector<1000x128xf32>
    %add3A_97 = arith.addf %dot_general3A_92, %add3A_96 : vector<1000x128xf32>
    %swap3A = arith.constant 0 : index
    %swap3A_98 = arith.constant 0 : index
    %swap3A_99 = vector.load %arg14[%swap3A, %swap3A_98] : memref<1000x128xf32, #tpu.memory_space<vmem>>, vector<1000x128xf32>
    tpu.vector_store %arg14[%swap3A, %swap3A_98], %add3A_97 {strides = array<i32>} : memref<1000x128xf32, #tpu.memory_space<vmem>>, vector<1000x128xf32>,
    %eq3A = arith.constant 0 : i32
    %eq3A_100 = arith.cmpi eq, %arg0, %eq3A : i32
    %convert_element_type3A = arith.extui %eq3A_100 : i1 to i32
    %cond3A = arith.constant 0 : i32
    %cond3A_101 = arith.cmpi ne, %convert_element_type3A, %cond3A : i32
    scf.if %cond3A_101 {
      %broadcast_in_dim3A_117 = arith.constant 0.000000e+00 : f32
      %broadcast_in_dim3A_118 = vector.broadcast %broadcast_in_dim3A_117 : f32 to vector<1x128xf32>
      %swap3A_119 = arith.constant 0 : index
      %swap3A_120 = arith.constant 0 : index
      %swap3A_121 = vector.load %arg15[%swap3A_119, %swap3A_120] : memref<1x128xf32, #tpu.memory_space<vmem>>, vector<1x128xf32>
      tpu.vector_store %arg15[%swap3A_119, %swap3A_120], %broadcast_in_dim3A_118 {strides = array<i32>} : memref<1x128xf32, #tpu.memory_space<vmem>>, vector<1x128xf32>,
    } else {
    }
    %get3A_102 = arith.constant 0 : index
    %get3A_103 = arith.constant 0 : index
    %get3A_104 = vector.load %arg15[%get3A_102, %get3A_103] : memref<1x128xf32, #tpu.memory_space<vmem>>, vector<1x128xf32>
    %get3A_105 = arith.constant 0 : index
    %get3A_106 = arith.constant 0 : index
    %get3A_107 = vector.load %arg4[%get3A_105, %get3A_106] : memref<1000x1xf32, #tpu.memory_space<vmem>>, vector<1000x1xf32>
    %mul3A_108 = vector.broadcast %get3A_107 : vector<1000x1xf32> to vector<1000x128xf32>
    %mul3A_109 = arith.mulf %mul3A_108, %add3A_97 : vector<1000x128xf32>
    %reduce_sum3A_110 = arith.constant dense<0.000000e+00> : vector<128xf32>
    %reduce_sum3A_111 = vector.multi_reduction <add>, %mul3A_109, %reduce_sum3A_110 [0] : vector<1000x128xf32> to vector<128xf32>
    %broadcast_in_dim3A_112 = vector.shape_cast %reduce_sum3A_111 : vector<128xf32> to vector<1x128xf32>
    %add3A_113 = arith.addf %get3A_104, %broadcast_in_dim3A_112 : vector<1x128xf32>
    %swap3A_114 = arith.constant 0 : index
    %swap3A_115 = arith.constant 0 : index
    %swap3A_116 = vector.load %arg15[%swap3A_114, %swap3A_115] : memref<1x128xf32, #tpu.memory_space<vmem>>, vector<1x128xf32>
    tpu.vector_store %arg15[%swap3A_114, %swap3A_115], %add3A_113 {strides = array<i32>} : memref<1x128xf32, #tpu.memory_space<vmem>>, vector<1x128xf32>,
    return
  }
  func.func @transform_0(%arg0: i32) -> (i32, i32) {
    %c0_i32 = arith.constant 0 : i32
    %c0_i32_0 = arith.constant 0 : i32
    return %arg0, %c0_i32 : i32, i32
  }
  func.func @transform_1(%arg0: i32) -> (i32, i32, i32) {
    %c0_i32 = arith.constant 0 : i32
    %c0_i32_0 = arith.constant 0 : i32
    %c0_i32_1 = arith.constant 0 : i32
    return %c0_i32, %arg0, %c0_i32_0 : i32, i32, i32
  }
  func.func @transform_2(%arg0: i32) -> (i32, i32, i32) {
    %c0_i32 = arith.constant 0 : i32
    %c0_i32_0 = arith.constant 0 : i32
    %c0_i32_1 = arith.constant 0 : i32
    return %c0_i32, %arg0, %c0_i32_0 : i32, i32, i32
  }
  func.func @transform_3(%arg0: i32) -> (i32, i32) {
    %c0_i32 = arith.constant 0 : i32
    %c0_i32_0 = arith.constant 0 : i32
    return %arg0, %c0_i32 : i32, i32
  }
  func.func @transform_4(%arg0: i32) -> (i32, i32) {
    %c0_i32 = arith.constant 0 : i32
    %c0_i32_0 = arith.constant 0 : i32
    %c0_i32_1 = arith.constant 0 : i32
    return %c0_i32, %c0_i32_0 : i32, i32
  }
  func.func @transform_5(%arg0: i32) -> (i32, i32) {
    %c0_i32 = arith.constant 0 : i32
    %c0_i32_0 = arith.constant 0 : i32
    %c0_i32_1 = arith.constant 0 : i32
    return %c0_i32, %c0_i32_0 : i32, i32
  }
  func.func @transform_6(%arg0: i32) -> (i32, i32) {
    %c0_i32 = arith.constant 0 : i32
    %c0_i32_0 = arith.constant 0 : i32
    %c0_i32_1 = arith.constant 0 : i32
    return %c0_i32, %c0_i32_0 : i32, i32
  }
  func.func @transform_7(%arg0: i32) -> (i32, i32) {
    %c0_i32 = arith.constant 0 : i32
    %c0_i32_0 = arith.constant 0 : i32
    %c0_i32_1 = arith.constant 0 : i32
    return %c0_i32, %c0_i32_0 : i32, i32
  }
  func.func @transform_8(%arg0: i32) -> (i32, i32) {
    %c0_i32 = arith.constant 0 : i32
    %c0_i32_0 = arith.constant 0 : i32
    %c0_i32_1 = arith.constant 0 : i32
    return %c0_i32, %c0_i32_0 : i32, i32
  }
  func.func @transform_9(%arg0: i32) -> (i32, i32) {
    %c0_i32 = arith.constant 0 : i32
    %c0_i32_0 = arith.constant 0 : i32
    %c0_i32_1 = arith.constant 0 : i32
    return %c0_i32, %c0_i32_0 : i32, i32
  }
  func.func @transform_10(%arg0: i32) -> (i32, i32) {
    %c0_i32 = arith.constant 0 : i32
    %c0_i32_0 = arith.constant 0 : i32
    %c0_i32_1 = arith.constant 0 : i32
    return %c0_i32, %c0_i32_0 : i32, i32
  }
  func.func @transform_11(%arg0: i32) -> (i32, i32) {
    %c0_i32 = arith.constant 0 : i32
    %c0_i32_0 = arith.constant 0 : i32
    %c0_i32_1 = arith.constant 0 : i32
    return %c0_i32, %c0_i32_0 : i32, i32
  }
  func.func @transform_12(%arg0: i32) -> (i32, i32) {
    %c0_i32 = arith.constant 0 : i32
    %c0_i32_0 = arith.constant 0 : i32
    %c0_i32_1 = arith.constant 0 : i32
    return %c0_i32, %c0_i32_0 : i32, i32
  }
  func.func @transform_13(%arg0: i32) -> (i32, i32) {
    %c0_i32 = arith.constant 0 : i32
    %c0_i32_0 = arith.constant 0 : i32
    return %arg0, %c0_i32 : i32, i32
  }
  func.func @transform_14(%arg0: i32) -> (i32, i32) {
    %c0_i32 = arith.constant 0 : i32
    %c0_i32_0 = arith.constant 0 : i32
    %c0_i32_1 = arith.constant 0 : i32
    return %c0_i32, %c0_i32_0 : i32, i32
  }
}

module attributes {stable_mosaic.version = 14 : i64} {
  func.func @_tc_loss_body(%arg0: i32, %arg1: memref<1000x128xf32, #tpu.memory_space<vmem>>, %arg2: memref<1x128xf32, #tpu.memory_space<vmem>>, %arg3: memref<1000x1xf32, #tpu.memory_space<vmem>>, %arg4: memref<1x128xf32, #tpu.memory_space<vmem>>) attributes {dimension_semantics = [#tpu.dimension_semantics<arbitrary>], iteration_bounds = array<i64: 10>, scalar_prefetch = 0 : i64, scratch_operands = 0 : i64, tpu.core_type = #tpu.core_type<tc>, window_params = [{transform_indices = @transform_0, window_bounds = array<i64: 1000, 128>}, {pipeline_mode = #tpu.pipeline_mode<synchronous>, transform_indices = @transform_1, window_bounds = array<i64: 1, 128>}, {transform_indices = @transform_2, window_bounds = array<i64: 1000, 1>}, {pipeline_mode = #tpu.pipeline_mode<synchronous>, transform_indices = @transform_3, window_bounds = array<i64: 1, 128>}]} {
    %get3A = arith.constant 0 : index
    %get3A_0 = arith.constant 0 : index
    %get3A_1 = vector.load %arg1[%get3A, %get3A_0] : memref<1000x128xf32, #tpu.memory_space<vmem>>, vector<1000x128xf32>
    %get3A_2 = arith.constant 0 : index
    %get3A_3 = arith.constant 0 : index
    %get3A_4 = vector.load %arg2[%get3A_2, %get3A_3] : memref<1x128xf32, #tpu.memory_space<vmem>>, vector<1x128xf32>
    %mul3A = vector.broadcast %get3A_4 : vector<1x128xf32> to vector<1000x128xf32>
    %mul3A_5 = arith.mulf %get3A_1, %mul3A : vector<1000x128xf32>
    %reduce_sum3A = arith.constant dense<0.000000e+00> : vector<1000xf32>
    %reduce_sum3A_6 = vector.multi_reduction <add>, %mul3A_5, %reduce_sum3A [1] : vector<1000x128xf32> to vector<1000xf32>
    %broadcast_in_dim3A = vector.shape_cast %reduce_sum3A_6 : vector<1000xf32> to vector<1000x1xf32>
    %mul3A_7 = arith.mulf %get3A_1, %get3A_1 : vector<1000x128xf32>
    %reduce_sum3A_8 = arith.constant dense<0.000000e+00> : vector<1000xf32>
    %reduce_sum3A_9 = vector.multi_reduction <add>, %mul3A_7, %reduce_sum3A_8 [1] : vector<1000x128xf32> to vector<1000xf32>
    %broadcast_in_dim3A_10 = vector.shape_cast %reduce_sum3A_9 : vector<1000xf32> to vector<1000x1xf32>
    %sqrt3A = math.sqrt %broadcast_in_dim3A_10 : vector<1000x1xf32>
    %mul3A_11 = arith.mulf %get3A_4, %get3A_4 : vector<1x128xf32>
    %reduce_sum3A_12 = vector.shape_cast %mul3A_11 : vector<1x128xf32> to vector<1x1x128xf32>
    %reduce_sum3A_13 = arith.constant dense<0.000000e+00> : vector<1xf32>
    %reduce_sum3A_14 = vector.multi_reduction <add>, %reduce_sum3A_12, %reduce_sum3A_13 [1, 2] : vector<1x1x128xf32> to vector<1xf32>
    %reduce_sum3A_15 = vector.shape_cast %reduce_sum3A_14 : vector<1xf32> to vector<1x1x1xf32>
    %reduce_sum3A_16 = vector.extract %reduce_sum3A_15[0, 0, 0] : f32 from vector<1x1x1xf32>
    %sqrt3A_17 = math.sqrt %reduce_sum3A_16 : f32
    %mul3A_18 = vector.broadcast %sqrt3A_17 : f32 to vector<1000x1xf32>
    %mul3A_19 = arith.mulf %sqrt3A, %mul3A_18 : vector<1000x1xf32>
    %max3A = arith.constant 9.99999993E-9 : f32
    %max3A_20 = vector.broadcast %max3A : f32 to vector<1000x1xf32>
    %max3A_21 = arith.maximumf %mul3A_19, %max3A_20 : vector<1000x1xf32>
    %div3A = arith.divf %broadcast_in_dim3A, %max3A_21 : vector<1000x1xf32>
    %div3A_22 = arith.constant 5.000000e-01 : f32
    %div3A_23 = vector.broadcast %div3A_22 : f32 to vector<1000x1xf32>
    %div3A_24 = arith.divf %div3A, %div3A_23 : vector<1000x1xf32>
    %exp3A = math.exp %div3A_24 : vector<1000x1xf32>
    %get3A_25 = arith.constant 0 : index
    %get3A_26 = arith.constant 0 : index
    %get3A_27 = vector.load %arg3[%get3A_25, %get3A_26] : memref<1000x1xf32, #tpu.memory_space<vmem>>, vector<1000x1xf32>
    %iota3A = tpu.iota {dimensions = array<i32: 1>} : vector<1x128xi32>
    %eq3A = arith.constant 0 : i32
    %eq3A_28 = vector.broadcast %eq3A : i32 to vector<1x128xi32>
    %eq3A_29 = arith.cmpi eq, %iota3A, %eq3A_28 : vector<1x128xi32>
    %reduce_sum3A_30 = vector.shape_cast %exp3A : vector<1000x1xf32> to vector<1x1000x1xf32>
    %reduce_sum3A_31 = arith.constant dense<0.000000e+00> : vector<1xf32>
    %reduce_sum3A_32 = vector.multi_reduction <add>, %reduce_sum3A_30, %reduce_sum3A_31 [1, 2] : vector<1x1000x1xf32> to vector<1xf32>
    %reduce_sum3A_33 = vector.shape_cast %reduce_sum3A_32 : vector<1xf32> to vector<1x1x1xf32>
    %reduce_sum3A_34 = vector.extract %reduce_sum3A_33[0, 0, 0] : f32 from vector<1x1x1xf32>
    %jit3A = arith.constant 0.000000e+00 : f32
    %broadcast_in_dim3A_35 = vector.broadcast %reduce_sum3A_34 : f32 to vector<1x128xf32>
    %broadcast_in_dim3A_36 = vector.broadcast %jit3A : f32 to vector<1x128xf32>
    %select_n3A = arith.select %eq3A_29, %broadcast_in_dim3A_35, %broadcast_in_dim3A_36 : vector<1x128xi1>, vector<1x128xf32>
    %eq3A_37 = arith.constant 1 : i32
    %eq3A_38 = vector.broadcast %eq3A_37 : i32 to vector<1x128xi32>
    %eq3A_39 = arith.cmpi eq, %iota3A, %eq3A_38 : vector<1x128xi32>
    %mul3A_40 = arith.mulf %get3A_27, %div3A_24 : vector<1000x1xf32>
    %reduce_sum3A_41 = vector.shape_cast %mul3A_40 : vector<1000x1xf32> to vector<1x1000x1xf32>
    %reduce_sum3A_42 = arith.constant dense<0.000000e+00> : vector<1xf32>
    %reduce_sum3A_43 = vector.multi_reduction <add>, %reduce_sum3A_41, %reduce_sum3A_42 [1, 2] : vector<1x1000x1xf32> to vector<1xf32>
    %reduce_sum3A_44 = vector.shape_cast %reduce_sum3A_43 : vector<1xf32> to vector<1x1x1xf32>
    %reduce_sum3A_45 = vector.extract %reduce_sum3A_44[0, 0, 0] : f32 from vector<1x1x1xf32>
    %jit3A_46 = arith.constant 0.000000e+00 : f32
    %broadcast_in_dim3A_47 = vector.broadcast %reduce_sum3A_45 : f32 to vector<1x128xf32>
    %broadcast_in_dim3A_48 = vector.broadcast %jit3A_46 : f32 to vector<1x128xf32>
    %select_n3A_49 = arith.select %eq3A_39, %broadcast_in_dim3A_47, %broadcast_in_dim3A_48 : vector<1x128xi1>, vector<1x128xf32>
    %add3A = arith.addf %select_n3A, %select_n3A_49 : vector<1x128xf32>
    %eq3A_50 = arith.constant 2 : i32
    %eq3A_51 = vector.broadcast %eq3A_50 : i32 to vector<1x128xi32>
    %eq3A_52 = arith.cmpi eq, %iota3A, %eq3A_51 : vector<1x128xi32>
    %reduce_sum3A_53 = vector.shape_cast %get3A_27 : vector<1000x1xf32> to vector<1x1000x1xf32>
    %reduce_sum3A_54 = arith.constant dense<0.000000e+00> : vector<1xf32>
    %reduce_sum3A_55 = vector.multi_reduction <add>, %reduce_sum3A_53, %reduce_sum3A_54 [1, 2] : vector<1x1000x1xf32> to vector<1xf32>
    %reduce_sum3A_56 = vector.shape_cast %reduce_sum3A_55 : vector<1xf32> to vector<1x1x1xf32>
    %reduce_sum3A_57 = vector.extract %reduce_sum3A_56[0, 0, 0] : f32 from vector<1x1x1xf32>
    %jit3A_58 = arith.constant 0.000000e+00 : f32
    %broadcast_in_dim3A_59 = vector.broadcast %reduce_sum3A_57 : f32 to vector<1x128xf32>
    %broadcast_in_dim3A_60 = vector.broadcast %jit3A_58 : f32 to vector<1x128xf32>
    %select_n3A_61 = arith.select %eq3A_52, %broadcast_in_dim3A_59, %broadcast_in_dim3A_60 : vector<1x128xi1>, vector<1x128xf32>
    %add3A_62 = arith.addf %add3A, %select_n3A_61 : vector<1x128xf32>
    %eq3A_63 = arith.constant 0 : i32
    %eq3A_64 = arith.cmpi eq, %arg0, %eq3A_63 : i32
    %convert_element_type3A = arith.extui %eq3A_64 : i1 to i32
    %cond3A = arith.constant 0 : i32
    %cond3A_65 = arith.cmpi ne, %convert_element_type3A, %cond3A : i32
    scf.if %cond3A_65 {
      %broadcast_in_dim3A_72 = arith.constant 0.000000e+00 : f32
      %broadcast_in_dim3A_73 = vector.broadcast %broadcast_in_dim3A_72 : f32 to vector<1x128xf32>
      %swap3A_74 = arith.constant 0 : index
      %swap3A_75 = arith.constant 0 : index
      %swap3A_76 = vector.load %arg4[%swap3A_74, %swap3A_75] : memref<1x128xf32, #tpu.memory_space<vmem>>, vector<1x128xf32>
      tpu.vector_store %arg4[%swap3A_74, %swap3A_75], %broadcast_in_dim3A_73 {strides = array<i32>} : memref<1x128xf32, #tpu.memory_space<vmem>>, vector<1x128xf32>,
    } else {
    }
    %get3A_66 = arith.constant 0 : index
    %get3A_67 = arith.constant 0 : index
    %get3A_68 = vector.load %arg4[%get3A_66, %get3A_67] : memref<1x128xf32, #tpu.memory_space<vmem>>, vector<1x128xf32>
    %add3A_69 = arith.addf %get3A_68, %add3A_62 : vector<1x128xf32>
    %swap3A = arith.constant 0 : index
    %swap3A_70 = arith.constant 0 : index
    %swap3A_71 = vector.load %arg4[%swap3A, %swap3A_70] : memref<1x128xf32, #tpu.memory_space<vmem>>, vector<1x128xf32>
    tpu.vector_store %arg4[%swap3A, %swap3A_70], %add3A_69 {strides = array<i32>} : memref<1x128xf32, #tpu.memory_space<vmem>>, vector<1x128xf32>,
    return
  }
  func.func @transform_0(%arg0: i32) -> (i32, i32) {
    %c0_i32 = arith.constant 0 : i32
    %c0_i32_0 = arith.constant 0 : i32
    return %arg0, %c0_i32 : i32, i32
  }
  func.func @transform_1(%arg0: i32) -> (i32, i32) {
    %c0_i32 = arith.constant 0 : i32
    %c0_i32_0 = arith.constant 0 : i32
    %c0_i32_1 = arith.constant 0 : i32
    return %c0_i32, %c0_i32_0 : i32, i32
  }
  func.func @transform_2(%arg0: i32) -> (i32, i32) {
    %c0_i32 = arith.constant 0 : i32
    %c0_i32_0 = arith.constant 0 : i32
    return %arg0, %c0_i32 : i32, i32
  }
  func.func @transform_3(%arg0: i32) -> (i32, i32) {
    %c0_i32 = arith.constant 0 : i32
    %c0_i32_0 = arith.constant 0 : i32
    %c0_i32_1 = arith.constant 0 : i32
    return %c0_i32, %c0_i32_0 : i32, i32
  }
}

</mosaic_0001>

<sc_bundles>
// kernel: kernel.11.cloned.1.call-start
scs
__scs_entry_jumppad:
0x0: {  	(pc) =	sbr.rel $0x88, $3  }
0x1: {  	(tag) =	ssettag $0x0;
	lr =	simm.s32 $0x1  }
0x2: {  	[smem:$0x3F87] =	sst lr;
	_ =	strace $0xD0000000  }
0x3: {  	_ = 	snop  }
0x4: {  	_ = 	snop  }
0x5: {  	_ = 	snop  }
0x6: {  	_ = 	snop  }
0x7: {  	_ = 	snop  }
__scs_overlays_trampoline_lowered:
0x8: {  	[smem:$0x3F96] =	sst s0  }
0x9: {  	[smem:$0x3F97] =	sst s1  }
0xa: {  	[smem:$0x3F98] =	sst s2  }
0xb: {  	[smem:$0x3F99] =	sst s3  }
0xc: {  	[smem:$0x3F9A] =	sst s4  }
0xd: {  	[smem:$0x3F9B] =	sst s5  }
0xe: {  	[smem:$0x3F9C] =	sst s6  }
0xf: {  	[smem:$0x3F9D] =	sst s7  }
0x10: {  	[smem:$0x3F9E] =	sst s8  }
0x11: {  	[smem:$0x3F9F] =	sst s9;
	s0 =	simm.s32 @!p0 $0x0  }
0x12: {  	s1 =	sld [smem:$0x3F85];
	s0 =	simm.s32 @p0 $0x1  }
0x13: {  	[smem:$0x3FA0] =	sst s0;
	s0 =	simm.s32 @!p1 $0x0  }
0x14: {  	s2 =	sld [smem:$0x3F84];
	s0 =	simm.s32 @p1 $0x1  }
0x15: {  	[smem:$0x3FA1] =	sst s0;
	s0 =	simm.s32 @!p2 $0x0  }
0x16: {  	s3 =	sld [smem:$0x3FDB];
	s0 =	simm.s32 @p2 $0x1  }
0x17: {  	s4 =	simm.s32 $0x1BF5;
	[smem:$0x3FA3] =	sst s0  }
0x18: {  	s0 =	sld [smem:$0x3F86];
	_ =	swait.ge [sflag:s4], $0x0  }
0x19: {  	s7 =	sld [smem:$0x3F87]  }
0x1a: {  	s8 =	sadd.s32 $0xFFFFE003, lr  }
0x1b: {  	s9 =	sadd.s32 $0xFFFFFEF7, lr;
	s5 =	simm.s32 $0xFFFFFFFF;
	p2 =	slt.u32 s8, $0xFFFFF086  }
0x1c: {  	p1 =	slt.u32 s9, $0xF7A;
	s5 =	simm.s32 @!p2 $0x0  }
0x1d: {  	s5 =	simm.s32 @p1 $0x1;
	p0 =	seq.s32 s7, s2  }
0x1e: {  	s7 =	smul.u32 @!p0 $0xF7A, s2;
	p2 =	seq.s32 @!p0 s5, $0x0  }
0x1f: {  	s9 =	smul.u32 $0xF7A, s1;
	s8 =	simm.s32 @!p0 $0x1BF5;
	p2 =	por !p2, p0  }
0x20: {  	[sflag:s8] =	ssyncset.s32 @!p0 $0xFFFFF086;
	s6 =	sadd.s32 @!p0 s3, s7;
	s7 =	simm.s32 @!p0 $0x108  }
0x21: {  	s3 =	sadd.s32 s3, s9;
	s6 =	sadd.s32 @!p0 $0x88, s6;
	s7 =	simm.s32 @p2 $0x1082  }
0x22: {  	[simem:s7], [sflag:s8] =	dma.local @!p0 [hbm:s6], $0xF7A  }
0x23: {  	s9 =	sor.u32 $0xD0000000, s2;
	s6 =	simm.s32 $0x108;
	_ =	swait.ge @!p0 [sflag:s8], $0x0  }
0x24: {  	s3 =	sadd.s32 $0x88, s3;
	s6 =	simm.s32 @!p1 $0x1082;
	[sflag:s4] =	ssyncset.s32 $0xFFFFF086  }
0x25: {  	[simem:s6], [sflag:s4] =	dma.local [hbm:s3], $0xF7A  }
0x26: {  	[smem:$0x3F87] =	sst s1;
	(tag) =	ssettag s2;
	_ =	strace s9  }
0x27: {  	s1 =	sld [smem:$0x3F97]  }
0x28: {  	s2 =	sld [smem:$0x3F98]  }
0x29: {  	s4 =	sld [smem:$0x3F9A]  }
0x2a: {  	p0 =	seq.s32 s5, $0x0;
	s5 =	sld [smem:$0x3F9B]  }
0x2b: {  	s6 =	sld [smem:$0x3F9C]  }
0x2c: {  	s7 =	sld [smem:$0x3F9D]  }
0x2d: {  	s3 =	simm.s32 $0x108;
	s8 =	sld [smem:$0x3F9E]  }
0x2e: {  	s3 =	simm.s32 @!p0 $0x1082;
	s9 =	sld [smem:$0x3F9F]  }
0x2f: {  	lr =	sadd.s32 s0, s3;
	s0 =	sld [smem:$0x3F96]  }
0x30: {  	s3 =	sld [smem:$0x3F99]  }
0x31: {  	[smem:$0x3FA2] =	sst s10  }
0x32: {  	s10 =	sld [smem:$0x3FA0];
	_ =	sdelay $0x3  }
0x33: {  	p0 =	seq.s32 s10, $0x1;
	s10 =	sld [smem:$0x3FA2];
	_ =	sdelay $0x3  }
0x34: {  	[smem:$0x3FA2] =	sst s10  }
0x35: {  	s10 =	sld [smem:$0x3FA1];
	_ =	sdelay $0x3  }
0x36: {  	p1 =	seq.s32 s10, $0x1;
	s10 =	sld [smem:$0x3FA2];
	_ =	sdelay $0x3  }
0x37: {  	[smem:$0x3FA2] =	sst s10  }
0x38: {  	s10 =	sld [smem:$0x3FA3]  }
0x39: {  	_ = 	snop;
	(pc) =	sbr.ind lr, $3  }
0x3a: {  	_ = 	snop  }
0x3b: {  	_ = 	snop  }
0x3c: {  	p2 =	seq.s32 s10, $0x1;
	s10 =	sld [smem:$0x3FA2]  }
0x3d: {  	_ =	shalt  }
0x3e: {  	_ =	shalt  }
0x3f: {  	_ =	shalt  }
0x40: {  	_ =	shalt  }
0x41: {  	_ =	shalt  }
0x42: {  	_ =	shalt  }
0x43: {  	_ =	shalt  }
0x44: {  	_ =	shalt  }
0x45: {  	_ =	shalt  }
0x46: {  	_ =	shalt  }
0x47: {  	_ =	shalt  }
0x48: {  	_ =	shalt  }
0x49: {  	_ =	shalt  }
0x4a: {  	_ =	shalt  }
0x4b: {  	_ =	shalt  }
0x4c: {  	_ =	shalt  }
0x4d: {  	_ =	shalt  }
0x4e: {  	_ =	shalt  }
0x4f: {  	_ =	shalt  }
0x50: {  	_ =	shalt  }
0x51: {  	_ =	shalt  }
0x52: {  	_ =	shalt  }
0x53: {  	_ =	shalt  }
0x54: {  	_ =	shalt  }
0x55: {  	_ =	shalt  }
0x56: {  	_ =	shalt  }
0x57: {  	_ =	shalt  }
0x58: {  	_ =	shalt  }
0x59: {  	_ =	shalt  }
0x5a: {  	_ =	shalt  }
0x5b: {  	_ =	shalt  }
0x5c: {  	_ =	shalt  }
0x5d: {  	_ =	shalt  }
0x5e: {  	_ =	shalt  }
0x5f: {  	_ =	shalt  }
0x60: {  	_ =	shalt  }
0x61: {  	_ =	shalt  }
0x62: {  	_ =	shalt  }
0x63: {  	_ =	shalt  }
0x64: {  	_ =	shalt  }
0x65: {  	_ =	shalt  }
0x66: {  	_ =	shalt  }
0x67: {  	_ =	shalt  }
0x68: {  	_ =	shalt  }
0x69: {  	_ =	shalt  }
0x6a: {  	_ =	shalt  }
0x6b: {  	_ =	shalt  }
0x6c: {  	_ =	shalt  }
0x6d: {  	_ =	shalt  }
0x6e: {  	_ =	shalt  }
0x6f: {  	_ =	shalt  }
0x70: {  	_ =	shalt  }
0x71: {  	_ =	shalt  }
0x72: {  	_ =	shalt  }
0x73: {  	_ =	shalt  }
0x74: {  	_ =	shalt  }
0x75: {  	_ =	shalt  }
0x76: {  	_ =	shalt  }
0x77: {  	_ =	shalt  }
0x78: {  	_ =	shalt  }
0x79: {  	_ =	shalt  }
0x7a: {  	_ =	shalt  }
0x7b: {  	_ =	shalt  }
0x7c: {  	_ =	shalt  }
0x7d: {  	_ =	shalt  }
0x7e: {  	_ =	shalt  }
0x7f: {  	_ =	shalt  }
0x80: {  	_ =	shalt  }
0x81: {  	_ =	shalt  }
0x82: {  	_ =	shalt  }
0x83: {  	_ =	shalt  }
0x84: {  	_ =	shalt  }
0x85: {  	_ =	shalt  }
0x86: {  	_ =	shalt  }
0x87: {  	_ =	shalt  }
.Lfunc_end0:
.L_simem_size_0:
called_computation_lowered:
.L_overlay_start_0:
0x88: {  	s2 =	sld [smem:$0x3FD9]  }
0x89: {  	s3 =	sld [smem:$0x3FFE];
	_ =	sdelay $0x1  }
0x8a: {  	s1 =	srdreg.scid  }
0x8b: {  	s0 =	sand.u32 $0x1, s1  }
0x8c: {  	s16 =	sshll.u32 s0, $0xA;
	s2 =	sadd.s32 s3, s2  }
0x8d: {  	s2 =	sadd.s32 s2, s16  }
0x8e: {  	[smem:$0x3FAE] =	sst s2  }
0x8f: {  	_ = 	snop  }
0x90: {  	(tm) =	ssettm $0x1  }
0x91: {  	s17 =	sld [smem:$0x3FFB];
	_ =	sdelay $0x3  }
0x92: {  	_ =	strace s17  }
0x93: {  	s2 =	sld [smem:$0x3FFC];
	_ =	sdelay $0x3  }
0x94: {  	_ =	strace s2  }
0x95: {  	s2 =	sld [smem:$0x3FFD];
	_ =	sdelay $0x3  }
0x96: {  	_ =	strace s2  }
0x97: {  	_ =	strace $0x8FFFFFFF  }
0x98: {  	s18 =	sld [smem:$0x3FDB];
	_ =	sdelay $0x1  }
0x99: {  	s19 =	simm.s32 $_scs_section_size  }
0x9a: {  	s4 =	simm.s32 $_size__tile_overlayer_lowered;
	s5 =	simm.s32 $_tile_overlayer_lowered  }
0x9b: {  	s22 =	simm.s32 $0x1BFF;
	s21 =	sshll.u32 s5, $0x1;
	s2 =	sadd.s32 s19, s18  }
0x9c: {  	s6 =	simm.s32 $0x0;
	s20 =	sshll.u32 s4, $0x1;
	s4 =	sadd.s32 s21, s2  }
0x9d: {  	[timem:s6], [sflag:s22] =	dma.local [hbm:s4], s20  }
0x9e: {  	_ =	swait.ge [sflag:s22], s20  }
0x9f: {  	s3 =	ssub.s32 $0x0, s20;
	[sflag:s22] =	ssyncset.done $0x0  }
0xa0: {  	[sflag:s22] =	ssyncadd.s32 s3;
	_ =	sdelay $0x1  }
0xa1: {  	s23 =	simm.s32 $0x1B8B  }
0xa2: {  	_ =	swait.ge [sflag:s23], $0x1  }
0xa3: {  	[sflag:s23] =	ssyncset.done $0x0  }
0xa4: {  	s25 =	simm.s32 $0x1B8E;
	s24 =	sld [smem:$0x3FFE];
	[sflag:s23] =	ssyncadd.s32 $0xFFFFFFFF  }
0xa5: {  	s26 =	simm.s32 $execute0_lowered;
	[smem:$0x3FD2] =	sst s25  }
0xa6: {  	s4 =	sshll.u32 s26, $0x1;
	_ =	strace $0x80000046;
	[dreg:$0x1] =	wrdreg $0xFFFFFFFF  }
0xa7: {  	s28 =	simm.s32 $_size_execute0_lowered;
	s2 =	sadd.s32 s2, s4;
	[dreg:$0x0] =	wrdreg $0x0  }
0xa8: {  	s4 =	sshll.u32 s28, $0x1;
	[dreg:$0x2] =	wrdreg s2  }
0xa9: {  	[dreg:$0x3] =	wrdreg s4  }
0xaa: {  	[dreg:$0x4] =	wrdreg $0xC0  }
0xab: {  	_ =	task [dreg:s6], $0x5FFFF  }
0xac: {  	[dreg:$0x1] =	wrdreg $0xFFFFFFFF  }
0xad: {  	[dreg:$0x0] =	wrdreg $0x60  }
0xae: {  	[dreg:$0x2] =	wrdreg s24  }
0xaf: {  	[dreg:$0x3] =	wrdreg $0x2FD00  }
0xb0: {  	[dreg:$0x4] =	wrdreg $0x9  }
0xb1: {  	_ =	task.clear_ibuf [dreg:s6], $0x5FFFF;
	_ =	strace $0x90000046  }
0xb2: {  	s29 =	simm.s32 $0x9;
	_ =	strace $0x80000048  }
0xb3: {  	_ =	swait.ge [sflag:s29], $0x1  }
0xb4: {  	[sflag:s29] =	ssyncadd.s32 $0xFFFFFFFF  }
0xb5: {  	_ =	strace $0x90000048  }
0xb6: {  	_ =	sfence  }
0xb7: {  	s30 =	sld [smem:$0x0];
	_ =	sdelay $0x2  }
0xb8: {  	s31 =	sshll.u32 s1, $0xD;
	s1 =	sshrl.u32 s1, $0x2  }
0xb9: {  	s3 =	sand.u32 $0x4000, s31;
	s1 =	sadd.s32 s1, s30  }
0xba: {  	s0 =	sor.u32 s3, s0;
	s1 =	sshll.u32 s1, $0x11  }
0xbb: {  	s0 =	sor.u32 s1, s0  }
0xbc: {  	s0 =	sadd.s32 $0x8F2B, s0  }
0xbd: {  	[sflag:s0] =	ssyncadd.remote.s32 $0x1  }
0xbe: {  	_ =	sfence.sel $0xFFFF  }
0xbf: {  	[dreg:$0x0] =	wrdreg $0xFFFFFFFF;
	(pc) =	sbr.abs _section_cstart, $3  }
0xc0: {  	[dreg:$0x1] =	wrdreg $0xFFFFFFFF  }
0xc1: {  	_ =	task.clear_ibuf [dreg:s6], $0x2FFFF;
	_ =	strace $0x9FFFFFFF  }
0xc2: {  	(tm) =	ssettm $0x7FFFFFFF  }
0xc3: {  	_ =	shalt  }
tec
execute0_lowered:
.L_overlay_start_1:
0x0: {  	(tag) =	ssettag $0x1  }
0x1: {  	s6 =	rddreg [dreg:$0x0]  }
0x2: {  	s0 =	srdreg.scid;
	s2 =	rddreg [dreg:$0x1]  }
0x3: {  	s3 =	simm.s32 $0x0;
	s5 =	sand.u32 $0x1, s0;
	s0 =	stileid.u32  }
0x4: {  	s13 =	simm.s32 $0x7D;
	s14 =	simm.s32 $0x0;
	s7 =	smul.u32 $0x2800, s0  }
0x5: {  	[smem:$0x7FF] =	sst s3;
	s1 =	sshll.u32 s5, $0x4;
	s8 =	smul.u32 $0x28000, s5  }
0x6: {  	s5 =	ssub.s32 $0x2, s5;
	s31 =	sshll.u32 s0, $0x6;
	s1 =	sor.u32 s0, s1  }
0x7: {  	s11 =	sshrl.u32 s5, $0x1;
	s4 =	smul.u32 $0x500, s1;
	s1 =	rddreg [dreg:$0x2]  }
0x8: {  	_ =	strace $0x80000047;
	s8 =	sadd.s32 s7, s8;
	s10 =	sshrl.u32 s7, $0x3  }
0x9: {  	s11 =	ssub.s32 s5, s11;
	s12 =	sadd.s32 s7, s2;
	s8 =	sshrl.u32 s8, $0x3  }
0xa: {  	s10 =	sadd.s32 s10, s6;
	s12 =	sshrl.u32 s12, $0x3;
	s9 =	sadd.s32 s4, s6  }
0xb: {  	s4 =	sadd.s32 $0x14600, s6;
	s8 =	sadd.s32 s8, s6;
	s6 =	sadd.s32 $0xF600, s10  }
0xc: {  	s10 =	simm.s32 $0x2800;
	s5 =	sadd.s32 $0x5600, s9;
	s7 =	sadd.s32 $0x14800, s8  }
0xd: {  	s8 =	smax.u32 s11, $0x1;
	s9 =	simm.s32 $0x1;
	s11 =	sor.u32 $0x1C01, s31  }
.LBB2_1:
0xe: {  	[tilespmem:s3], [sflag:$0x1] =	stream.linear.gather [hbm4b:s5+s3], $0x2800, $0x38;
	[tilespmem:$0x57D0] =	vst v63  }
0xf: {  	_ =	swait.ge [sflag:s9], $0x2800  }
0x10: {  	[sflag:s9] =	ssyncset.done $0x0  }
0x11: {  	[sflag:s9] =	ssyncadd.s32 $0xFFFFD800  }
0x12: {  	[tilespmem:s10], [sflag:$0x1] =	stream.linear.gather [hbm4b:s4+s3], $0x7D0, $0x38;
	[tilespmem:$0x57D0] =	vst v63  }
0x13: {  	_ =	swait.ge [sflag:s9], $0x7D0  }
0x14: {  	[sflag:s9] =	ssyncset.done $0x0  }
0x15: {  	[sflag:s9] =	ssyncadd.s32 $0xFFFFF830  }
0x16: {  	[spmem:s12], [sflag:s11] =	dma.local [hbm:s6], $0x500  }
0x17: {  	_ =	swait.ge [sflag:s9], $0x500  }
0x18: {  	[sflag:s9] =	ssyncset.done $0x0  }
0x19: {  	[sflag:s9] =	ssyncadd.s32 $0xFFFFFB00  }
0x1a: {  	s15 =	simm.s32 $0x0;
	[bflag:$0x0] =	sbarrier.arrive $0xFFFF  }
0x1b: {  	[spmem:s2] =	stream.indirect.scatter.add.f32 [tilespmem:s10], [sflag:$0x1], $0x10, s15, s13, $0xb8;
	[tilespmem:$0x57D0] =	vst v63  }
0x1c: {  	_ =	swait.ge [sflag:s9], $0x7D0  }
0x1d: {  	s15 =	simm.s32 $0x200;
	[sflag:s9] =	ssyncset.done $0x0  }
.LBB2_2:
0x1e: {  	s16 =	sshra.s32 s15, $0x2;
	[sflag:s9] =	ssyncadd.s32 $0xFFFFF830;
	p0 =	sne.s32 s15, $0x9E00  }
0x1f: {  	[spmem:s2] =	stream.indirect.scatter.add.f32 [tilespmem:s10], [sflag:$0x1], $0x10, s16, s13, $0xb8;
	[tilespmem:$0x57D0] =	vst v63  }
.Ltmp0:
0x20: {  	_ = 	snop;
	(pc) =	sbr.rel @p0 .LBB2_2-.Ltmp0, $4  }
0x21: {  	_ = 	snop  }
0x22: {  	s15 =	sadd.s32 $0x200, s15  }
0x23: {  	_ =	swait.ge [sflag:s9], $0x7D0  }
0x24: {  	[sflag:s9] =	ssyncset.done $0x0  }
0x25: {  	s14 =	sadd.s32 $0x1, s14  }
0x26: {  	[sflag:s9] =	ssyncadd.s32 $0xFFFFF830;
	p0 =	sne.s32 s14, s8  }
.Ltmp1:
0x27: {  	[bflag:$0x0] =	sbarrier.arrive $0xFFFF;
	(pc) =	sbr.rel @p0 .LBB2_1-.Ltmp1, $4  }
0x28: {  	[hbm:s7], [sflag:s11] =	dma.local [spmem:s12], $0x500  }
0x29: {  	_ =	swait.ge [sflag:s9], $0x500  }
0x2a: {  	[sflag:s9] =	ssyncset.done $0x0  }
0x2b: {  	[sflag:s9] =	ssyncadd.s32 $0xFFFFFB00  }
0x2c: {  	_ =	sfence.sel $0x180000  }
0x2d: {  	[bflag:$0x0] =	sbarrier.arrive $0xFFFF  }
0x2e: {  	p0 =	sne.s32 s0, $0x0;
	_ =	strace $0x90000047  }
0x2f: {  	s0 =	sadd.s32 @!p0 $0x100000, s1;
	[bflag:$0x2] =	sbarrier.arrive $0xFFFF  }
0x30: {  	[sflag:s0] =	ssyncadd.tile.s32 @!p0 $0x1;
	_ =	shalt  }
.Lfunc_end2:
_tile_overlayer_lowered:
.L_overlay_start_2:
0x31: {  	(tag) =	ssettag $0x2  }
0x32: {  	s0 =	rddreg [dreg:$0x0];
	s2 =	stileid.u32  }
0x33: {  	s1 =	rddreg [dreg:$0x1];
	p0 =	sne.s32 s2, $0x0  }
0x34: {  	s3 =	rddreg [dreg:$0x2];
	[bflag:$0x3] =	sbarrier.arrive $0xFFFF;
	s2 =	simm.s32 @!p0 $0x1C01  }
0x35: {  	[timem:s3], [sflag:s2] =	dma.local @!p0 [hbm:s0], s1  }
0x36: {  	s0 =	simm.s32 @!p0 $0x1  }
0x37: {  	_ =	swait.ge @!p0 [sflag:s0], s1  }
0x38: {  	s1 =	ssub.s32 @!p0 $0x0, s1;
	[sflag:s0] =	ssyncset.done @!p0 $0x0  }
0x39: {  	[sflag:s0] =	ssyncadd.s32 @!p0 s1  }
0x3a: {  	[bflag:$0x3] =	sbarrier.arrive $0xFFFF  }
0x3b: {  	_ =	shalt  }

// kernel: kernel.14.cloned.1.call-start
scs
__scs_entry_jumppad:
0x0: {  	(pc) =	sbr.rel $0x88, $3  }
0x1: {  	(tag) =	ssettag $0x0;
	lr =	simm.s32 $0x1  }
0x2: {  	[smem:$0x3F87] =	sst lr;
	_ =	strace $0xD0000000  }
0x3: {  	_ = 	snop  }
0x4: {  	_ = 	snop  }
0x5: {  	_ = 	snop  }
0x6: {  	_ = 	snop  }
0x7: {  	_ = 	snop  }
__scs_overlays_trampoline_lowered:
0x8: {  	[smem:$0x3F96] =	sst s0  }
0x9: {  	[smem:$0x3F97] =	sst s1  }
0xa: {  	[smem:$0x3F98] =	sst s2  }
0xb: {  	[smem:$0x3F99] =	sst s3  }
0xc: {  	[smem:$0x3F9A] =	sst s4  }
0xd: {  	[smem:$0x3F9B] =	sst s5  }
0xe: {  	[smem:$0x3F9C] =	sst s6  }
0xf: {  	[smem:$0x3F9D] =	sst s7  }
0x10: {  	[smem:$0x3F9E] =	sst s8  }
0x11: {  	[smem:$0x3F9F] =	sst s9;
	s0 =	simm.s32 @!p0 $0x0  }
0x12: {  	s1 =	sld [smem:$0x3F85];
	s0 =	simm.s32 @p0 $0x1  }
0x13: {  	[smem:$0x3FA0] =	sst s0;
	s0 =	simm.s32 @!p1 $0x0  }
0x14: {  	s2 =	sld [smem:$0x3F84];
	s0 =	simm.s32 @p1 $0x1  }
0x15: {  	[smem:$0x3FA1] =	sst s0;
	s0 =	simm.s32 @!p2 $0x0  }
0x16: {  	s3 =	sld [smem:$0x3FDB];
	s0 =	simm.s32 @p2 $0x1  }
0x17: {  	s4 =	simm.s32 $0x1BF5;
	[smem:$0x3FA3] =	sst s0  }
0x18: {  	s0 =	sld [smem:$0x3F86];
	_ =	swait.ge [sflag:s4], $0x0  }
0x19: {  	s7 =	sld [smem:$0x3F87]  }
0x1a: {  	s8 =	sadd.s32 $0xFFFFE003, lr  }
0x1b: {  	s9 =	sadd.s32 $0xFFFFFEF7, lr;
	s5 =	simm.s32 $0xFFFFFFFF;
	p2 =	slt.u32 s8, $0xFFFFF086  }
0x1c: {  	p1 =	slt.u32 s9, $0xF7A;
	s5 =	simm.s32 @!p2 $0x0  }
0x1d: {  	s5 =	simm.s32 @p1 $0x1;
	p0 =	seq.s32 s7, s2  }
0x1e: {  	s7 =	smul.u32 @!p0 $0xF7A, s2;
	p2 =	seq.s32 @!p0 s5, $0x0  }
0x1f: {  	s9 =	smul.u32 $0xF7A, s1;
	s8 =	simm.s32 @!p0 $0x1BF5;
	p2 =	por !p2, p0  }
0x20: {  	[sflag:s8] =	ssyncset.s32 @!p0 $0xFFFFF086;
	s6 =	sadd.s32 @!p0 s3, s7;
	s7 =	simm.s32 @!p0 $0x108  }
0x21: {  	s3 =	sadd.s32 s3, s9;
	s6 =	sadd.s32 @!p0 $0x88, s6;
	s7 =	simm.s32 @p2 $0x1082  }
0x22: {  	[simem:s7], [sflag:s8] =	dma.local @!p0 [hbm:s6], $0xF7A  }
0x23: {  	s9 =	sor.u32 $0xD0000000, s2;
	s6 =	simm.s32 $0x108;
	_ =	swait.ge @!p0 [sflag:s8], $0x0  }
0x24: {  	s3 =	sadd.s32 $0x88, s3;
	s6 =	simm.s32 @!p1 $0x1082;
	[sflag:s4] =	ssyncset.s32 $0xFFFFF086  }
0x25: {  	[simem:s6], [sflag:s4] =	dma.local [hbm:s3], $0xF7A  }
0x26: {  	[smem:$0x3F87] =	sst s1;
	(tag) =	ssettag s2;
	_ =	strace s9  }
0x27: {  	s1 =	sld [smem:$0x3F97]  }
0x28: {  	s2 =	sld [smem:$0x3F98]  }
0x29: {  	s4 =	sld [smem:$0x3F9A]  }
0x2a: {  	p0 =	seq.s32 s5, $0x0;
	s5 =	sld [smem:$0x3F9B]  }
0x2b: {  	s6 =	sld [smem:$0x3F9C]  }
0x2c: {  	s7 =	sld [smem:$0x3F9D]  }
0x2d: {  	s3 =	simm.s32 $0x108;
	s8 =	sld [smem:$0x3F9E]  }
0x2e: {  	s3 =	simm.s32 @!p0 $0x1082;
	s9 =	sld [smem:$0x3F9F]  }
0x2f: {  	lr =	sadd.s32 s0, s3;
	s0 =	sld [smem:$0x3F96]  }
0x30: {  	s3 =	sld [smem:$0x3F99]  }
0x31: {  	[smem:$0x3FA2] =	sst s10  }
0x32: {  	s10 =	sld [smem:$0x3FA0];
	_ =	sdelay $0x3  }
0x33: {  	p0 =	seq.s32 s10, $0x1;
	s10 =	sld [smem:$0x3FA2];
	_ =	sdelay $0x3  }
0x34: {  	[smem:$0x3FA2] =	sst s10  }
0x35: {  	s10 =	sld [smem:$0x3FA1];
	_ =	sdelay $0x3  }
0x36: {  	p1 =	seq.s32 s10, $0x1;
	s10 =	sld [smem:$0x3FA2];
	_ =	sdelay $0x3  }
0x37: {  	[smem:$0x3FA2] =	sst s10  }
0x38: {  	s10 =	sld [smem:$0x3FA3]  }
0x39: {  	_ = 	snop;
	(pc) =	sbr.ind lr, $3  }
0x3a: {  	_ = 	snop  }
0x3b: {  	_ = 	snop  }
0x3c: {  	p2 =	seq.s32 s10, $0x1;
	s10 =	sld [smem:$0x3FA2]  }
0x3d: {  	_ =	shalt  }
0x3e: {  	_ =	shalt  }
0x3f: {  	_ =	shalt  }
0x40: {  	_ =	shalt  }
0x41: {  	_ =	shalt  }
0x42: {  	_ =	shalt  }
0x43: {  	_ =	shalt  }
0x44: {  	_ =	shalt  }
0x45: {  	_ =	shalt  }
0x46: {  	_ =	shalt  }
0x47: {  	_ =	shalt  }
0x48: {  	_ =	shalt  }
0x49: {  	_ =	shalt  }
0x4a: {  	_ =	shalt  }
0x4b: {  	_ =	shalt  }
0x4c: {  	_ =	shalt  }
0x4d: {  	_ =	shalt  }
0x4e: {  	_ =	shalt  }
0x4f: {  	_ =	shalt  }
0x50: {  	_ =	shalt  }
0x51: {  	_ =	shalt  }
0x52: {  	_ =	shalt  }
0x53: {  	_ =	shalt  }
0x54: {  	_ =	shalt  }
0x55: {  	_ =	shalt  }
0x56: {  	_ =	shalt  }
0x57: {  	_ =	shalt  }
0x58: {  	_ =	shalt  }
0x59: {  	_ =	shalt  }
0x5a: {  	_ =	shalt  }
0x5b: {  	_ =	shalt  }
0x5c: {  	_ =	shalt  }
0x5d: {  	_ =	shalt  }
0x5e: {  	_ =	shalt  }
0x5f: {  	_ =	shalt  }
0x60: {  	_ =	shalt  }
0x61: {  	_ =	shalt  }
0x62: {  	_ =	shalt  }
0x63: {  	_ =	shalt  }
0x64: {  	_ =	shalt  }
0x65: {  	_ =	shalt  }
0x66: {  	_ =	shalt  }
0x67: {  	_ =	shalt  }
0x68: {  	_ =	shalt  }
0x69: {  	_ =	shalt  }
0x6a: {  	_ =	shalt  }
0x6b: {  	_ =	shalt  }
0x6c: {  	_ =	shalt  }
0x6d: {  	_ =	shalt  }
0x6e: {  	_ =	shalt  }
0x6f: {  	_ =	shalt  }
0x70: {  	_ =	shalt  }
0x71: {  	_ =	shalt  }
0x72: {  	_ =	shalt  }
0x73: {  	_ =	shalt  }
0x74: {  	_ =	shalt  }
0x75: {  	_ =	shalt  }
0x76: {  	_ =	shalt  }
0x77: {  	_ =	shalt  }
0x78: {  	_ =	shalt  }
0x79: {  	_ =	shalt  }
0x7a: {  	_ =	shalt  }
0x7b: {  	_ =	shalt  }
0x7c: {  	_ =	shalt  }
0x7d: {  	_ =	shalt  }
0x7e: {  	_ =	shalt  }
0x7f: {  	_ =	shalt  }
0x80: {  	_ =	shalt  }
0x81: {  	_ =	shalt  }
0x82: {  	_ =	shalt  }
0x83: {  	_ =	shalt  }
0x84: {  	_ =	shalt  }
0x85: {  	_ =	shalt  }
0x86: {  	_ =	shalt  }
0x87: {  	_ =	shalt  }
.Lfunc_end0:
.L_simem_size_0:
called_computation.1_lowered:
.L_overlay_start_0:
0x88: {  	s2 =	sld [smem:$0x3FD9]  }
0x89: {  	s3 =	sld [smem:$0x3FFE];
	_ =	sdelay $0x1  }
0x8a: {  	s1 =	srdreg.scid  }
0x8b: {  	s0 =	sand.u32 $0x1, s1  }
0x8c: {  	s16 =	sshll.u32 s0, $0xA;
	s2 =	sadd.s32 s3, s2  }
0x8d: {  	s2 =	sadd.s32 s2, s16  }
0x8e: {  	[smem:$0x3FAE] =	sst s2  }
0x8f: {  	_ = 	snop  }
0x90: {  	(tm) =	ssettm $0x1  }
0x91: {  	s17 =	sld [smem:$0x3FFB];
	_ =	sdelay $0x3  }
0x92: {  	_ =	strace s17  }
0x93: {  	s2 =	sld [smem:$0x3FFC];
	_ =	sdelay $0x3  }
0x94: {  	_ =	strace s2  }
0x95: {  	s2 =	sld [smem:$0x3FFD];
	_ =	sdelay $0x3  }
0x96: {  	_ =	strace s2  }
0x97: {  	_ =	strace $0x8FFFFFFF  }
0x98: {  	s18 =	sld [smem:$0x3FDB];
	_ =	sdelay $0x1  }
0x99: {  	s19 =	simm.s32 $_scs_section_size  }
0x9a: {  	s4 =	simm.s32 $_size__tile_overlayer_lowered;
	s5 =	simm.s32 $_tile_overlayer_lowered  }
0x9b: {  	s22 =	simm.s32 $0x1BFF;
	s21 =	sshll.u32 s5, $0x1;
	s2 =	sadd.s32 s19, s18  }
0x9c: {  	s6 =	simm.s32 $0x0;
	s20 =	sshll.u32 s4, $0x1;
	s4 =	sadd.s32 s21, s2  }
0x9d: {  	[timem:s6], [sflag:s22] =	dma.local [hbm:s4], s20  }
0x9e: {  	_ =	swait.ge [sflag:s22], s20  }
0x9f: {  	s3 =	ssub.s32 $0x0, s20;
	[sflag:s22] =	ssyncset.done $0x0  }
0xa0: {  	[sflag:s22] =	ssyncadd.s32 s3;
	_ =	sdelay $0x1  }
0xa1: {  	s23 =	simm.s32 $0x1B8B  }
0xa2: {  	_ =	swait.ge [sflag:s23], $0x1  }
0xa3: {  	[sflag:s23] =	ssyncset.done $0x0  }
0xa4: {  	s25 =	simm.s32 $0x1B8E;
	s24 =	sld [smem:$0x3FFE];
	[sflag:s23] =	ssyncadd.s32 $0xFFFFFFFF  }
0xa5: {  	s26 =	simm.s32 $execute0_lowered;
	[smem:$0x3FD2] =	sst s25  }
0xa6: {  	s4 =	sshll.u32 s26, $0x1;
	_ =	strace $0x80000049;
	[dreg:$0x1] =	wrdreg $0xFFFFFFFF  }
0xa7: {  	s28 =	simm.s32 $_size_execute0_lowered;
	s2 =	sadd.s32 s2, s4;
	[dreg:$0x0] =	wrdreg $0x0  }
0xa8: {  	s4 =	sshll.u32 s28, $0x1;
	[dreg:$0x2] =	wrdreg s2  }
0xa9: {  	[dreg:$0x3] =	wrdreg s4  }
0xaa: {  	[dreg:$0x4] =	wrdreg $0xC0  }
0xab: {  	_ =	task [dreg:s6], $0x5FFFF  }
0xac: {  	[dreg:$0x1] =	wrdreg $0xFFFFFFFF  }
0xad: {  	[dreg:$0x0] =	wrdreg $0x60  }
0xae: {  	[dreg:$0x2] =	wrdreg s24  }
0xaf: {  	[dreg:$0x3] =	wrdreg $0xCEE00  }
0xb0: {  	[dreg:$0x4] =	wrdreg $0x9  }
0xb1: {  	_ =	task.clear_ibuf [dreg:s6], $0x5FFFF;
	_ =	strace $0x90000049  }
0xb2: {  	s29 =	simm.s32 $0x9;
	_ =	strace $0x8000004B  }
0xb3: {  	_ =	swait.ge [sflag:s29], $0x1  }
0xb4: {  	[sflag:s29] =	ssyncadd.s32 $0xFFFFFFFF  }
0xb5: {  	_ =	strace $0x9000004B  }
0xb6: {  	_ =	sfence  }
0xb7: {  	s30 =	sld [smem:$0x0];
	_ =	sdelay $0x2  }
0xb8: {  	s31 =	sshll.u32 s1, $0xD;
	s1 =	sshrl.u32 s1, $0x2  }
0xb9: {  	s3 =	sand.u32 $0x4000, s31;
	s1 =	sadd.s32 s1, s30  }
0xba: {  	s0 =	sor.u32 s3, s0;
	s1 =	sshll.u32 s1, $0x11  }
0xbb: {  	s0 =	sor.u32 s1, s0  }
0xbc: {  	s0 =	sadd.s32 $0x8F2B, s0  }
0xbd: {  	[sflag:s0] =	ssyncadd.remote.s32 $0x1  }
0xbe: {  	_ =	sfence.sel $0xFFFF  }
0xbf: {  	[dreg:$0x0] =	wrdreg $0xFFFFFFFF;
	(pc) =	sbr.abs _section_cstart, $3  }
0xc0: {  	[dreg:$0x1] =	wrdreg $0xFFFFFFFF  }
0xc1: {  	_ =	task.clear_ibuf [dreg:s6], $0x2FFFF;
	_ =	strace $0x9FFFFFFF  }
0xc2: {  	(tm) =	ssettm $0x7FFFFFFF  }
0xc3: {  	_ =	shalt  }
tec
execute0_lowered:
.L_overlay_start_1:
0x0: {  	(tag) =	ssettag $0x1  }
0x1: {  	s5 =	rddreg [dreg:$0x0]  }
0x2: {  	s2 =	rddreg [dreg:$0x1]  }
0x3: {  	s0 =	rddreg [dreg:$0x2];
	s3 =	simm.s32 $0x0;
	s1 =	stileid.u32  }
0x4: {  	s8 =	srdreg.scid;
	s17 =	simm.s32 $0xA000;
	s18 =	simm.s32 $0x1  }
0x5: {  	s19 =	simm.s32 $0x0;
	[smem:$0x7FF] =	sst s3;
	s6 =	smul.u32 $0xA00, s1  }
0x6: {  	s4 =	sadd.s32 $0xC5C00, s5;
	s7 =	smul.u32 $0xF000, s1;
	s9 =	sadd.s32 $0x1E800, s5  }
0x7: {  	s8 =	sand.u32 $0x1, s8;
	s14 =	sadd.s32 $0x159000, s5;
	s31 =	sshll.u32 s1, $0x6  }
0x8: {  	_ =	strace $0x8000004A;
	s11 =	ssub.s32 $0x2, s8;
	s12 =	sshll.u32 s8, $0x4  }
0x9: {  	s28 =	smul.u32 $0xF0000, s8;
	s8 =	sor.u32 $0x2, s8;
	s6 =	sadd.s32 s6, s5  }
0xa: {  	s10 =	sshrl.u32 s7, $0x3;
	s13 =	sshrl.u32 s11, $0x1;
	s12 =	sor.u32 s1, s12  }
0xb: {  	s29 =	sshll.u32 s8, $0x4;
	s8 =	smul.u32 $0xF0000, s8;
	s15 =	sadd.s32 s7, s2  }
0xc: {  	s10 =	sadd.s32 s10, s5;
	s11 =	ssub.s32 s11, s13;
	s12 =	smul.u32 $0xA00, s12  }
0xd: {  	s5 =	sadd.s32 $0x46800, s6;
	s13 =	sadd.s32 s7, s28;
	s15 =	sshrl.u32 s15, $0x3  }
0xe: {  	s13 =	sshrl.u32 s13, $0x3;
	s16 =	sadd.s32 s7, s8;
	s7 =	sadd.s32 $0x13B000, s10  }
0xf: {  	s11 =	smax.u32 s11, $0x1;
	s6 =	sadd.s32 s9, s12;
	s12 =	sor.u32 s1, s29  }
0x10: {  	s8 =	sadd.s32 s14, s13;
	s30 =	sshrl.u32 s16, $0x3;
	s12 =	smul.u32 $0xA00, s12  }
0x11: {  	s13 =	simm.s32 $0x2;
	s16 =	simm.s32 $0x7D;
	s10 =	sadd.s32 s14, s30  }
0x12: {  	s14 =	sor.u32 $0x1C02, s31;
	s9 =	sadd.s32 s9, s12;
	s12 =	simm.s32 $0x5000  }
.LBB2_1:
0x13: {  	[tilespmem:s12], [sflag:$0x2] =	stream.linear.gather [hbm4b:s5+s3], $0x5000, $0x38;
	[tilespmem:$0x1BEE0] =	vst v63  }
0x14: {  	_ =	swait.ge [sflag:s13], $0x5000  }
0x15: {  	[sflag:s13] =	ssyncset.done $0x0  }
0x16: {  	[sflag:s13] =	ssyncadd.s32 $0xFFFFB000  }
0x17: {  	[tilespmem:s3], [sflag:$0x2] =	stream.linear.gather [hbm4b:s6+s3], $0x5000, $0x38;
	[tilespmem:$0x1BEE0] =	vst v63  }
0x18: {  	_ =	swait.ge [sflag:s13], $0x5000  }
0x19: {  	[sflag:s13] =	ssyncset.done $0x0  }
0x1a: {  	[sflag:s13] =	ssyncadd.s32 $0xFFFFB000  }
0x1b: {  	[spmem:s15], [sflag:s14] =	dma.local [hbm:s7], $0x1E00  }
0x1c: {  	_ =	swait.ge [sflag:s13], $0x1E00  }
0x1d: {  	[sflag:s13] =	ssyncset.done $0x0  }
0x1e: {  	[sflag:s13] =	ssyncadd.s32 $0xFFFFE200  }
0x1f: {  	s20 =	simm.s32 $0x0;
	[bflag:$0x0] =	sbarrier.arrive $0xFFFF  }
0x20: {  	[tilespmem:s17], [sflag:$0x1] =	stream.indirect.gather [hbm4b:s4+s16], $0x60, s20, s16, $0xb8;
	[tilespmem:$0x1BEE0] =	vst v63  }
0x21: {  	_ =	swait.ge [sflag:s18], $0x2EE0  }
0x22: {  	[sflag:s18] =	ssyncset.done $0x0  }
0x23: {  	s31 =	simm.s32 $0x5000;
	[sflag:s18] =	ssyncadd.s32 $0xFFFFD120  }
0x24: {  	[spmem:s2] =	stream.indirect.scatter.add.f32 [tilespmem:s17], [sflag:$0x2], $0x60, s31, s16, $0xb8;
	[tilespmem:$0x1BEE0] =	vst v63  }
0x25: {  	_ =	swait.ge [sflag:s13], $0x2EE0  }
0x26: {  	s21 =	simm.s32 $0x400;
	s20 =	simm.s32 $0x200;
	[sflag:s13] =	ssyncset.done $0x0  }
.LBB2_2:
0x27: {  	s22 =	sshra.s32 s20, $0x2  }
0x28: {  	[sflag:s13] =	ssyncadd.s32 $0xFFFFD120;
	s20 =	smov.u32 s21;
	s23 =	sadd.s32 $0x200, s21  }
0x29: {  	[tilespmem:s17], [sflag:$0x1] =	stream.indirect.gather [hbm4b:s4+s16], $0x60, s22, s16, $0xb8;
	[tilespmem:$0x1BEE0] =	vst v63  }
0x2a: {  	p0 =	sne.s32 s21, $0x13E00;
	_ =	swait.ge [sflag:s18], $0x2EE0  }
.Ltmp0:
0x2b: {  	[sflag:s18] =	ssyncset.done $0x0;
	(pc) =	sbr.rel @p0 .LBB2_2-.Ltmp0, $4  }
0x2c: {  	s21 =	sadd.s32 $0x5000, s22;
	[sflag:s18] =	ssyncadd.s32 $0xFFFFD120  }
0x2d: {  	[spmem:s2] =	stream.indirect.scatter.add.f32 [tilespmem:s17], [sflag:$0x2], $0x60, s21, s16, $0xb8;
	[tilespmem:$0x1BEE0] =	vst v63  }
0x2e: {  	_ =	swait.ge [sflag:s13], $0x2EE0  }
0x2f: {  	s21 =	smov.u32 s23;
	[sflag:s13] =	ssyncset.done $0x0  }
0x30: {  	s20 =	sshra.s32 s20, $0x2;
	[sflag:s13] =	ssyncadd.s32 $0xFFFFD120  }
0x31: {  	[tilespmem:s17], [sflag:$0x1] =	stream.indirect.gather [hbm4b:s4+s16], $0x60, s20, s16, $0xb8;
	[tilespmem:$0x1BEE0] =	vst v63  }
0x32: {  	_ =	swait.ge [sflag:s18], $0x2EE0  }
0x33: {  	[sflag:s18] =	ssyncset.done $0x0  }
0x34: {  	s20 =	sadd.s32 $0x5000, s20;
	[sflag:s18] =	ssyncadd.s32 $0xFFFFD120  }
0x35: {  	[spmem:s2] =	stream.indirect.scatter.add.f32 [tilespmem:s17], [sflag:$0x2], $0x60, s20, s16, $0xb8;
	[tilespmem:$0x1BEE0] =	vst v63  }
0x36: {  	_ =	swait.ge [sflag:s13], $0x2EE0  }
0x37: {  	[sflag:s13] =	ssyncset.done $0x0  }
0x38: {  	[sflag:s13] =	ssyncadd.s32 $0xFFFFD120  }
0x39: {  	[bflag:$0x0] =	sbarrier.arrive $0xFFFF  }
0x3a: {  	[hbm:s8], [sflag:s14] =	dma.local [spmem:s15], $0x1E00  }
0x3b: {  	_ =	swait.ge [sflag:s13], $0x1E00  }
0x3c: {  	[sflag:s13] =	ssyncset.done $0x0  }
0x3d: {  	s29 =	simm.s32 $0x0;
	[sflag:s13] =	ssyncadd.s32 $0xFFFFE200  }
0x3e: {  	[tilespmem:s29], [sflag:$0x2] =	stream.linear.gather [hbm4b:s9+s29], $0x5000, $0x38;
	[tilespmem:$0x1BEE0] =	vst v63  }
0x3f: {  	_ =	swait.ge [sflag:s13], $0x5000  }
0x40: {  	[sflag:s13] =	ssyncset.done $0x0  }
0x41: {  	[sflag:s13] =	ssyncadd.s32 $0xFFFFB000  }
0x42: {  	[spmem:s15], [sflag:s14] =	dma.local [hbm:s7], $0x1E00  }
0x43: {  	_ =	swait.ge [sflag:s13], $0x1E00  }
0x44: {  	[sflag:s13] =	ssyncset.done $0x0  }
0x45: {  	[sflag:s13] =	ssyncadd.s32 $0xFFFFE200  }
0x46: {  	s30 =	simm.s32 $0x0;
	[bflag:$0x0] =	sbarrier.arrive $0xFFFF  }
0x47: {  	[tilespmem:s17], [sflag:$0x1] =	stream.indirect.gather [hbm4b:s4+s16], $0x60, s30, s16, $0xb8;
	[tilespmem:$0x1BEE0] =	vst v63  }
0x48: {  	_ =	swait.ge [sflag:s18], $0x2EE0  }
0x49: {  	[sflag:s18] =	ssyncset.done $0x0  }
0x4a: {  	s31 =	simm.s32 $0x5000;
	[sflag:s18] =	ssyncadd.s32 $0xFFFFD120  }
0x4b: {  	[spmem:s2] =	stream.indirect.scatter.add.f32 [tilespmem:s17], [sflag:$0x2], $0x60, s31, s16, $0xb8;
	[tilespmem:$0x1BEE0] =	vst v63  }
0x4c: {  	_ =	swait.ge [sflag:s13], $0x2EE0  }
0x4d: {  	s21 =	simm.s32 $0x400;
	s20 =	simm.s32 $0x200;
	[sflag:s13] =	ssyncset.done $0x0  }
.LBB2_4:
0x4e: {  	s22 =	sshra.s32 s20, $0x2  }
0x4f: {  	[sflag:s13] =	ssyncadd.s32 $0xFFFFD120;
	s20 =	smov.u32 s21;
	s23 =	sadd.s32 $0x200, s21  }
0x50: {  	[tilespmem:s17], [sflag:$0x1] =	stream.indirect.gather [hbm4b:s4+s16], $0x60, s22, s16, $0xb8;
	[tilespmem:$0x1BEE0] =	vst v63  }
0x51: {  	p0 =	sne.s32 s21, $0x13E00;
	_ =	swait.ge [sflag:s18], $0x2EE0  }
.Ltmp1:
0x52: {  	[sflag:s18] =	ssyncset.done $0x0;
	(pc) =	sbr.rel @p0 .LBB2_4-.Ltmp1, $4  }
0x53: {  	s21 =	sadd.s32 $0x5000, s22;
	[sflag:s18] =	ssyncadd.s32 $0xFFFFD120  }
0x54: {  	[spmem:s2] =	stream.indirect.scatter.add.f32 [tilespmem:s17], [sflag:$0x2], $0x60, s21, s16, $0xb8;
	[tilespmem:$0x1BEE0] =	vst v63  }
0x55: {  	_ =	swait.ge [sflag:s13], $0x2EE0  }
0x56: {  	s21 =	smov.u32 s23;
	[sflag:s13] =	ssyncset.done $0x0  }
0x57: {  	s20 =	sshra.s32 s20, $0x2;
	[sflag:s13] =	ssyncadd.s32 $0xFFFFD120  }
0x58: {  	[tilespmem:s17], [sflag:$0x1] =	stream.indirect.gather [hbm4b:s4+s16], $0x60, s20, s16, $0xb8;
	[tilespmem:$0x1BEE0] =	vst v63  }
0x59: {  	_ =	swait.ge [sflag:s18], $0x2EE0  }
0x5a: {  	[sflag:s18] =	ssyncset.done $0x0  }
0x5b: {  	s20 =	sadd.s32 $0x5000, s20;
	[sflag:s18] =	ssyncadd.s32 $0xFFFFD120  }
0x5c: {  	[spmem:s2] =	stream.indirect.scatter.add.f32 [tilespmem:s17], [sflag:$0x2], $0x60, s20, s16, $0xb8;
	[tilespmem:$0x1BEE0] =	vst v63  }
0x5d: {  	_ =	swait.ge [sflag:s13], $0x2EE0  }
0x5e: {  	s19 =	sadd.s32 $0x1, s19;
	[sflag:s13] =	ssyncset.done $0x0  }
0x5f: {  	p0 =	sne.s32 s19, s11;
	[sflag:s13] =	ssyncadd.s32 $0xFFFFD120  }
.Ltmp2:
0x60: {  	[bflag:$0x0] =	sbarrier.arrive $0xFFFF;
	(pc) =	sbr.rel @p0 .LBB2_1-.Ltmp2, $4  }
0x61: {  	[hbm:s10], [sflag:s14] =	dma.local [spmem:s15], $0x1E00  }
0x62: {  	_ =	swait.ge [sflag:s13], $0x1E00  }
0x63: {  	[sflag:s13] =	ssyncset.done $0x0  }
0x64: {  	[sflag:s13] =	ssyncadd.s32 $0xFFFFE200  }
0x65: {  	_ =	sfence.sel $0x180000  }
0x66: {  	[bflag:$0x0] =	sbarrier.arrive $0xFFFF  }
0x67: {  	p0 =	sne.s32 s1, $0x0;
	_ =	strace $0x9000004A  }
0x68: {  	s0 =	sadd.s32 @!p0 $0x100000, s0;
	[bflag:$0x2] =	sbarrier.arrive $0xFFFF  }
0x69: {  	[sflag:s0] =	ssyncadd.tile.s32 @!p0 $0x1;
	_ =	shalt  }
.Lfunc_end2:
_tile_overlayer_lowered:
.L_overlay_start_2:
0x6a: {  	(tag) =	ssettag $0x2  }
0x6b: {  	s0 =	rddreg [dreg:$0x0];
	s2 =	stileid.u32  }
0x6c: {  	s1 =	rddreg [dreg:$0x1];
	p0 =	sne.s32 s2, $0x0  }
0x6d: {  	s3 =	rddreg [dreg:$0x2];
	[bflag:$0x3] =	sbarrier.arrive $0xFFFF;
	s2 =	simm.s32 @!p0 $0x1C02  }
0x6e: {  	[timem:s3], [sflag:s2] =	dma.local @!p0 [hbm:s0], s1  }
0x6f: {  	s0 =	simm.s32 @!p0 $0x2  }
0x70: {  	_ =	swait.ge @!p0 [sflag:s0], s1  }
0x71: {  	s1 =	ssub.s32 @!p0 $0x0, s1;
	[sflag:s0] =	ssyncset.done @!p0 $0x0  }
0x72: {  	[sflag:s0] =	ssyncadd.s32 @!p0 s1  }
0x73: {  	[bflag:$0x3] =	sbarrier.arrive $0xFFFF  }
0x74: {  	_ =	shalt  }

// kernel: kernel.17.cloned.1.call-start
scs
__scs_entry_jumppad:
0x0: {  	(pc) =	sbr.rel $0x88, $3  }
0x1: {  	(tag) =	ssettag $0x0;
	lr =	simm.s32 $0x1  }
0x2: {  	[smem:$0x3F87] =	sst lr;
	_ =	strace $0xD0000000  }
0x3: {  	_ = 	snop  }
0x4: {  	_ = 	snop  }
0x5: {  	_ = 	snop  }
0x6: {  	_ = 	snop  }
0x7: {  	_ = 	snop  }
__scs_overlays_trampoline_lowered:
0x8: {  	[smem:$0x3F96] =	sst s0  }
0x9: {  	[smem:$0x3F97] =	sst s1  }
0xa: {  	[smem:$0x3F98] =	sst s2  }
0xb: {  	[smem:$0x3F99] =	sst s3  }
0xc: {  	[smem:$0x3F9A] =	sst s4  }
0xd: {  	[smem:$0x3F9B] =	sst s5  }
0xe: {  	[smem:$0x3F9C] =	sst s6  }
0xf: {  	[smem:$0x3F9D] =	sst s7  }
0x10: {  	[smem:$0x3F9E] =	sst s8  }
0x11: {  	[smem:$0x3F9F] =	sst s9;
	s0 =	simm.s32 @!p0 $0x0  }
0x12: {  	s1 =	sld [smem:$0x3F85];
	s0 =	simm.s32 @p0 $0x1  }
0x13: {  	[smem:$0x3FA0] =	sst s0;
	s0 =	simm.s32 @!p1 $0x0  }
0x14: {  	s2 =	sld [smem:$0x3F84];
	s0 =	simm.s32 @p1 $0x1  }
0x15: {  	[smem:$0x3FA1] =	sst s0;
	s0 =	simm.s32 @!p2 $0x0  }
0x16: {  	s3 =	sld [smem:$0x3FDB];
	s0 =	simm.s32 @p2 $0x1  }
0x17: {  	s4 =	simm.s32 $0x1BF5;
	[smem:$0x3FA3] =	sst s0  }
0x18: {  	s0 =	sld [smem:$0x3F86];
	_ =	swait.ge [sflag:s4], $0x0  }
0x19: {  	s7 =	sld [smem:$0x3F87]  }
0x1a: {  	s8 =	sadd.s32 $0xFFFFE003, lr  }
0x1b: {  	s9 =	sadd.s32 $0xFFFFFEF7, lr;
	s5 =	simm.s32 $0xFFFFFFFF;
	p2 =	slt.u32 s8, $0xFFFFF086  }
0x1c: {  	p1 =	slt.u32 s9, $0xF7A;
	s5 =	simm.s32 @!p2 $0x0  }
0x1d: {  	s5 =	simm.s32 @p1 $0x1;
	p0 =	seq.s32 s7, s2  }
0x1e: {  	s7 =	smul.u32 @!p0 $0xF7A, s2;
	p2 =	seq.s32 @!p0 s5, $0x0  }
0x1f: {  	s9 =	smul.u32 $0xF7A, s1;
	s8 =	simm.s32 @!p0 $0x1BF5;
	p2 =	por !p2, p0  }
0x20: {  	[sflag:s8] =	ssyncset.s32 @!p0 $0xFFFFF086;
	s6 =	sadd.s32 @!p0 s3, s7;
	s7 =	simm.s32 @!p0 $0x108  }
0x21: {  	s3 =	sadd.s32 s3, s9;
	s6 =	sadd.s32 @!p0 $0x88, s6;
	s7 =	simm.s32 @p2 $0x1082  }
0x22: {  	[simem:s7], [sflag:s8] =	dma.local @!p0 [hbm:s6], $0xF7A  }
0x23: {  	s9 =	sor.u32 $0xD0000000, s2;
	s6 =	simm.s32 $0x108;
	_ =	swait.ge @!p0 [sflag:s8], $0x0  }
0x24: {  	s3 =	sadd.s32 $0x88, s3;
	s6 =	simm.s32 @!p1 $0x1082;
	[sflag:s4] =	ssyncset.s32 $0xFFFFF086  }
0x25: {  	[simem:s6], [sflag:s4] =	dma.local [hbm:s3], $0xF7A  }
0x26: {  	[smem:$0x3F87] =	sst s1;
	(tag) =	ssettag s2;
	_ =	strace s9  }
0x27: {  	s1 =	sld [smem:$0x3F97]  }
0x28: {  	s2 =	sld [smem:$0x3F98]  }
0x29: {  	s4 =	sld [smem:$0x3F9A]  }
0x2a: {  	p0 =	seq.s32 s5, $0x0;
	s5 =	sld [smem:$0x3F9B]  }
0x2b: {  	s6 =	sld [smem:$0x3F9C]  }
0x2c: {  	s7 =	sld [smem:$0x3F9D]  }
0x2d: {  	s3 =	simm.s32 $0x108;
	s8 =	sld [smem:$0x3F9E]  }
0x2e: {  	s3 =	simm.s32 @!p0 $0x1082;
	s9 =	sld [smem:$0x3F9F]  }
0x2f: {  	lr =	sadd.s32 s0, s3;
	s0 =	sld [smem:$0x3F96]  }
0x30: {  	s3 =	sld [smem:$0x3F99]  }
0x31: {  	[smem:$0x3FA2] =	sst s10  }
0x32: {  	s10 =	sld [smem:$0x3FA0];
	_ =	sdelay $0x3  }
0x33: {  	p0 =	seq.s32 s10, $0x1;
	s10 =	sld [smem:$0x3FA2];
	_ =	sdelay $0x3  }
0x34: {  	[smem:$0x3FA2] =	sst s10  }
0x35: {  	s10 =	sld [smem:$0x3FA1];
	_ =	sdelay $0x3  }
0x36: {  	p1 =	seq.s32 s10, $0x1;
	s10 =	sld [smem:$0x3FA2];
	_ =	sdelay $0x3  }
0x37: {  	[smem:$0x3FA2] =	sst s10  }
0x38: {  	s10 =	sld [smem:$0x3FA3]  }
0x39: {  	_ = 	snop;
	(pc) =	sbr.ind lr, $3  }
0x3a: {  	_ = 	snop  }
0x3b: {  	_ = 	snop  }
0x3c: {  	p2 =	seq.s32 s10, $0x1;
	s10 =	sld [smem:$0x3FA2]  }
0x3d: {  	_ =	shalt  }
0x3e: {  	_ =	shalt  }
0x3f: {  	_ =	shalt  }
0x40: {  	_ =	shalt  }
0x41: {  	_ =	shalt  }
0x42: {  	_ =	shalt  }
0x43: {  	_ =	shalt  }
0x44: {  	_ =	shalt  }
0x45: {  	_ =	shalt  }
0x46: {  	_ =	shalt  }
0x47: {  	_ =	shalt  }
0x48: {  	_ =	shalt  }
0x49: {  	_ =	shalt  }
0x4a: {  	_ =	shalt  }
0x4b: {  	_ =	shalt  }
0x4c: {  	_ =	shalt  }
0x4d: {  	_ =	shalt  }
0x4e: {  	_ =	shalt  }
0x4f: {  	_ =	shalt  }
0x50: {  	_ =	shalt  }
0x51: {  	_ =	shalt  }
0x52: {  	_ =	shalt  }
0x53: {  	_ =	shalt  }
0x54: {  	_ =	shalt  }
0x55: {  	_ =	shalt  }
0x56: {  	_ =	shalt  }
0x57: {  	_ =	shalt  }
0x58: {  	_ =	shalt  }
0x59: {  	_ =	shalt  }
0x5a: {  	_ =	shalt  }
0x5b: {  	_ =	shalt  }
0x5c: {  	_ =	shalt  }
0x5d: {  	_ =	shalt  }
0x5e: {  	_ =	shalt  }
0x5f: {  	_ =	shalt  }
0x60: {  	_ =	shalt  }
0x61: {  	_ =	shalt  }
0x62: {  	_ =	shalt  }
0x63: {  	_ =	shalt  }
0x64: {  	_ =	shalt  }
0x65: {  	_ =	shalt  }
0x66: {  	_ =	shalt  }
0x67: {  	_ =	shalt  }
0x68: {  	_ =	shalt  }
0x69: {  	_ =	shalt  }
0x6a: {  	_ =	shalt  }
0x6b: {  	_ =	shalt  }
0x6c: {  	_ =	shalt  }
0x6d: {  	_ =	shalt  }
0x6e: {  	_ =	shalt  }
0x6f: {  	_ =	shalt  }
0x70: {  	_ =	shalt  }
0x71: {  	_ =	shalt  }
0x72: {  	_ =	shalt  }
0x73: {  	_ =	shalt  }
0x74: {  	_ =	shalt  }
0x75: {  	_ =	shalt  }
0x76: {  	_ =	shalt  }
0x77: {  	_ =	shalt  }
0x78: {  	_ =	shalt  }
0x79: {  	_ =	shalt  }
0x7a: {  	_ =	shalt  }
0x7b: {  	_ =	shalt  }
0x7c: {  	_ =	shalt  }
0x7d: {  	_ =	shalt  }
0x7e: {  	_ =	shalt  }
0x7f: {  	_ =	shalt  }
0x80: {  	_ =	shalt  }
0x81: {  	_ =	shalt  }
0x82: {  	_ =	shalt  }
0x83: {  	_ =	shalt  }
0x84: {  	_ =	shalt  }
0x85: {  	_ =	shalt  }
0x86: {  	_ =	shalt  }
0x87: {  	_ =	shalt  }
.Lfunc_end0:
.L_simem_size_0:
called_computation.2_lowered:
.L_overlay_start_0:
0x88: {  	s2 =	sld [smem:$0x3FD9]  }
0x89: {  	s3 =	sld [smem:$0x3FFE];
	_ =	sdelay $0x1  }
0x8a: {  	s1 =	srdreg.scid  }
0x8b: {  	s0 =	sand.u32 $0x1, s1  }
0x8c: {  	s16 =	sshll.u32 s0, $0xA;
	s2 =	sadd.s32 s3, s2  }
0x8d: {  	s2 =	sadd.s32 s2, s16  }
0x8e: {  	[smem:$0x3FAE] =	sst s2  }
0x8f: {  	_ = 	snop  }
0x90: {  	(tm) =	ssettm $0x1  }
0x91: {  	s17 =	sld [smem:$0x3FFB];
	_ =	sdelay $0x3  }
0x92: {  	_ =	strace s17  }
0x93: {  	s2 =	sld [smem:$0x3FFC];
	_ =	sdelay $0x3  }
0x94: {  	_ =	strace s2  }
0x95: {  	s2 =	sld [smem:$0x3FFD];
	_ =	sdelay $0x3  }
0x96: {  	_ =	strace s2  }
0x97: {  	_ =	strace $0x8FFFFFFF  }
0x98: {  	s18 =	sld [smem:$0x3FDB];
	_ =	sdelay $0x1  }
0x99: {  	s19 =	simm.s32 $_scs_section_size  }
0x9a: {  	s4 =	simm.s32 $_size__tile_overlayer_lowered;
	s5 =	simm.s32 $_tile_overlayer_lowered  }
0x9b: {  	s22 =	simm.s32 $0x1BFF;
	s21 =	sshll.u32 s5, $0x1;
	s2 =	sadd.s32 s19, s18  }
0x9c: {  	s6 =	simm.s32 $0x0;
	s20 =	sshll.u32 s4, $0x1;
	s4 =	sadd.s32 s21, s2  }
0x9d: {  	[timem:s6], [sflag:s22] =	dma.local [hbm:s4], s20  }
0x9e: {  	_ =	swait.ge [sflag:s22], s20  }
0x9f: {  	s3 =	ssub.s32 $0x0, s20;
	[sflag:s22] =	ssyncset.done $0x0  }
0xa0: {  	[sflag:s22] =	ssyncadd.s32 s3;
	_ =	sdelay $0x1  }
0xa1: {  	s23 =	simm.s32 $0x1B8B  }
0xa2: {  	_ =	swait.ge [sflag:s23], $0x1  }
0xa3: {  	[sflag:s23] =	ssyncset.done $0x0  }
0xa4: {  	s25 =	simm.s32 $0x1B8E;
	s24 =	sld [smem:$0x3FFE];
	[sflag:s23] =	ssyncadd.s32 $0xFFFFFFFF  }
0xa5: {  	s26 =	simm.s32 $execute0_lowered;
	[smem:$0x3FD2] =	sst s25  }
0xa6: {  	s4 =	sshll.u32 s26, $0x1;
	_ =	strace $0x8000004C;
	[dreg:$0x1] =	wrdreg $0xFFFFFFFF  }
0xa7: {  	s28 =	simm.s32 $_size_execute0_lowered;
	s2 =	sadd.s32 s2, s4;
	[dreg:$0x0] =	wrdreg $0x0  }
0xa8: {  	s4 =	sshll.u32 s28, $0x1;
	[dreg:$0x2] =	wrdreg s2  }
0xa9: {  	[dreg:$0x3] =	wrdreg s4  }
0xaa: {  	[dreg:$0x4] =	wrdreg $0xC0  }
0xab: {  	_ =	task [dreg:s6], $0x5FFFF  }
0xac: {  	[dreg:$0x1] =	wrdreg $0xFFFFFFFF  }
0xad: {  	[dreg:$0x0] =	wrdreg $0x60  }
0xae: {  	[dreg:$0x2] =	wrdreg s24  }
0xaf: {  	[dreg:$0x3] =	wrdreg $0xCEE00  }
0xb0: {  	[dreg:$0x4] =	wrdreg $0x9  }
0xb1: {  	_ =	task.clear_ibuf [dreg:s6], $0x5FFFF;
	_ =	strace $0x9000004C  }
0xb2: {  	s29 =	simm.s32 $0x9;
	_ =	strace $0x8000004E  }
0xb3: {  	_ =	swait.ge [sflag:s29], $0x1  }
0xb4: {  	[sflag:s29] =	ssyncadd.s32 $0xFFFFFFFF  }
0xb5: {  	_ =	strace $0x9000004E  }
0xb6: {  	_ =	sfence  }
0xb7: {  	s30 =	sld [smem:$0x0];
	_ =	sdelay $0x2  }
0xb8: {  	s31 =	sshll.u32 s1, $0xD;
	s1 =	sshrl.u32 s1, $0x2  }
0xb9: {  	s3 =	sand.u32 $0x4000, s31;
	s1 =	sadd.s32 s1, s30  }
0xba: {  	s0 =	sor.u32 s3, s0;
	s1 =	sshll.u32 s1, $0x11  }
0xbb: {  	s0 =	sor.u32 s1, s0  }
0xbc: {  	s0 =	sadd.s32 $0x8F2B, s0  }
0xbd: {  	[sflag:s0] =	ssyncadd.remote.s32 $0x1  }
0xbe: {  	_ =	sfence.sel $0xFFFF  }
0xbf: {  	[dreg:$0x0] =	wrdreg $0xFFFFFFFF;
	(pc) =	sbr.abs _section_cstart, $3  }
0xc0: {  	[dreg:$0x1] =	wrdreg $0xFFFFFFFF  }
0xc1: {  	_ =	task.clear_ibuf [dreg:s6], $0x2FFFF;
	_ =	strace $0x9FFFFFFF  }
0xc2: {  	(tm) =	ssettm $0x7FFFFFFF  }
0xc3: {  	_ =	shalt  }
tec
execute0_lowered:
.L_overlay_start_1:
0x0: {  	(tag) =	ssettag $0x1  }
0x1: {  	s5 =	rddreg [dreg:$0x0]  }
0x2: {  	s2 =	rddreg [dreg:$0x1]  }
0x3: {  	s0 =	rddreg [dreg:$0x2];
	s3 =	simm.s32 $0x0;
	s1 =	stileid.u32  }
0x4: {  	s8 =	srdreg.scid;
	s17 =	simm.s32 $0xA000;
	s18 =	simm.s32 $0x1  }
0x5: {  	s19 =	simm.s32 $0x0;
	[smem:$0x7FF] =	sst s3;
	s6 =	smul.u32 $0xA00, s1  }
0x6: {  	s4 =	sadd.s32 $0x50800, s5;
	s7 =	smul.u32 $0xF000, s1;
	s9 =	sadd.s32 $0x1E800, s5  }
0x7: {  	s8 =	sand.u32 $0x1, s8;
	s14 =	sadd.s32 $0x159000, s5;
	s31 =	sshll.u32 s1, $0x6  }
0x8: {  	_ =	strace $0x8000004D;
	s11 =	ssub.s32 $0x2, s8;
	s12 =	sshll.u32 s8, $0x4  }
0x9: {  	s28 =	smul.u32 $0xF0000, s8;
	s8 =	sor.u32 $0x2, s8;
	s6 =	sadd.s32 s6, s5  }
0xa: {  	s10 =	sshrl.u32 s7, $0x3;
	s13 =	sshrl.u32 s11, $0x1;
	s12 =	sor.u32 s1, s12  }
0xb: {  	s29 =	sshll.u32 s8, $0x4;
	s8 =	smul.u32 $0xF0000, s8;
	s15 =	sadd.s32 s7, s2  }
0xc: {  	s10 =	sadd.s32 s10, s5;
	s11 =	ssub.s32 s11, s13;
	s12 =	smul.u32 $0xA00, s12  }
0xd: {  	s5 =	sadd.s32 $0x46800, s6;
	s13 =	sadd.s32 s7, s28;
	s15 =	sshrl.u32 s15, $0x3  }
0xe: {  	s13 =	sshrl.u32 s13, $0x3;
	s16 =	sadd.s32 s7, s8;
	s7 =	sadd.s32 $0x13B000, s10  }
0xf: {  	s11 =	smax.u32 s11, $0x1;
	s6 =	sadd.s32 s9, s12;
	s12 =	sor.u32 s1, s29  }
0x10: {  	s8 =	sadd.s32 s14, s13;
	s30 =	sshrl.u32 s16, $0x3;
	s12 =	smul.u32 $0xA00, s12  }
0x11: {  	s13 =	simm.s32 $0x2;
	s16 =	simm.s32 $0x7D;
	s10 =	sadd.s32 s14, s30  }
0x12: {  	s14 =	sor.u32 $0x1C02, s31;
	s9 =	sadd.s32 s9, s12;
	s12 =	simm.s32 $0x5000  }
.LBB2_1:
0x13: {  	[tilespmem:s12], [sflag:$0x2] =	stream.linear.gather [hbm4b:s5+s3], $0x5000, $0x38;
	[tilespmem:$0x1BEE0] =	vst v63  }
0x14: {  	_ =	swait.ge [sflag:s13], $0x5000  }
0x15: {  	[sflag:s13] =	ssyncset.done $0x0  }
0x16: {  	[sflag:s13] =	ssyncadd.s32 $0xFFFFB000  }
0x17: {  	[tilespmem:s3], [sflag:$0x2] =	stream.linear.gather [hbm4b:s6+s3], $0x5000, $0x38;
	[tilespmem:$0x1BEE0] =	vst v63  }
0x18: {  	_ =	swait.ge [sflag:s13], $0x5000  }
0x19: {  	[sflag:s13] =	ssyncset.done $0x0  }
0x1a: {  	[sflag:s13] =	ssyncadd.s32 $0xFFFFB000  }
0x1b: {  	[spmem:s15], [sflag:s14] =	dma.local [hbm:s7], $0x1E00  }
0x1c: {  	_ =	swait.ge [sflag:s13], $0x1E00  }
0x1d: {  	[sflag:s13] =	ssyncset.done $0x0  }
0x1e: {  	[sflag:s13] =	ssyncadd.s32 $0xFFFFE200  }
0x1f: {  	s20 =	simm.s32 $0x0;
	[bflag:$0x0] =	sbarrier.arrive $0xFFFF  }
0x20: {  	[tilespmem:s17], [sflag:$0x1] =	stream.indirect.gather [hbm4b:s4+s16], $0x60, s20, s16, $0xb8;
	[tilespmem:$0x1BEE0] =	vst v63  }
0x21: {  	_ =	swait.ge [sflag:s18], $0x2EE0  }
0x22: {  	[sflag:s18] =	ssyncset.done $0x0  }
0x23: {  	s31 =	simm.s32 $0x5000;
	[sflag:s18] =	ssyncadd.s32 $0xFFFFD120  }
0x24: {  	[spmem:s2] =	stream.indirect.scatter.add.f32 [tilespmem:s17], [sflag:$0x2], $0x60, s31, s16, $0xb8;
	[tilespmem:$0x1BEE0] =	vst v63  }
0x25: {  	_ =	swait.ge [sflag:s13], $0x2EE0  }
0x26: {  	s21 =	simm.s32 $0x400;
	s20 =	simm.s32 $0x200;
	[sflag:s13] =	ssyncset.done $0x0  }
.LBB2_2:
0x27: {  	s22 =	sshra.s32 s20, $0x2  }
0x28: {  	[sflag:s13] =	ssyncadd.s32 $0xFFFFD120;
	s20 =	smov.u32 s21;
	s23 =	sadd.s32 $0x200, s21  }
0x29: {  	[tilespmem:s17], [sflag:$0x1] =	stream.indirect.gather [hbm4b:s4+s16], $0x60, s22, s16, $0xb8;
	[tilespmem:$0x1BEE0] =	vst v63  }
0x2a: {  	p0 =	sne.s32 s21, $0x13E00;
	_ =	swait.ge [sflag:s18], $0x2EE0  }
.Ltmp0:
0x2b: {  	[sflag:s18] =	ssyncset.done $0x0;
	(pc) =	sbr.rel @p0 .LBB2_2-.Ltmp0, $4  }
0x2c: {  	s21 =	sadd.s32 $0x5000, s22;
	[sflag:s18] =	ssyncadd.s32 $0xFFFFD120  }
0x2d: {  	[spmem:s2] =	stream.indirect.scatter.add.f32 [tilespmem:s17], [sflag:$0x2], $0x60, s21, s16, $0xb8;
	[tilespmem:$0x1BEE0] =	vst v63  }
0x2e: {  	_ =	swait.ge [sflag:s13], $0x2EE0  }
0x2f: {  	s21 =	smov.u32 s23;
	[sflag:s13] =	ssyncset.done $0x0  }
0x30: {  	s20 =	sshra.s32 s20, $0x2;
	[sflag:s13] =	ssyncadd.s32 $0xFFFFD120  }
0x31: {  	[tilespmem:s17], [sflag:$0x1] =	stream.indirect.gather [hbm4b:s4+s16], $0x60, s20, s16, $0xb8;
	[tilespmem:$0x1BEE0] =	vst v63  }
0x32: {  	_ =	swait.ge [sflag:s18], $0x2EE0  }
0x33: {  	[sflag:s18] =	ssyncset.done $0x0  }
0x34: {  	s20 =	sadd.s32 $0x5000, s20;
	[sflag:s18] =	ssyncadd.s32 $0xFFFFD120  }
0x35: {  	[spmem:s2] =	stream.indirect.scatter.add.f32 [tilespmem:s17], [sflag:$0x2], $0x60, s20, s16, $0xb8;
	[tilespmem:$0x1BEE0] =	vst v63  }
0x36: {  	_ =	swait.ge [sflag:s13], $0x2EE0  }
0x37: {  	[sflag:s13] =	ssyncset.done $0x0  }
0x38: {  	[sflag:s13] =	ssyncadd.s32 $0xFFFFD120  }
0x39: {  	[bflag:$0x0] =	sbarrier.arrive $0xFFFF  }
0x3a: {  	[hbm:s8], [sflag:s14] =	dma.local [spmem:s15], $0x1E00  }
0x3b: {  	_ =	swait.ge [sflag:s13], $0x1E00  }
0x3c: {  	[sflag:s13] =	ssyncset.done $0x0  }
0x3d: {  	s29 =	simm.s32 $0x0;
	[sflag:s13] =	ssyncadd.s32 $0xFFFFE200  }
0x3e: {  	[tilespmem:s29], [sflag:$0x2] =	stream.linear.gather [hbm4b:s9+s29], $0x5000, $0x38;
	[tilespmem:$0x1BEE0] =	vst v63  }
0x3f: {  	_ =	swait.ge [sflag:s13], $0x5000  }
0x40: {  	[sflag:s13] =	ssyncset.done $0x0  }
0x41: {  	[sflag:s13] =	ssyncadd.s32 $0xFFFFB000  }
0x42: {  	[spmem:s15], [sflag:s14] =	dma.local [hbm:s7], $0x1E00  }
0x43: {  	_ =	swait.ge [sflag:s13], $0x1E00  }
0x44: {  	[sflag:s13] =	ssyncset.done $0x0  }
0x45: {  	[sflag:s13] =	ssyncadd.s32 $0xFFFFE200  }
0x46: {  	s30 =	simm.s32 $0x0;
	[bflag:$0x0] =	sbarrier.arrive $0xFFFF  }
0x47: {  	[tilespmem:s17], [sflag:$0x1] =	stream.indirect.gather [hbm4b:s4+s16], $0x60, s30, s16, $0xb8;
	[tilespmem:$0x1BEE0] =	vst v63  }
0x48: {  	_ =	swait.ge [sflag:s18], $0x2EE0  }
0x49: {  	[sflag:s18] =	ssyncset.done $0x0  }
0x4a: {  	s31 =	simm.s32 $0x5000;
	[sflag:s18] =	ssyncadd.s32 $0xFFFFD120  }
0x4b: {  	[spmem:s2] =	stream.indirect.scatter.add.f32 [tilespmem:s17], [sflag:$0x2], $0x60, s31, s16, $0xb8;
	[tilespmem:$0x1BEE0] =	vst v63  }
0x4c: {  	_ =	swait.ge [sflag:s13], $0x2EE0  }
0x4d: {  	s21 =	simm.s32 $0x400;
	s20 =	simm.s32 $0x200;
	[sflag:s13] =	ssyncset.done $0x0  }
.LBB2_4:
0x4e: {  	s22 =	sshra.s32 s20, $0x2  }
0x4f: {  	[sflag:s13] =	ssyncadd.s32 $0xFFFFD120;
	s20 =	smov.u32 s21;
	s23 =	sadd.s32 $0x200, s21  }
0x50: {  	[tilespmem:s17], [sflag:$0x1] =	stream.indirect.gather [hbm4b:s4+s16], $0x60, s22, s16, $0xb8;
	[tilespmem:$0x1BEE0] =	vst v63  }
0x51: {  	p0 =	sne.s32 s21, $0x13E00;
	_ =	swait.ge [sflag:s18], $0x2EE0  }
.Ltmp1:
0x52: {  	[sflag:s18] =	ssyncset.done $0x0;
	(pc) =	sbr.rel @p0 .LBB2_4-.Ltmp1, $4  }
0x53: {  	s21 =	sadd.s32 $0x5000, s22;
	[sflag:s18] =	ssyncadd.s32 $0xFFFFD120  }
0x54: {  	[spmem:s2] =	stream.indirect.scatter.add.f32 [tilespmem:s17], [sflag:$0x2], $0x60, s21, s16, $0xb8;
	[tilespmem:$0x1BEE0] =	vst v63  }
0x55: {  	_ =	swait.ge [sflag:s13], $0x2EE0  }
0x56: {  	s21 =	smov.u32 s23;
	[sflag:s13] =	ssyncset.done $0x0  }
0x57: {  	s20 =	sshra.s32 s20, $0x2;
	[sflag:s13] =	ssyncadd.s32 $0xFFFFD120  }
0x58: {  	[tilespmem:s17], [sflag:$0x1] =	stream.indirect.gather [hbm4b:s4+s16], $0x60, s20, s16, $0xb8;
	[tilespmem:$0x1BEE0] =	vst v63  }
0x59: {  	_ =	swait.ge [sflag:s18], $0x2EE0  }
0x5a: {  	[sflag:s18] =	ssyncset.done $0x0  }
0x5b: {  	s20 =	sadd.s32 $0x5000, s20;
	[sflag:s18] =	ssyncadd.s32 $0xFFFFD120  }
0x5c: {  	[spmem:s2] =	stream.indirect.scatter.add.f32 [tilespmem:s17], [sflag:$0x2], $0x60, s20, s16, $0xb8;
	[tilespmem:$0x1BEE0] =	vst v63  }
0x5d: {  	_ =	swait.ge [sflag:s13], $0x2EE0  }
0x5e: {  	s19 =	sadd.s32 $0x1, s19;
	[sflag:s13] =	ssyncset.done $0x0  }
0x5f: {  	p0 =	sne.s32 s19, s11;
	[sflag:s13] =	ssyncadd.s32 $0xFFFFD120  }
.Ltmp2:
0x60: {  	[bflag:$0x0] =	sbarrier.arrive $0xFFFF;
	(pc) =	sbr.rel @p0 .LBB2_1-.Ltmp2, $4  }
0x61: {  	[hbm:s10], [sflag:s14] =	dma.local [spmem:s15], $0x1E00  }
0x62: {  	_ =	swait.ge [sflag:s13], $0x1E00  }
0x63: {  	[sflag:s13] =	ssyncset.done $0x0  }
0x64: {  	[sflag:s13] =	ssyncadd.s32 $0xFFFFE200  }
0x65: {  	_ =	sfence.sel $0x180000  }
0x66: {  	[bflag:$0x0] =	sbarrier.arrive $0xFFFF  }
0x67: {  	p0 =	sne.s32 s1, $0x0;
	_ =	strace $0x9000004D  }
0x68: {  	s0 =	sadd.s32 @!p0 $0x100000, s0;
	[bflag:$0x2] =	sbarrier.arrive $0xFFFF  }
0x69: {  	[sflag:s0] =	ssyncadd.tile.s32 @!p0 $0x1;
	_ =	shalt  }
.Lfunc_end2:
_tile_overlayer_lowered:
.L_overlay_start_2:
0x6a: {  	(tag) =	ssettag $0x2  }
0x6b: {  	s0 =	rddreg [dreg:$0x0];
	s2 =	stileid.u32  }
0x6c: {  	s1 =	rddreg [dreg:$0x1];
	p0 =	sne.s32 s2, $0x0  }
0x6d: {  	s3 =	rddreg [dreg:$0x2];
	[bflag:$0x3] =	sbarrier.arrive $0xFFFF;
	s2 =	simm.s32 @!p0 $0x1C02  }
0x6e: {  	[timem:s3], [sflag:s2] =	dma.local @!p0 [hbm:s0], s1  }
0x6f: {  	s0 =	simm.s32 @!p0 $0x2  }
0x70: {  	_ =	swait.ge @!p0 [sflag:s0], s1  }
0x71: {  	s1 =	ssub.s32 @!p0 $0x0, s1;
	[sflag:s0] =	ssyncset.done @!p0 $0x0  }
0x72: {  	[sflag:s0] =	ssyncadd.s32 @!p0 s1  }
0x73: {  	[bflag:$0x3] =	sbarrier.arrive $0xFFFF  }
0x74: {  	_ =	shalt  }

// kernel: kernel.20.cloned.1.call-start
scs
__scs_entry_jumppad:
0x0: {  	(pc) =	sbr.rel $0x88, $3  }
0x1: {  	(tag) =	ssettag $0x0;
	lr =	simm.s32 $0x1  }
0x2: {  	[smem:$0x3F87] =	sst lr;
	_ =	strace $0xD0000000  }
0x3: {  	_ = 	snop  }
0x4: {  	_ = 	snop  }
0x5: {  	_ = 	snop  }
0x6: {  	_ = 	snop  }
0x7: {  	_ = 	snop  }
__scs_overlays_trampoline_lowered:
0x8: {  	[smem:$0x3F96] =	sst s0  }
0x9: {  	[smem:$0x3F97] =	sst s1  }
0xa: {  	[smem:$0x3F98] =	sst s2  }
0xb: {  	[smem:$0x3F99] =	sst s3  }
0xc: {  	[smem:$0x3F9A] =	sst s4  }
0xd: {  	[smem:$0x3F9B] =	sst s5  }
0xe: {  	[smem:$0x3F9C] =	sst s6  }
0xf: {  	[smem:$0x3F9D] =	sst s7  }
0x10: {  	[smem:$0x3F9E] =	sst s8  }
0x11: {  	[smem:$0x3F9F] =	sst s9;
	s0 =	simm.s32 @!p0 $0x0  }
0x12: {  	s1 =	sld [smem:$0x3F85];
	s0 =	simm.s32 @p0 $0x1  }
0x13: {  	[smem:$0x3FA0] =	sst s0;
	s0 =	simm.s32 @!p1 $0x0  }
0x14: {  	s2 =	sld [smem:$0x3F84];
	s0 =	simm.s32 @p1 $0x1  }
0x15: {  	[smem:$0x3FA1] =	sst s0;
	s0 =	simm.s32 @!p2 $0x0  }
0x16: {  	s3 =	sld [smem:$0x3FDB];
	s0 =	simm.s32 @p2 $0x1  }
0x17: {  	s4 =	simm.s32 $0x1BF5;
	[smem:$0x3FA3] =	sst s0  }
0x18: {  	s0 =	sld [smem:$0x3F86];
	_ =	swait.ge [sflag:s4], $0x0  }
0x19: {  	s7 =	sld [smem:$0x3F87]  }
0x1a: {  	s8 =	sadd.s32 $0xFFFFE003, lr  }
0x1b: {  	s9 =	sadd.s32 $0xFFFFFEF7, lr;
	s5 =	simm.s32 $0xFFFFFFFF;
	p2 =	slt.u32 s8, $0xFFFFF086  }
0x1c: {  	p1 =	slt.u32 s9, $0xF7A;
	s5 =	simm.s32 @!p2 $0x0  }
0x1d: {  	s5 =	simm.s32 @p1 $0x1;
	p0 =	seq.s32 s7, s2  }
0x1e: {  	s7 =	smul.u32 @!p0 $0xF7A, s2;
	p2 =	seq.s32 @!p0 s5, $0x0  }
0x1f: {  	s9 =	smul.u32 $0xF7A, s1;
	s8 =	simm.s32 @!p0 $0x1BF5;
	p2 =	por !p2, p0  }
0x20: {  	[sflag:s8] =	ssyncset.s32 @!p0 $0xFFFFF086;
	s6 =	sadd.s32 @!p0 s3, s7;
	s7 =	simm.s32 @!p0 $0x108  }
0x21: {  	s3 =	sadd.s32 s3, s9;
	s6 =	sadd.s32 @!p0 $0x88, s6;
	s7 =	simm.s32 @p2 $0x1082  }
0x22: {  	[simem:s7], [sflag:s8] =	dma.local @!p0 [hbm:s6], $0xF7A  }
0x23: {  	s9 =	sor.u32 $0xD0000000, s2;
	s6 =	simm.s32 $0x108;
	_ =	swait.ge @!p0 [sflag:s8], $0x0  }
0x24: {  	s3 =	sadd.s32 $0x88, s3;
	s6 =	simm.s32 @!p1 $0x1082;
	[sflag:s4] =	ssyncset.s32 $0xFFFFF086  }
0x25: {  	[simem:s6], [sflag:s4] =	dma.local [hbm:s3], $0xF7A  }
0x26: {  	[smem:$0x3F87] =	sst s1;
	(tag) =	ssettag s2;
	_ =	strace s9  }
0x27: {  	s1 =	sld [smem:$0x3F97]  }
0x28: {  	s2 =	sld [smem:$0x3F98]  }
0x29: {  	s4 =	sld [smem:$0x3F9A]  }
0x2a: {  	p0 =	seq.s32 s5, $0x0;
	s5 =	sld [smem:$0x3F9B]  }
0x2b: {  	s6 =	sld [smem:$0x3F9C]  }
0x2c: {  	s7 =	sld [smem:$0x3F9D]  }
0x2d: {  	s3 =	simm.s32 $0x108;
	s8 =	sld [smem:$0x3F9E]  }
0x2e: {  	s3 =	simm.s32 @!p0 $0x1082;
	s9 =	sld [smem:$0x3F9F]  }
0x2f: {  	lr =	sadd.s32 s0, s3;
	s0 =	sld [smem:$0x3F96]  }
0x30: {  	s3 =	sld [smem:$0x3F99]  }
0x31: {  	[smem:$0x3FA2] =	sst s10  }
0x32: {  	s10 =	sld [smem:$0x3FA0];
	_ =	sdelay $0x3  }
0x33: {  	p0 =	seq.s32 s10, $0x1;
	s10 =	sld [smem:$0x3FA2];
	_ =	sdelay $0x3  }
0x34: {  	[smem:$0x3FA2] =	sst s10  }
0x35: {  	s10 =	sld [smem:$0x3FA1];
	_ =	sdelay $0x3  }
0x36: {  	p1 =	seq.s32 s10, $0x1;
	s10 =	sld [smem:$0x3FA2];
	_ =	sdelay $0x3  }
0x37: {  	[smem:$0x3FA2] =	sst s10  }
0x38: {  	s10 =	sld [smem:$0x3FA3]  }
0x39: {  	_ = 	snop;
	(pc) =	sbr.ind lr, $3  }
0x3a: {  	_ = 	snop  }
0x3b: {  	_ = 	snop  }
0x3c: {  	p2 =	seq.s32 s10, $0x1;
	s10 =	sld [smem:$0x3FA2]  }
0x3d: {  	_ =	shalt  }
0x3e: {  	_ =	shalt  }
0x3f: {  	_ =	shalt  }
0x40: {  	_ =	shalt  }
0x41: {  	_ =	shalt  }
0x42: {  	_ =	shalt  }
0x43: {  	_ =	shalt  }
0x44: {  	_ =	shalt  }
0x45: {  	_ =	shalt  }
0x46: {  	_ =	shalt  }
0x47: {  	_ =	shalt  }
0x48: {  	_ =	shalt  }
0x49: {  	_ =	shalt  }
0x4a: {  	_ =	shalt  }
0x4b: {  	_ =	shalt  }
0x4c: {  	_ =	shalt  }
0x4d: {  	_ =	shalt  }
0x4e: {  	_ =	shalt  }
0x4f: {  	_ =	shalt  }
0x50: {  	_ =	shalt  }
0x51: {  	_ =	shalt  }
0x52: {  	_ =	shalt  }
0x53: {  	_ =	shalt  }
0x54: {  	_ =	shalt  }
0x55: {  	_ =	shalt  }
0x56: {  	_ =	shalt  }
0x57: {  	_ =	shalt  }
0x58: {  	_ =	shalt  }
0x59: {  	_ =	shalt  }
0x5a: {  	_ =	shalt  }
0x5b: {  	_ =	shalt  }
0x5c: {  	_ =	shalt  }
0x5d: {  	_ =	shalt  }
0x5e: {  	_ =	shalt  }
0x5f: {  	_ =	shalt  }
0x60: {  	_ =	shalt  }
0x61: {  	_ =	shalt  }
0x62: {  	_ =	shalt  }
0x63: {  	_ =	shalt  }
0x64: {  	_ =	shalt  }
0x65: {  	_ =	shalt  }
0x66: {  	_ =	shalt  }
0x67: {  	_ =	shalt  }
0x68: {  	_ =	shalt  }
0x69: {  	_ =	shalt  }
0x6a: {  	_ =	shalt  }
0x6b: {  	_ =	shalt  }
0x6c: {  	_ =	shalt  }
0x6d: {  	_ =	shalt  }
0x6e: {  	_ =	shalt  }
0x6f: {  	_ =	shalt  }
0x70: {  	_ =	shalt  }
0x71: {  	_ =	shalt  }
0x72: {  	_ =	shalt  }
0x73: {  	_ =	shalt  }
0x74: {  	_ =	shalt  }
0x75: {  	_ =	shalt  }
0x76: {  	_ =	shalt  }
0x77: {  	_ =	shalt  }
0x78: {  	_ =	shalt  }
0x79: {  	_ =	shalt  }
0x7a: {  	_ =	shalt  }
0x7b: {  	_ =	shalt  }
0x7c: {  	_ =	shalt  }
0x7d: {  	_ =	shalt  }
0x7e: {  	_ =	shalt  }
0x7f: {  	_ =	shalt  }
0x80: {  	_ =	shalt  }
0x81: {  	_ =	shalt  }
0x82: {  	_ =	shalt  }
0x83: {  	_ =	shalt  }
0x84: {  	_ =	shalt  }
0x85: {  	_ =	shalt  }
0x86: {  	_ =	shalt  }
0x87: {  	_ =	shalt  }
.Lfunc_end0:
.L_simem_size_0:
called_computation.3_lowered:
.L_overlay_start_0:
0x88: {  	s2 =	sld [smem:$0x3FD9]  }
0x89: {  	s3 =	sld [smem:$0x3FFE];
	_ =	sdelay $0x1  }
0x8a: {  	s1 =	srdreg.scid  }
0x8b: {  	s0 =	sand.u32 $0x1, s1  }
0x8c: {  	s16 =	sshll.u32 s0, $0xA;
	s2 =	sadd.s32 s3, s2  }
0x8d: {  	s2 =	sadd.s32 s2, s16  }
0x8e: {  	[smem:$0x3FAE] =	sst s2  }
0x8f: {  	_ = 	snop  }
0x90: {  	(tm) =	ssettm $0x1  }
0x91: {  	s17 =	sld [smem:$0x3FFB];
	_ =	sdelay $0x3  }
0x92: {  	_ =	strace s17  }
0x93: {  	s2 =	sld [smem:$0x3FFC];
	_ =	sdelay $0x3  }
0x94: {  	_ =	strace s2  }
0x95: {  	s2 =	sld [smem:$0x3FFD];
	_ =	sdelay $0x3  }
0x96: {  	_ =	strace s2  }
0x97: {  	_ =	strace $0x8FFFFFFF  }
0x98: {  	s18 =	sld [smem:$0x3FDB];
	_ =	sdelay $0x1  }
0x99: {  	s19 =	simm.s32 $_scs_section_size  }
0x9a: {  	s4 =	simm.s32 $_size__tile_overlayer_lowered;
	s5 =	simm.s32 $_tile_overlayer_lowered  }
0x9b: {  	s22 =	simm.s32 $0x1BFF;
	s21 =	sshll.u32 s5, $0x1;
	s2 =	sadd.s32 s19, s18  }
0x9c: {  	s6 =	simm.s32 $0x0;
	s20 =	sshll.u32 s4, $0x1;
	s4 =	sadd.s32 s21, s2  }
0x9d: {  	[timem:s6], [sflag:s22] =	dma.local [hbm:s4], s20  }
0x9e: {  	_ =	swait.ge [sflag:s22], s20  }
0x9f: {  	s3 =	ssub.s32 $0x0, s20;
	[sflag:s22] =	ssyncset.done $0x0  }
0xa0: {  	[sflag:s22] =	ssyncadd.s32 s3;
	_ =	sdelay $0x1  }
0xa1: {  	s23 =	simm.s32 $0x1B8B  }
0xa2: {  	_ =	swait.ge [sflag:s23], $0x1  }
0xa3: {  	[sflag:s23] =	ssyncset.done $0x0  }
0xa4: {  	s25 =	simm.s32 $0x1B8E;
	s24 =	sld [smem:$0x3FFE];
	[sflag:s23] =	ssyncadd.s32 $0xFFFFFFFF  }
0xa5: {  	s26 =	simm.s32 $execute0_lowered;
	[smem:$0x3FD2] =	sst s25  }
0xa6: {  	s4 =	sshll.u32 s26, $0x1;
	_ =	strace $0x8000004F;
	[dreg:$0x1] =	wrdreg $0xFFFFFFFF  }
0xa7: {  	s28 =	simm.s32 $_size_execute0_lowered;
	s2 =	sadd.s32 s2, s4;
	[dreg:$0x0] =	wrdreg $0x0  }
0xa8: {  	s4 =	sshll.u32 s28, $0x1;
	[dreg:$0x2] =	wrdreg s2  }
0xa9: {  	[dreg:$0x3] =	wrdreg s4  }
0xaa: {  	[dreg:$0x4] =	wrdreg $0xC0  }
0xab: {  	_ =	task [dreg:s6], $0x5FFFF  }
0xac: {  	[dreg:$0x1] =	wrdreg $0xFFFFFFFF  }
0xad: {  	[dreg:$0x0] =	wrdreg $0x60  }
0xae: {  	[dreg:$0x2] =	wrdreg s24  }
0xaf: {  	[dreg:$0x3] =	wrdreg $0xCEE00  }
0xb0: {  	[dreg:$0x4] =	wrdreg $0x9  }
0xb1: {  	_ =	task.clear_ibuf [dreg:s6], $0x5FFFF;
	_ =	strace $0x9000004F  }
0xb2: {  	s29 =	simm.s32 $0x9;
	_ =	strace $0x80000051  }
0xb3: {  	_ =	swait.ge [sflag:s29], $0x1  }
0xb4: {  	[sflag:s29] =	ssyncadd.s32 $0xFFFFFFFF  }
0xb5: {  	_ =	strace $0x90000051  }
0xb6: {  	_ =	sfence  }
0xb7: {  	s30 =	sld [smem:$0x0];
	_ =	sdelay $0x2  }
0xb8: {  	s31 =	sshll.u32 s1, $0xD;
	s1 =	sshrl.u32 s1, $0x2  }
0xb9: {  	s3 =	sand.u32 $0x4000, s31;
	s1 =	sadd.s32 s1, s30  }
0xba: {  	s0 =	sor.u32 s3, s0;
	s1 =	sshll.u32 s1, $0x11  }
0xbb: {  	s0 =	sor.u32 s1, s0  }
0xbc: {  	s0 =	sadd.s32 $0x8F2B, s0  }
0xbd: {  	[sflag:s0] =	ssyncadd.remote.s32 $0x1  }
0xbe: {  	_ =	sfence.sel $0xFFFF  }
0xbf: {  	[dreg:$0x0] =	wrdreg $0xFFFFFFFF;
	(pc) =	sbr.abs _section_cstart, $3  }
0xc0: {  	[dreg:$0x1] =	wrdreg $0xFFFFFFFF  }
0xc1: {  	_ =	task.clear_ibuf [dreg:s6], $0x2FFFF;
	_ =	strace $0x9FFFFFFF  }
0xc2: {  	(tm) =	ssettm $0x7FFFFFFF  }
0xc3: {  	_ =	shalt  }
tec
execute0_lowered:
.L_overlay_start_1:
0x0: {  	(tag) =	ssettag $0x1  }
0x1: {  	s5 =	rddreg [dreg:$0x0]  }
0x2: {  	s2 =	rddreg [dreg:$0x1]  }
0x3: {  	s0 =	rddreg [dreg:$0x2];
	s3 =	simm.s32 $0x0;
	s1 =	stileid.u32  }
0x4: {  	s8 =	srdreg.scid;
	s17 =	simm.s32 $0xA000;
	s18 =	simm.s32 $0x1  }
0x5: {  	s19 =	simm.s32 $0x0;
	[smem:$0x7FF] =	sst s3;
	s6 =	smul.u32 $0xA00, s1  }
0x6: {  	s4 =	sadd.s32 $0xC5C00, s5;
	s7 =	smul.u32 $0xF000, s1;
	s9 =	sadd.s32 $0x1E800, s5  }
0x7: {  	s8 =	sand.u32 $0x1, s8;
	s14 =	sadd.s32 $0x159000, s5;
	s31 =	sshll.u32 s1, $0x6  }
0x8: {  	_ =	strace $0x80000050;
	s11 =	ssub.s32 $0x2, s8;
	s12 =	sshll.u32 s8, $0x4  }
0x9: {  	s28 =	smul.u32 $0xF0000, s8;
	s8 =	sor.u32 $0x2, s8;
	s6 =	sadd.s32 s6, s5  }
0xa: {  	s10 =	sshrl.u32 s7, $0x3;
	s13 =	sshrl.u32 s11, $0x1;
	s12 =	sor.u32 s1, s12  }
0xb: {  	s29 =	sshll.u32 s8, $0x4;
	s8 =	smul.u32 $0xF0000, s8;
	s15 =	sadd.s32 s7, s2  }
0xc: {  	s10 =	sadd.s32 s10, s5;
	s11 =	ssub.s32 s11, s13;
	s12 =	smul.u32 $0xA00, s12  }
0xd: {  	s5 =	sadd.s32 $0x46800, s6;
	s13 =	sadd.s32 s7, s28;
	s15 =	sshrl.u32 s15, $0x3  }
0xe: {  	s13 =	sshrl.u32 s13, $0x3;
	s16 =	sadd.s32 s7, s8;
	s7 =	sadd.s32 $0x13B000, s10  }
0xf: {  	s11 =	smax.u32 s11, $0x1;
	s6 =	sadd.s32 s9, s12;
	s12 =	sor.u32 s1, s29  }
0x10: {  	s8 =	sadd.s32 s14, s13;
	s30 =	sshrl.u32 s16, $0x3;
	s12 =	smul.u32 $0xA00, s12  }
0x11: {  	s13 =	simm.s32 $0x2;
	s16 =	simm.s32 $0x7D;
	s10 =	sadd.s32 s14, s30  }
0x12: {  	s14 =	sor.u32 $0x1C02, s31;
	s9 =	sadd.s32 s9, s12;
	s12 =	simm.s32 $0x5000  }
.LBB2_1:
0x13: {  	[tilespmem:s12], [sflag:$0x2] =	stream.linear.gather [hbm4b:s5+s3], $0x5000, $0x38;
	[tilespmem:$0x1BEE0] =	vst v63  }
0x14: {  	_ =	swait.ge [sflag:s13], $0x5000  }
0x15: {  	[sflag:s13] =	ssyncset.done $0x0  }
0x16: {  	[sflag:s13] =	ssyncadd.s32 $0xFFFFB000  }
0x17: {  	[tilespmem:s3], [sflag:$0x2] =	stream.linear.gather [hbm4b:s6+s3], $0x5000, $0x38;
	[tilespmem:$0x1BEE0] =	vst v63  }
0x18: {  	_ =	swait.ge [sflag:s13], $0x5000  }
0x19: {  	[sflag:s13] =	ssyncset.done $0x0  }
0x1a: {  	[sflag:s13] =	ssyncadd.s32 $0xFFFFB000  }
0x1b: {  	[spmem:s15], [sflag:s14] =	dma.local [hbm:s7], $0x1E00  }
0x1c: {  	_ =	swait.ge [sflag:s13], $0x1E00  }
0x1d: {  	[sflag:s13] =	ssyncset.done $0x0  }
0x1e: {  	[sflag:s13] =	ssyncadd.s32 $0xFFFFE200  }
0x1f: {  	s20 =	simm.s32 $0x0;
	[bflag:$0x0] =	sbarrier.arrive $0xFFFF  }
0x20: {  	[tilespmem:s17], [sflag:$0x1] =	stream.indirect.gather [hbm4b:s4+s16], $0x60, s20, s16, $0xb8;
	[tilespmem:$0x1BEE0] =	vst v63  }
0x21: {  	_ =	swait.ge [sflag:s18], $0x2EE0  }
0x22: {  	[sflag:s18] =	ssyncset.done $0x0  }
0x23: {  	s31 =	simm.s32 $0x5000;
	[sflag:s18] =	ssyncadd.s32 $0xFFFFD120  }
0x24: {  	[spmem:s2] =	stream.indirect.scatter.add.f32 [tilespmem:s17], [sflag:$0x2], $0x60, s31, s16, $0xb8;
	[tilespmem:$0x1BEE0] =	vst v63  }
0x25: {  	_ =	swait.ge [sflag:s13], $0x2EE0  }
0x26: {  	s21 =	simm.s32 $0x400;
	s20 =	simm.s32 $0x200;
	[sflag:s13] =	ssyncset.done $0x0  }
.LBB2_2:
0x27: {  	s22 =	sshra.s32 s20, $0x2  }
0x28: {  	[sflag:s13] =	ssyncadd.s32 $0xFFFFD120;
	s20 =	smov.u32 s21;
	s23 =	sadd.s32 $0x200, s21  }
0x29: {  	[tilespmem:s17], [sflag:$0x1] =	stream.indirect.gather [hbm4b:s4+s16], $0x60, s22, s16, $0xb8;
	[tilespmem:$0x1BEE0] =	vst v63  }
0x2a: {  	p0 =	sne.s32 s21, $0x13E00;
	_ =	swait.ge [sflag:s18], $0x2EE0  }
.Ltmp0:
0x2b: {  	[sflag:s18] =	ssyncset.done $0x0;
	(pc) =	sbr.rel @p0 .LBB2_2-.Ltmp0, $4  }
0x2c: {  	s21 =	sadd.s32 $0x5000, s22;
	[sflag:s18] =	ssyncadd.s32 $0xFFFFD120  }
0x2d: {  	[spmem:s2] =	stream.indirect.scatter.add.f32 [tilespmem:s17], [sflag:$0x2], $0x60, s21, s16, $0xb8;
	[tilespmem:$0x1BEE0] =	vst v63  }
0x2e: {  	_ =	swait.ge [sflag:s13], $0x2EE0  }
0x2f: {  	s21 =	smov.u32 s23;
	[sflag:s13] =	ssyncset.done $0x0  }
0x30: {  	s20 =	sshra.s32 s20, $0x2;
	[sflag:s13] =	ssyncadd.s32 $0xFFFFD120  }
0x31: {  	[tilespmem:s17], [sflag:$0x1] =	stream.indirect.gather [hbm4b:s4+s16], $0x60, s20, s16, $0xb8;
	[tilespmem:$0x1BEE0] =	vst v63  }
0x32: {  	_ =	swait.ge [sflag:s18], $0x2EE0  }
0x33: {  	[sflag:s18] =	ssyncset.done $0x0  }
0x34: {  	s20 =	sadd.s32 $0x5000, s20;
	[sflag:s18] =	ssyncadd.s32 $0xFFFFD120  }
0x35: {  	[spmem:s2] =	stream.indirect.scatter.add.f32 [tilespmem:s17], [sflag:$0x2], $0x60, s20, s16, $0xb8;
	[tilespmem:$0x1BEE0] =	vst v63  }
0x36: {  	_ =	swait.ge [sflag:s13], $0x2EE0  }
0x37: {  	[sflag:s13] =	ssyncset.done $0x0  }
0x38: {  	[sflag:s13] =	ssyncadd.s32 $0xFFFFD120  }
0x39: {  	[bflag:$0x0] =	sbarrier.arrive $0xFFFF  }
0x3a: {  	[hbm:s8], [sflag:s14] =	dma.local [spmem:s15], $0x1E00  }
0x3b: {  	_ =	swait.ge [sflag:s13], $0x1E00  }
0x3c: {  	[sflag:s13] =	ssyncset.done $0x0  }
0x3d: {  	s29 =	simm.s32 $0x0;
	[sflag:s13] =	ssyncadd.s32 $0xFFFFE200  }
0x3e: {  	[tilespmem:s29], [sflag:$0x2] =	stream.linear.gather [hbm4b:s9+s29], $0x5000, $0x38;
	[tilespmem:$0x1BEE0] =	vst v63  }
0x3f: {  	_ =	swait.ge [sflag:s13], $0x5000  }
0x40: {  	[sflag:s13] =	ssyncset.done $0x0  }
0x41: {  	[sflag:s13] =	ssyncadd.s32 $0xFFFFB000  }
0x42: {  	[spmem:s15], [sflag:s14] =	dma.local [hbm:s7], $0x1E00  }
0x43: {  	_ =	swait.ge [sflag:s13], $0x1E00  }
0x44: {  	[sflag:s13] =	ssyncset.done $0x0  }
0x45: {  	[sflag:s13] =	ssyncadd.s32 $0xFFFFE200  }
0x46: {  	s30 =	simm.s32 $0x0;
	[bflag:$0x0] =	sbarrier.arrive $0xFFFF  }
0x47: {  	[tilespmem:s17], [sflag:$0x1] =	stream.indirect.gather [hbm4b:s4+s16], $0x60, s30, s16, $0xb8;
	[tilespmem:$0x1BEE0] =	vst v63  }
0x48: {  	_ =	swait.ge [sflag:s18], $0x2EE0  }
0x49: {  	[sflag:s18] =	ssyncset.done $0x0  }
0x4a: {  	s31 =	simm.s32 $0x5000;
	[sflag:s18] =	ssyncadd.s32 $0xFFFFD120  }
0x4b: {  	[spmem:s2] =	stream.indirect.scatter.add.f32 [tilespmem:s17], [sflag:$0x2], $0x60, s31, s16, $0xb8;
	[tilespmem:$0x1BEE0] =	vst v63  }
0x4c: {  	_ =	swait.ge [sflag:s13], $0x2EE0  }
0x4d: {  	s21 =	simm.s32 $0x400;
	s20 =	simm.s32 $0x200;
	[sflag:s13] =	ssyncset.done $0x0  }
.LBB2_4:
0x4e: {  	s22 =	sshra.s32 s20, $0x2  }
0x4f: {  	[sflag:s13] =	ssyncadd.s32 $0xFFFFD120;
	s20 =	smov.u32 s21;
	s23 =	sadd.s32 $0x200, s21  }
0x50: {  	[tilespmem:s17], [sflag:$0x1] =	stream.indirect.gather [hbm4b:s4+s16], $0x60, s22, s16, $0xb8;
	[tilespmem:$0x1BEE0] =	vst v63  }
0x51: {  	p0 =	sne.s32 s21, $0x13E00;
	_ =	swait.ge [sflag:s18], $0x2EE0  }
.Ltmp1:
0x52: {  	[sflag:s18] =	ssyncset.done $0x0;
	(pc) =	sbr.rel @p0 .LBB2_4-.Ltmp1, $4  }
0x53: {  	s21 =	sadd.s32 $0x5000, s22;
	[sflag:s18] =	ssyncadd.s32 $0xFFFFD120  }
0x54: {  	[spmem:s2] =	stream.indirect.scatter.add.f32 [tilespmem:s17], [sflag:$0x2], $0x60, s21, s16, $0xb8;
	[tilespmem:$0x1BEE0] =	vst v63  }
0x55: {  	_ =	swait.ge [sflag:s13], $0x2EE0  }
0x56: {  	s21 =	smov.u32 s23;
	[sflag:s13] =	ssyncset.done $0x0  }
0x57: {  	s20 =	sshra.s32 s20, $0x2;
	[sflag:s13] =	ssyncadd.s32 $0xFFFFD120  }
0x58: {  	[tilespmem:s17], [sflag:$0x1] =	stream.indirect.gather [hbm4b:s4+s16], $0x60, s20, s16, $0xb8;
	[tilespmem:$0x1BEE0] =	vst v63  }
0x59: {  	_ =	swait.ge [sflag:s18], $0x2EE0  }
0x5a: {  	[sflag:s18] =	ssyncset.done $0x0  }
0x5b: {  	s20 =	sadd.s32 $0x5000, s20;
	[sflag:s18] =	ssyncadd.s32 $0xFFFFD120  }
0x5c: {  	[spmem:s2] =	stream.indirect.scatter.add.f32 [tilespmem:s17], [sflag:$0x2], $0x60, s20, s16, $0xb8;
	[tilespmem:$0x1BEE0] =	vst v63  }
0x5d: {  	_ =	swait.ge [sflag:s13], $0x2EE0  }
0x5e: {  	s19 =	sadd.s32 $0x1, s19;
	[sflag:s13] =	ssyncset.done $0x0  }
0x5f: {  	p0 =	sne.s32 s19, s11;
	[sflag:s13] =	ssyncadd.s32 $0xFFFFD120  }
.Ltmp2:
0x60: {  	[bflag:$0x0] =	sbarrier.arrive $0xFFFF;
	(pc) =	sbr.rel @p0 .LBB2_1-.Ltmp2, $4  }
0x61: {  	[hbm:s10], [sflag:s14] =	dma.local [spmem:s15], $0x1E00  }
0x62: {  	_ =	swait.ge [sflag:s13], $0x1E00  }
0x63: {  	[sflag:s13] =	ssyncset.done $0x0  }
0x64: {  	[sflag:s13] =	ssyncadd.s32 $0xFFFFE200  }
0x65: {  	_ =	sfence.sel $0x180000  }
0x66: {  	[bflag:$0x0] =	sbarrier.arrive $0xFFFF  }
0x67: {  	p0 =	sne.s32 s1, $0x0;
	_ =	strace $0x90000050  }
0x68: {  	s0 =	sadd.s32 @!p0 $0x100000, s0;
	[bflag:$0x2] =	sbarrier.arrive $0xFFFF  }
0x69: {  	[sflag:s0] =	ssyncadd.tile.s32 @!p0 $0x1;
	_ =	shalt  }
.Lfunc_end2:
_tile_overlayer_lowered:
.L_overlay_start_2:
0x6a: {  	(tag) =	ssettag $0x2  }
0x6b: {  	s0 =	rddreg [dreg:$0x0];
	s2 =	stileid.u32  }
0x6c: {  	s1 =	rddreg [dreg:$0x1];
	p0 =	sne.s32 s2, $0x0  }
0x6d: {  	s3 =	rddreg [dreg:$0x2];
	[bflag:$0x3] =	sbarrier.arrive $0xFFFF;
	s2 =	simm.s32 @!p0 $0x1C02  }
0x6e: {  	[timem:s3], [sflag:s2] =	dma.local @!p0 [hbm:s0], s1  }
0x6f: {  	s0 =	simm.s32 @!p0 $0x2  }
0x70: {  	_ =	swait.ge @!p0 [sflag:s0], s1  }
0x71: {  	s1 =	ssub.s32 @!p0 $0x0, s1;
	[sflag:s0] =	ssyncset.done @!p0 $0x0  }
0x72: {  	[sflag:s0] =	ssyncadd.s32 @!p0 s1  }
0x73: {  	[bflag:$0x3] =	sbarrier.arrive $0xFFFF  }
0x74: {  	_ =	shalt  }

</sc_bundles>
